<compile_context>
chip_gen: v7x
topology: tpu7x:2x2x1
jax: 0.10.2.dev20260603
libtpu: 0.0.44.dev20260713+nightly
codegen_flags: <defaults>
</compile_context>

<pallas_src>
import functools

import jax
import jax.numpy as jnp
from jax import lax
from jax.experimental import pallas as pl
from jax.experimental.pallas import tpu as pltpu
from jax.experimental.pallas import tpu_sc as plsc

N = 10000
E = 320000
D = 128
DE = 16
H = 128

NC = 2
NS = 16
NW = NC * NS

EPW = E // NW
CW = 80
NCH = EPW // CW

NPAD = 10240
RPT = NPAD // NS

_mesh = plsc.VectorSubcoreMesh(core_axis_name="c", subcore_axis_name="s")


def _proj_body(x_ref, wa_ref, wb_ref, xa_ref, xb_ref):
    xv = x_ref[...]
    xa_ref[...] = jnp.dot(xv, wa_ref[...], preferred_element_type=jnp.float32)
    xb_ref[...] = jnp.dot(xv, wb_ref[...], preferred_element_type=jnp.float32)


def _proj(x, wa, wb):
    blk = 1000
    return pl.pallas_call(
        _proj_body,
        grid=(N // blk,),
        in_specs=[
            pl.BlockSpec((blk, D), lambda i: (i, 0)),
            pl.BlockSpec((D, H), lambda i: (0, 0)),
            pl.BlockSpec((D, H), lambda i: (0, 0)),
        ],
        out_specs=[
            pl.BlockSpec((blk, H), lambda i: (i, 0)),
            pl.BlockSpec((blk, H), lambda i: (i, 0)),
        ],
        out_shape=[
            jax.ShapeDtypeStruct((N, H), jnp.float32),
            jax.ShapeDtypeStruct((N, H), jnp.float32),
        ],
    )(x, wa, wb)


@functools.partial(
    pl.kernel,
    mesh=_mesh,
    out_type=jax.ShapeDtypeStruct((E, H), jnp.float32),
    scratch_types=[
        pltpu.VMEM((NCH, CW), jnp.int32),
        pltpu.VMEM((NCH, CW), jnp.int32),
        [pltpu.VMEM((CW, H), jnp.float32)] * 2,
        [pltpu.VMEM((CW, H), jnp.float32)] * 2,
        [pltpu.VMEM((CW, H), jnp.float32)] * 2,
        [pltpu.SemaphoreType.DMA] * 2,
        [pltpu.SemaphoreType.DMA] * 2,
    ],
)
def _gather_k(xa_hbm, xb_hbm, row2_hbm, col2_hbm, g_hbm, ridx, cidx,
              ra, rb, go, semA, semO):
    cid = lax.axis_index("c")
    sid = lax.axis_index("s")
    wid = sid * NC + cid
    pltpu.sync_copy(row2_hbm.at[wid], ridx)
    pltpu.sync_copy(col2_hbm.at[wid], cidx)

    def start_gather(j, b):
        pltpu.async_copy(xa_hbm.at[ridx.at[j]], ra[b], semA[b])
        pltpu.async_copy(xb_hbm.at[cidx.at[j]], rb[b], semA[b])

    def wait_gather(j, b):
        pltpu.make_async_copy(xa_hbm.at[ridx.at[j]], ra[b], semA[b]).wait()
        pltpu.make_async_copy(xb_hbm.at[cidx.at[j]], rb[b], semA[b]).wait()

    def out_copy(j, b):
        return pltpu.make_async_copy(
            go[b], g_hbm.at[pl.ds(wid * EPW + j * CW, CW)], semO[b])

    def add_rows(b):
        def addrow(r, __):
            for t in range(H // 16):
                sl = pl.ds(t * 16, 16)
                go[b][r, sl] = ra[b][r, sl] + rb[b][r, sl]
            return 0

        lax.fori_loop(0, CW, addrow, 0)

    start_gather(0, 0)
    start_gather(1, 1)

    def step(j, b):
        wait_gather(j, b)

        @pl.when(j >= 2)
        def _():
            out_copy(j - 2, b).wait()

        add_rows(b)

        @pl.when(j + 2 < NCH)
        def _():
            start_gather(j + 2, b)

        out_copy(j, b).start()

    def outer(i, _):
        step(2 * i, 0)
        step(2 * i + 1, 1)
        return 0

    lax.fori_loop(0, (NCH - 1) // 2, outer, 0)
    step(NCH - 1, 0)
    out_copy(NCH - 1, 0).wait()
    out_copy(NCH - 2, 1).wait()


def _edge_body(g_ref, ea_ref, wc_ref, b1_ref, w2_ref, b2_ref, ne_ref):
    h = g_ref[...] + jnp.dot(ea_ref[...], wc_ref[...],
                             preferred_element_type=jnp.float32) + b1_ref[...]
    h = jnp.maximum(h, 0.0)
    ne_ref[...] = jnp.dot(h, w2_ref[...],
                          preferred_element_type=jnp.float32) + b2_ref[...]


def _edge_mlp(g, ea, wc, b1e, w2, b2e):
    blk = 2000
    return pl.pallas_call(
        _edge_body,
        grid=(E // blk,),
        in_specs=[
            pl.BlockSpec((blk, H), lambda i: (i, 0)),
            pl.BlockSpec((blk, DE), lambda i: (i, 0)),
            pl.BlockSpec((DE, H), lambda i: (0, 0)),
            pl.BlockSpec((1, H), lambda i: (0, 0)),
            pl.BlockSpec((H, DE), lambda i: (0, 0)),
            pl.BlockSpec((1, DE), lambda i: (0, 0)),
        ],
        out_specs=pl.BlockSpec((blk, DE), lambda i: (i, 0)),
        out_shape=jax.ShapeDtypeStruct((E, DE), jnp.float32),
    )(g, ea, wc, b1e.reshape(1, H), w2, b2e.reshape(1, DE))


@functools.partial(
    pl.kernel,
    mesh=_mesh,
    out_type=jax.ShapeDtypeStruct((NC, NPAD, DE), jnp.float32),
    scratch_types=[
        pltpu.VMEM((NCH, CW), jnp.int32),
        [pltpu.VMEM((CW, DE), jnp.float32)] * 4,
        pltpu.VMEM((RPT, DE), jnp.float32),
        pltpu.VMEM_SHARED((NPAD, DE), jnp.float32),
        [pltpu.SemaphoreType.DMA] * 4,
        [pltpu.SemaphoreType.DMA] * 4,
    ],
    compiler_params=pltpu.CompilerParams(use_tc_tiling_on_sc=False),
)
def _scatter_k(ne_hbm, col2_hbm, out_hbm, cidx, upd, zbuf, agg_sh, semI, semS):
    cid = lax.axis_index("c")
    sid = lax.axis_index("s")
    wid = sid * NC + cid

    @pl.when(sid == 0)
    def _zero():
        def zrow(i, _):
            zbuf[i, :] = jnp.zeros((DE,), jnp.float32)
            return 0

        lax.fori_loop(0, RPT, zrow, 0)
        for k in range(NS):
            pltpu.sync_copy(zbuf, agg_sh.at[pl.ds(k * RPT, RPT)])

    pltpu.sync_copy(col2_hbm.at[wid], cidx)
    plsc.subcore_barrier()

    def in_copy(j, b):
        return pltpu.make_async_copy(
            ne_hbm.at[pl.ds(wid * EPW + j * CW, CW)], upd[b], semI[b])

    def sadd(j, b):
        return pltpu.make_async_copy(upd[b], agg_sh.at[cidx.at[j]], semS[b])

    for b in range(3):
        in_copy(b, b).start()

    def step(j, b):
        in_copy(j, b).wait()

        bp = (b - 1) % 4

        @pl.when(j >= 1)
        def _():
            sadd(j - 1, bp).wait()

        pltpu.async_copy(upd[b], agg_sh.at[cidx.at[j]], semS[b], add=True)

        @pl.when(j + 3 < NCH)
        def _():
            in_copy(j + 3, bp).start()

    def outer(i, _):
        for b in range(4):
            step(4 * i + b, b)
        return 0

    lax.fori_loop(0, NCH // 4, outer, 0)
    step(NCH - 1, 0)
    sadd(NCH - 1, 0).wait()
    plsc.subcore_barrier()

    @pl.when(sid == 0)
    def _out():
        for k in range(NS):
            pltpu.sync_copy(agg_sh.at[pl.ds(k * RPT, RPT)], zbuf)
            pltpu.sync_copy(zbuf, out_hbm.at[cid, pl.ds(k * RPT, RPT)])


def _node_body(x_ref, p0_ref, p1_ref, wx_ref, wa_ref, b_ref, out_ref):
    agg = p0_ref[...] + p1_ref[...]
    h = (jnp.dot(x_ref[...], wx_ref[...], preferred_element_type=jnp.float32)
         + jnp.dot(agg, wa_ref[...], preferred_element_type=jnp.float32)
         + b_ref[...])
    out_ref[...] = jnp.maximum(h, 0.0)


def _node_mlp(x, p0, p1, wx, wa, b1n):
    blk = 1000
    return pl.pallas_call(
        _node_body,
        grid=(N // blk,),
        in_specs=[
            pl.BlockSpec((blk, D), lambda i: (i, 0)),
            pl.BlockSpec((blk, DE), lambda i: (i, 0)),
            pl.BlockSpec((blk, DE), lambda i: (i, 0)),
            pl.BlockSpec((D, H), lambda i: (0, 0)),
            pl.BlockSpec((DE, H), lambda i: (0, 0)),
            pl.BlockSpec((1, H), lambda i: (0, 0)),
        ],
        out_specs=pl.BlockSpec((blk, H), lambda i: (i, 0)),
        out_shape=jax.ShapeDtypeStruct((N, H), jnp.float32),
    )(x, p0, p1, wx, wa, b1n.reshape(1, H))


def kernel(x, edge_index, edge_attr, W1e, b1e, W2e, b2e, W1n, b1n):
    row = edge_index[0]
    col = edge_index[1]
    row2 = row.reshape(NW, NCH, CW)
    col2 = col.reshape(NW, NCH, CW)

    wa = W1e[:D]
    wb = W1e[D:2 * D]
    wc = W1e[2 * D:]

    xa, xb = _proj(x, wa, wb)
    g = _gather_k(xa, xb, row2, col2)
    ne = _edge_mlp(g, edge_attr, wc, b1e, W2e, b2e)
    parts = _scatter_k(ne, col2)
    new_x = _node_mlp(x, parts[0, :N], parts[1, :N], W1n[:D], W1n[D:], b1n)
    return (new_x, ne)

# --- scband reference (transcript-rebuilt; emitter-appended) ---
"""Pipeline reference for scband-meta-layer-9955734192752 (READ-ONLY COPY).

The authoritative reference and input builder live on the scoring server;
editing this copy changes nothing except your own understanding.
"""

import jax, jax.numpy as jnp
import numpy as np

N = 10000
E = 320000
D = 128
DE = 16
H = 128

def setup_inputs(seed: int = 0) -> dict:
    key = jax.random.key(seed)
    ks = jax.random.split(key, 10)
    x = jax.random.normal(ks[0], (N, D), dtype=jnp.float32)
    edge_index = jax.random.randint(ks[1], (2, E), 0, N, dtype=jnp.int32)
    edge_attr = jax.random.normal(ks[2], (E, DE), dtype=jnp.float32)
    # edge model params: MLP(2*D + DE -> H -> DE)
    W1e = jax.random.normal(ks[3], (2 * D + DE, H), dtype=jnp.float32) * 0.05
    b1e = jnp.zeros((H,), dtype=jnp.float32)
    W2e = jax.random.normal(ks[4], (H, DE), dtype=jnp.float32) * 0.05
    b2e = jnp.zeros((DE,), dtype=jnp.float32)
    # node model params: MLP(D + DE -> H)
    W1n = jax.random.normal(ks[5], (D + DE, H), dtype=jnp.float32) * 0.05
    b1n = jnp.zeros((H,), dtype=jnp.float32)
    return {"x": x, "edge_index": edge_index, "edge_attr": edge_attr,
            "W1e": W1e, "b1e": b1e, "W2e": W2e, "b2e": b2e,
            "W1n": W1n, "b1n": b1n}

def reference(x, edge_index, edge_attr, W1e, b1e, W2e, b2e, W1n, b1n):
    # MetaLayer with single node type 'n' and single edge type ('n','n')
    row = edge_index[0]
    col = edge_index[1]
    # edge update: gather endpoint features, run edge MLP
    x1 = jnp.take(x, row, axis=0)
    x2 = jnp.take(x, col, axis=0)
    h = jnp.concatenate([x1, x2, edge_attr], axis=-1)
    h = jax.nn.relu(h @ W1e + b1e)
    new_edge_attr = h @ W2e + b2e
    # node update: scatter-add updated edge attrs to destination nodes, then node MLP
    agg = jax.ops.segment_sum(new_edge_attr, col, num_segments=N)
    hn = jnp.concatenate([x, agg], axis=-1)
    new_x = jax.nn.relu(hn @ W1n + b1n)
    return (new_x, new_edge_attr)

if __name__ == "__main__":
    import jax
    _d = setup_inputs()
    print(jax.jit(kernel)(*tuple(_d.values())))

</pallas_src>

<mosaic_0001>
#map = affine_map<(d0, d1) -> (0, 0)>
#map1 = affine_map<(d0, d1) -> (0, 0, 0)>
module attributes {stable_mosaic.version = 14 : i64} {
  func.func @_scatter_k(%arg0: i32, %arg1: i32, %arg2: memref<320000x16xf32, #tpu.memory_space<hbm>>, %arg3: memref<32x125x80xi32, #tpu.memory_space<hbm>>, %arg4: memref<2x10240x16xf32, #tpu.memory_space<hbm>>, %arg5: memref<125x80xi32, #tpu.memory_space<vmem>>, %arg6: memref<80x16xf32, #tpu.memory_space<vmem>>, %arg7: memref<80x16xf32, #tpu.memory_space<vmem>>, %arg8: memref<80x16xf32, #tpu.memory_space<vmem>>, %arg9: memref<80x16xf32, #tpu.memory_space<vmem>>, %arg10: memref<640x16xf32, #tpu.memory_space<vmem>>, %arg11: memref<10240x16xf32, #tpu.memory_space<vmem_shared>>, %arg12: memref<!tpu.dma_semaphore, #tpu.memory_space<semaphore_mem>>, %arg13: memref<!tpu.dma_semaphore, #tpu.memory_space<semaphore_mem>>, %arg14: memref<!tpu.dma_semaphore, #tpu.memory_space<semaphore_mem>>, %arg15: memref<!tpu.dma_semaphore, #tpu.memory_space<semaphore_mem>>, %arg16: memref<!tpu.dma_semaphore, #tpu.memory_space<semaphore_mem>>, %arg17: memref<!tpu.dma_semaphore, #tpu.memory_space<semaphore_mem>>, %arg18: memref<!tpu.dma_semaphore, #tpu.memory_space<semaphore_mem>>, %arg19: memref<!tpu.dma_semaphore, #tpu.memory_space<semaphore_mem>>) attributes {dimension_semantics = [#tpu.dimension_semantics<core_parallel>, #tpu.dimension_semantics<subcore_parallel>], iteration_bounds = array<i64: 2, 16>, scalar_prefetch = 0 : i64, scratch_operands = 15 : i64, tpu.core_type = #tpu.core_type<sc_vector_subcore>, window_params = [{transform_indices = #map}, {transform_indices = #map1}, {transform_indices = #map1}]} {
    %mul3A = arith.constant 2 : i32
    %mul3A_0 = arith.muli %arg1, %mul3A : i32
    %add3A = arith.addi %mul3A_0, %arg0 : i32
    %eq3A = arith.constant 0 : i32
    %eq3A_1 = arith.cmpi eq, %arg1, %eq3A : i32
    %convert_element_type3A = arith.extui %eq3A_1 : i1 to i32
    %cond3A = arith.constant 0 : i32
    %cond3A_2 = arith.cmpi ne, %convert_element_type3A, %cond3A : i32
    scf.if %cond3A_2 {
      %scan3A_66 = arith.constant 0 : i32
      %scan3A_67 = arith.constant 0 : i32
      %scan3A_68 = arith.constant 640 : i32
      %scan3A_69 = arith.addi %scan3A_67, %scan3A_68 : i32
      %scan3A_70 = arith.constant 1 : i32
      %scan3A_71 = scf.for %scan3A_73 = %scan3A_67 to %scan3A_69 step %scan3A_70 iter_args(%scan3A_74 = %scan3A_66) -> (i32)  : i32 {
        %broadcast_in_dim3A = arith.constant 0.000000e+00 : f32
        %broadcast_in_dim3A_75 = vector.broadcast %broadcast_in_dim3A : f32 to vector<16xf32>
        %swap3A = arith.index_cast %scan3A_73 : i32 to index
        %swap3A_76 = arith.constant 0 : index
        %swap3A_77 = tpu.vector_load %arg10[%swap3A, %swap3A_76] {strides = array<i32>} : memref<640x16xf32, #tpu.memory_space<vmem>>, vector<1x16xf32>,
        %swap3A_78 = vector.shape_cast %swap3A_77 : vector<1x16xf32> to vector<16xf32>
        %swap3A_79 = vector.shape_cast %broadcast_in_dim3A_75 : vector<16xf32> to vector<1x16xf32>
        tpu.vector_store %arg10[%swap3A, %swap3A_76], %swap3A_79 {strides = array<i32>} : memref<640x16xf32, #tpu.memory_space<vmem>>, vector<1x16xf32>,
        %scan3A_80 = arith.constant 0 : i32
        scf.yield %scan3A_80 : i32
      }
      %scan3A_72 = arith.constant 640 : i32
      "tpu.region"() ({
        %run_scoped3A = tpu.sem_alloc : memref<!tpu.dma_semaphore, #tpu.memory_space<semaphore_mem>>
        %dma_start3A_73 = arith.constant 0 : i32
        %dma_start3A_74 = arith.constant 0 : i32
        %dma_start3A_75 = tpu.memref_slice %arg11[%dma_start3A_73, %dma_start3A_74] : memref<10240x16xf32, #tpu.memory_space<vmem_shared>> -> memref<640x16xf32, #tpu.memory_space<vmem_shared>>
        %dma_start3A_76 = arith.constant 0 : i32
        %dma_start3A_77 = arith.constant 0 : i32
        %dma_start3A_78 = tpu.memref_slice %arg11[%dma_start3A_76, %dma_start3A_77] : memref<10240x16xf32, #tpu.memory_space<vmem_shared>> -> memref<640x16xf32, #tpu.memory_space<vmem_shared>>
        tpu.enqueue_dma source(%arg10 : memref<640x16xf32, #tpu.memory_space<vmem>>) target(%dma_start3A_78 : memref<640x16xf32, #tpu.memory_space<vmem_shared>>) target_semaphore(%run_scoped3A : memref<!tpu.dma_semaphore, #tpu.memory_space<semaphore_mem>>)
        %dma_wait3A_79 = arith.constant 0 : i32
        %dma_wait3A_80 = arith.constant 0 : i32
        %dma_wait3A_81 = tpu.memref_slice %arg11[%dma_wait3A_79, %dma_wait3A_80] : memref<10240x16xf32, #tpu.memory_space<vmem_shared>> -> memref<640x16xf32, #tpu.memory_space<vmem_shared>>
        %dma_wait3A_82 = arith.constant 0 : i32
        %dma_wait3A_83 = arith.constant 0 : i32
        %dma_wait3A_84 = tpu.memref_slice %arg11[%dma_wait3A_82, %dma_wait3A_83] : memref<10240x16xf32, #tpu.memory_space<vmem_shared>> -> memref<640x16xf32, #tpu.memory_space<vmem_shared>>
        tpu.wait_dma2 semaphore(%run_scoped3A : memref<!tpu.dma_semaphore, #tpu.memory_space<semaphore_mem>>) src(%arg10 : memref<640x16xf32, #tpu.memory_space<vmem>>) dst(%dma_wait3A_84 : memref<640x16xf32, #tpu.memory_space<vmem_shared>>)
        tpu.yield
      }) : () -> ()
      "tpu.region"() ({
        %run_scoped3A = tpu.sem_alloc : memref<!tpu.dma_semaphore, #tpu.memory_space<semaphore_mem>>
        %dma_start3A_73 = arith.constant 640 : i32
        %dma_start3A_74 = arith.constant 0 : i32
        %dma_start3A_75 = tpu.memref_slice %arg11[%dma_start3A_73, %dma_start3A_74] : memref<10240x16xf32, #tpu.memory_space<vmem_shared>> -> memref<640x16xf32, #tpu.memory_space<vmem_shared>>
        %dma_start3A_76 = arith.constant 640 : i32
        %dma_start3A_77 = arith.constant 0 : i32
        %dma_start3A_78 = tpu.memref_slice %arg11[%dma_start3A_76, %dma_start3A_77] : memref<10240x16xf32, #tpu.memory_space<vmem_shared>> -> memref<640x16xf32, #tpu.memory_space<vmem_shared>>
        tpu.enqueue_dma source(%arg10 : memref<640x16xf32, #tpu.memory_space<vmem>>) target(%dma_start3A_78 : memref<640x16xf32, #tpu.memory_space<vmem_shared>>) target_semaphore(%run_scoped3A : memref<!tpu.dma_semaphore, #tpu.memory_space<semaphore_mem>>)
        %dma_wait3A_79 = arith.constant 640 : i32
        %dma_wait3A_80 = arith.constant 0 : i32
        %dma_wait3A_81 = tpu.memref_slice %arg11[%dma_wait3A_79, %dma_wait3A_80] : memref<10240x16xf32, #tpu.memory_space<vmem_shared>> -> memref<640x16xf32, #tpu.memory_space<vmem_shared>>
        %dma_wait3A_82 = arith.constant 640 : i32
        %dma_wait3A_83 = arith.constant 0 : i32
        %dma_wait3A_84 = tpu.memref_slice %arg11[%dma_wait3A_82, %dma_wait3A_83] : memref<10240x16xf32, #tpu.memory_space<vmem_shared>> -> memref<640x16xf32, #tpu.memory_space<vmem_shared>>
        tpu.wait_dma2 semaphore(%run_scoped3A : memref<!tpu.dma_semaphore, #tpu.memory_space<semaphore_mem>>) src(%arg10 : memref<640x16xf32, #tpu.memory_space<vmem>>) dst(%dma_wait3A_84 : memref<640x16xf32, #tpu.memory_space<vmem_shared>>)
        tpu.yield
      }) : () -> ()
      "tpu.region"() ({
        %run_scoped3A = tpu.sem_alloc : memref<!tpu.dma_semaphore, #tpu.memory_space<semaphore_mem>>
        %dma_start3A_73 = arith.constant 1280 : i32
        %dma_start3A_74 = arith.constant 0 : i32
        %dma_start3A_75 = tpu.memref_slice %arg11[%dma_start3A_73, %dma_start3A_74] : memref<10240x16xf32, #tpu.memory_space<vmem_shared>> -> memref<640x16xf32, #tpu.memory_space<vmem_shared>>
        %dma_start3A_76 = arith.constant 1280 : i32
        %dma_start3A_77 = arith.constant 0 : i32
        %dma_start3A_78 = tpu.memref_slice %arg11[%dma_start3A_76, %dma_start3A_77] : memref<10240x16xf32, #tpu.memory_space<vmem_shared>> -> memref<640x16xf32, #tpu.memory_space<vmem_shared>>
        tpu.enqueue_dma source(%arg10 : memref<640x16xf32, #tpu.memory_space<vmem>>) target(%dma_start3A_78 : memref<640x16xf32, #tpu.memory_space<vmem_shared>>) target_semaphore(%run_scoped3A : memref<!tpu.dma_semaphore, #tpu.memory_space<semaphore_mem>>)
        %dma_wait3A_79 = arith.constant 1280 : i32
        %dma_wait3A_80 = arith.constant 0 : i32
        %dma_wait3A_81 = tpu.memref_slice %arg11[%dma_wait3A_79, %dma_wait3A_80] : memref<10240x16xf32, #tpu.memory_space<vmem_shared>> -> memref<640x16xf32, #tpu.memory_space<vmem_shared>>
        %dma_wait3A_82 = arith.constant 1280 : i32
        %dma_wait3A_83 = arith.constant 0 : i32
        %dma_wait3A_84 = tpu.memref_slice %arg11[%dma_wait3A_82, %dma_wait3A_83] : memref<10240x16xf32, #tpu.memory_space<vmem_shared>> -> memref<640x16xf32, #tpu.memory_space<vmem_shared>>
        tpu.wait_dma2 semaphore(%run_scoped3A : memref<!tpu.dma_semaphore, #tpu.memory_space<semaphore_mem>>) src(%arg10 : memref<640x16xf32, #tpu.memory_space<vmem>>) dst(%dma_wait3A_84 : memref<640x16xf32, #tpu.memory_space<vmem_shared>>)
        tpu.yield
      }) : () -> ()
      "tpu.region"() ({
        %run_scoped3A = tpu.sem_alloc : memref<!tpu.dma_semaphore, #tpu.memory_space<semaphore_mem>>
        %dma_start3A_73 = arith.constant 1920 : i32
        %dma_start3A_74 = arith.constant 0 : i32
        %dma_start3A_75 = tpu.memref_slice %arg11[%dma_start3A_73, %dma_start3A_74] : memref<10240x16xf32, #tpu.memory_space<vmem_shared>> -> memref<640x16xf32, #tpu.memory_space<vmem_shared>>
        %dma_start3A_76 = arith.constant 1920 : i32
        %dma_start3A_77 = arith.constant 0 : i32
        %dma_start3A_78 = tpu.memref_slice %arg11[%dma_start3A_76, %dma_start3A_77] : memref<10240x16xf32, #tpu.memory_space<vmem_shared>> -> memref<640x16xf32, #tpu.memory_space<vmem_shared>>
        tpu.enqueue_dma source(%arg10 : memref<640x16xf32, #tpu.memory_space<vmem>>) target(%dma_start3A_78 : memref<640x16xf32, #tpu.memory_space<vmem_shared>>) target_semaphore(%run_scoped3A : memref<!tpu.dma_semaphore, #tpu.memory_space<semaphore_mem>>)
        %dma_wait3A_79 = arith.constant 1920 : i32
        %dma_wait3A_80 = arith.constant 0 : i32
        %dma_wait3A_81 = tpu.memref_slice %arg11[%dma_wait3A_79, %dma_wait3A_80] : memref<10240x16xf32, #tpu.memory_space<vmem_shared>> -> memref<640x16xf32, #tpu.memory_space<vmem_shared>>
        %dma_wait3A_82 = arith.constant 1920 : i32
        %dma_wait3A_83 = arith.constant 0 : i32
        %dma_wait3A_84 = tpu.memref_slice %arg11[%dma_wait3A_82, %dma_wait3A_83] : memref<10240x16xf32, #tpu.memory_space<vmem_shared>> -> memref<640x16xf32, #tpu.memory_space<vmem_shared>>
        tpu.wait_dma2 semaphore(%run_scoped3A : memref<!tpu.dma_semaphore, #tpu.memory_space<semaphore_mem>>) src(%arg10 : memref<640x16xf32, #tpu.memory_space<vmem>>) dst(%dma_wait3A_84 : memref<640x16xf32, #tpu.memory_space<vmem_shared>>)
        tpu.yield
      }) : () -> ()
      "tpu.region"() ({
        %run_scoped3A = tpu.sem_alloc : memref<!tpu.dma_semaphore, #tpu.memory_space<semaphore_mem>>
        %dma_start3A_73 = arith.constant 2560 : i32
        %dma_start3A_74 = arith.constant 0 : i32
        %dma_start3A_75 = tpu.memref_slice %arg11[%dma_start3A_73, %dma_start3A_74] : memref<10240x16xf32, #tpu.memory_space<vmem_shared>> -> memref<640x16xf32, #tpu.memory_space<vmem_shared>>
        %dma_start3A_76 = arith.constant 2560 : i32
        %dma_start3A_77 = arith.constant 0 : i32
        %dma_start3A_78 = tpu.memref_slice %arg11[%dma_start3A_76, %dma_start3A_77] : memref<10240x16xf32, #tpu.memory_space<vmem_shared>> -> memref<640x16xf32, #tpu.memory_space<vmem_shared>>
        tpu.enqueue_dma source(%arg10 : memref<640x16xf32, #tpu.memory_space<vmem>>) target(%dma_start3A_78 : memref<640x16xf32, #tpu.memory_space<vmem_shared>>) target_semaphore(%run_scoped3A : memref<!tpu.dma_semaphore, #tpu.memory_space<semaphore_mem>>)
        %dma_wait3A_79 = arith.constant 2560 : i32
        %dma_wait3A_80 = arith.constant 0 : i32
        %dma_wait3A_81 = tpu.memref_slice %arg11[%dma_wait3A_79, %dma_wait3A_80] : memref<10240x16xf32, #tpu.memory_space<vmem_shared>> -> memref<640x16xf32, #tpu.memory_space<vmem_shared>>
        %dma_wait3A_82 = arith.constant 2560 : i32
        %dma_wait3A_83 = arith.constant 0 : i32
        %dma_wait3A_84 = tpu.memref_slice %arg11[%dma_wait3A_82, %dma_wait3A_83] : memref<10240x16xf32, #tpu.memory_space<vmem_shared>> -> memref<640x16xf32, #tpu.memory_space<vmem_shared>>
        tpu.wait_dma2 semaphore(%run_scoped3A : memref<!tpu.dma_semaphore, #tpu.memory_space<semaphore_mem>>) src(%arg10 : memref<640x16xf32, #tpu.memory_space<vmem>>) dst(%dma_wait3A_84 : memref<640x16xf32, #tpu.memory_space<vmem_shared>>)
        tpu.yield
      }) : () -> ()
      "tpu.region"() ({
        %run_scoped3A = tpu.sem_alloc : memref<!tpu.dma_semaphore, #tpu.memory_space<semaphore_mem>>
        %dma_start3A_73 = arith.constant 3200 : i32
        %dma_start3A_74 = arith.constant 0 : i32
        %dma_start3A_75 = tpu.memref_slice %arg11[%dma_start3A_73, %dma_start3A_74] : memref<10240x16xf32, #tpu.memory_space<vmem_shared>> -> memref<640x16xf32, #tpu.memory_space<vmem_shared>>
        %dma_start3A_76 = arith.constant 3200 : i32
        %dma_start3A_77 = arith.constant 0 : i32
        %dma_start3A_78 = tpu.memref_slice %arg11[%dma_start3A_76, %dma_start3A_77] : memref<10240x16xf32, #tpu.memory_space<vmem_shared>> -> memref<640x16xf32, #tpu.memory_space<vmem_shared>>
        tpu.enqueue_dma source(%arg10 : memref<640x16xf32, #tpu.memory_space<vmem>>) target(%dma_start3A_78 : memref<640x16xf32, #tpu.memory_space<vmem_shared>>) target_semaphore(%run_scoped3A : memref<!tpu.dma_semaphore, #tpu.memory_space<semaphore_mem>>)
        %dma_wait3A_79 = arith.constant 3200 : i32
        %dma_wait3A_80 = arith.constant 0 : i32
        %dma_wait3A_81 = tpu.memref_slice %arg11[%dma_wait3A_79, %dma_wait3A_80] : memref<10240x16xf32, #tpu.memory_space<vmem_shared>> -> memref<640x16xf32, #tpu.memory_space<vmem_shared>>
        %dma_wait3A_82 = arith.constant 3200 : i32
        %dma_wait3A_83 = arith.constant 0 : i32
        %dma_wait3A_84 = tpu.memref_slice %arg11[%dma_wait3A_82, %dma_wait3A_83] : memref<10240x16xf32, #tpu.memory_space<vmem_shared>> -> memref<640x16xf32, #tpu.memory_space<vmem_shared>>
        tpu.wait_dma2 semaphore(%run_scoped3A : memref<!tpu.dma_semaphore, #tpu.memory_space<semaphore_mem>>) src(%arg10 : memref<640x16xf32, #tpu.memory_space<vmem>>) dst(%dma_wait3A_84 : memref<640x16xf32, #tpu.memory_space<vmem_shared>>)
        tpu.yield
      }) : () -> ()
      "tpu.region"() ({
        %run_scoped3A = tpu.sem_alloc : memref<!tpu.dma_semaphore, #tpu.memory_space<semaphore_mem>>
        %dma_start3A_73 = arith.constant 3840 : i32
        %dma_start3A_74 = arith.constant 0 : i32
        %dma_start3A_75 = tpu.memref_slice %arg11[%dma_start3A_73, %dma_start3A_74] : memref<10240x16xf32, #tpu.memory_space<vmem_shared>> -> memref<640x16xf32, #tpu.memory_space<vmem_shared>>
        %dma_start3A_76 = arith.constant 3840 : i32
        %dma_start3A_77 = arith.constant 0 : i32
        %dma_start3A_78 = tpu.memref_slice %arg11[%dma_start3A_76, %dma_start3A_77] : memref<10240x16xf32, #tpu.memory_space<vmem_shared>> -> memref<640x16xf32, #tpu.memory_space<vmem_shared>>
        tpu.enqueue_dma source(%arg10 : memref<640x16xf32, #tpu.memory_space<vmem>>) target(%dma_start3A_78 : memref<640x16xf32, #tpu.memory_space<vmem_shared>>) target_semaphore(%run_scoped3A : memref<!tpu.dma_semaphore, #tpu.memory_space<semaphore_mem>>)
        %dma_wait3A_79 = arith.constant 3840 : i32
        %dma_wait3A_80 = arith.constant 0 : i32
        %dma_wait3A_81 = tpu.memref_slice %arg11[%dma_wait3A_79, %dma_wait3A_80] : memref<10240x16xf32, #tpu.memory_space<vmem_shared>> -> memref<640x16xf32, #tpu.memory_space<vmem_shared>>
        %dma_wait3A_82 = arith.constant 3840 : i32
        %dma_wait3A_83 = arith.constant 0 : i32
        %dma_wait3A_84 = tpu.memref_slice %arg11[%dma_wait3A_82, %dma_wait3A_83] : memref<10240x16xf32, #tpu.memory_space<vmem_shared>> -> memref<640x16xf32, #tpu.memory_space<vmem_shared>>
        tpu.wait_dma2 semaphore(%run_scoped3A : memref<!tpu.dma_semaphore, #tpu.memory_space<semaphore_mem>>) src(%arg10 : memref<640x16xf32, #tpu.memory_space<vmem>>) dst(%dma_wait3A_84 : memref<640x16xf32, #tpu.memory_space<vmem_shared>>)
        tpu.yield
      }) : () -> ()
      "tpu.region"() ({
        %run_scoped3A = tpu.sem_alloc : memref<!tpu.dma_semaphore, #tpu.memory_space<semaphore_mem>>
        %dma_start3A_73 = arith.constant 4480 : i32
        %dma_start3A_74 = arith.constant 0 : i32
        %dma_start3A_75 = tpu.memref_slice %arg11[%dma_start3A_73, %dma_start3A_74] : memref<10240x16xf32, #tpu.memory_space<vmem_shared>> -> memref<640x16xf32, #tpu.memory_space<vmem_shared>>
        %dma_start3A_76 = arith.constant 4480 : i32
        %dma_start3A_77 = arith.constant 0 : i32
        %dma_start3A_78 = tpu.memref_slice %arg11[%dma_start3A_76, %dma_start3A_77] : memref<10240x16xf32, #tpu.memory_space<vmem_shared>> -> memref<640x16xf32, #tpu.memory_space<vmem_shared>>
        tpu.enqueue_dma source(%arg10 : memref<640x16xf32, #tpu.memory_space<vmem>>) target(%dma_start3A_78 : memref<640x16xf32, #tpu.memory_space<vmem_shared>>) target_semaphore(%run_scoped3A : memref<!tpu.dma_semaphore, #tpu.memory_space<semaphore_mem>>)
        %dma_wait3A_79 = arith.constant 4480 : i32
        %dma_wait3A_80 = arith.constant 0 : i32
        %dma_wait3A_81 = tpu.memref_slice %arg11[%dma_wait3A_79, %dma_wait3A_80] : memref<10240x16xf32, #tpu.memory_space<vmem_shared>> -> memref<640x16xf32, #tpu.memory_space<vmem_shared>>
        %dma_wait3A_82 = arith.constant 4480 : i32
        %dma_wait3A_83 = arith.constant 0 : i32
        %dma_wait3A_84 = tpu.memref_slice %arg11[%dma_wait3A_82, %dma_wait3A_83] : memref<10240x16xf32, #tpu.memory_space<vmem_shared>> -> memref<640x16xf32, #tpu.memory_space<vmem_shared>>
        tpu.wait_dma2 semaphore(%run_scoped3A : memref<!tpu.dma_semaphore, #tpu.memory_space<semaphore_mem>>) src(%arg10 : memref<640x16xf32, #tpu.memory_space<vmem>>) dst(%dma_wait3A_84 : memref<640x16xf32, #tpu.memory_space<vmem_shared>>)
        tpu.yield
      }) : () -> ()
      "tpu.region"() ({
        %run_scoped3A = tpu.sem_alloc : memref<!tpu.dma_semaphore, #tpu.memory_space<semaphore_mem>>
        %dma_start3A_73 = arith.constant 5120 : i32
        %dma_start3A_74 = arith.constant 0 : i32
        %dma_start3A_75 = tpu.memref_slice %arg11[%dma_start3A_73, %dma_start3A_74] : memref<10240x16xf32, #tpu.memory_space<vmem_shared>> -> memref<640x16xf32, #tpu.memory_space<vmem_shared>>
        %dma_start3A_76 = arith.constant 5120 : i32
        %dma_start3A_77 = arith.constant 0 : i32
        %dma_start3A_78 = tpu.memref_slice %arg11[%dma_start3A_76, %dma_start3A_77] : memref<10240x16xf32, #tpu.memory_space<vmem_shared>> -> memref<640x16xf32, #tpu.memory_space<vmem_shared>>
        tpu.enqueue_dma source(%arg10 : memref<640x16xf32, #tpu.memory_space<vmem>>) target(%dma_start3A_78 : memref<640x16xf32, #tpu.memory_space<vmem_shared>>) target_semaphore(%run_scoped3A : memref<!tpu.dma_semaphore, #tpu.memory_space<semaphore_mem>>)
        %dma_wait3A_79 = arith.constant 5120 : i32
        %dma_wait3A_80 = arith.constant 0 : i32
        %dma_wait3A_81 = tpu.memref_slice %arg11[%dma_wait3A_79, %dma_wait3A_80] : memref<10240x16xf32, #tpu.memory_space<vmem_shared>> -> memref<640x16xf32, #tpu.memory_space<vmem_shared>>
        %dma_wait3A_82 = arith.constant 5120 : i32
        %dma_wait3A_83 = arith.constant 0 : i32
        %dma_wait3A_84 = tpu.memref_slice %arg11[%dma_wait3A_82, %dma_wait3A_83] : memref<10240x16xf32, #tpu.memory_space<vmem_shared>> -> memref<640x16xf32, #tpu.memory_space<vmem_shared>>
        tpu.wait_dma2 semaphore(%run_scoped3A : memref<!tpu.dma_semaphore, #tpu.memory_space<semaphore_mem>>) src(%arg10 : memref<640x16xf32, #tpu.memory_space<vmem>>) dst(%dma_wait3A_84 : memref<640x16xf32, #tpu.memory_space<vmem_shared>>)
        tpu.yield
      }) : () -> ()
      "tpu.region"() ({
        %run_scoped3A = tpu.sem_alloc : memref<!tpu.dma_semaphore, #tpu.memory_space<semaphore_mem>>
        %dma_start3A_73 = arith.constant 5760 : i32
        %dma_start3A_74 = arith.constant 0 : i32
        %dma_start3A_75 = tpu.memref_slice %arg11[%dma_start3A_73, %dma_start3A_74] : memref<10240x16xf32, #tpu.memory_space<vmem_shared>> -> memref<640x16xf32, #tpu.memory_space<vmem_shared>>
        %dma_start3A_76 = arith.constant 5760 : i32
        %dma_start3A_77 = arith.constant 0 : i32
        %dma_start3A_78 = tpu.memref_slice %arg11[%dma_start3A_76, %dma_start3A_77] : memref<10240x16xf32, #tpu.memory_space<vmem_shared>> -> memref<640x16xf32, #tpu.memory_space<vmem_shared>>
        tpu.enqueue_dma source(%arg10 : memref<640x16xf32, #tpu.memory_space<vmem>>) target(%dma_start3A_78 : memref<640x16xf32, #tpu.memory_space<vmem_shared>>) target_semaphore(%run_scoped3A : memref<!tpu.dma_semaphore, #tpu.memory_space<semaphore_mem>>)
        %dma_wait3A_79 = arith.constant 5760 : i32
        %dma_wait3A_80 = arith.constant 0 : i32
        %dma_wait3A_81 = tpu.memref_slice %arg11[%dma_wait3A_79, %dma_wait3A_80] : memref<10240x16xf32, #tpu.memory_space<vmem_shared>> -> memref<640x16xf32, #tpu.memory_space<vmem_shared>>
        %dma_wait3A_82 = arith.constant 5760 : i32
        %dma_wait3A_83 = arith.constant 0 : i32
        %dma_wait3A_84 = tpu.memref_slice %arg11[%dma_wait3A_82, %dma_wait3A_83] : memref<10240x16xf32, #tpu.memory_space<vmem_shared>> -> memref<640x16xf32, #tpu.memory_space<vmem_shared>>
        tpu.wait_dma2 semaphore(%run_scoped3A : memref<!tpu.dma_semaphore, #tpu.memory_space<semaphore_mem>>) src(%arg10 : memref<640x16xf32, #tpu.memory_space<vmem>>) dst(%dma_wait3A_84 : memref<640x16xf32, #tpu.memory_space<vmem_shared>>)
        tpu.yield
      }) : () -> ()
      "tpu.region"() ({
        %run_scoped3A = tpu.sem_alloc : memref<!tpu.dma_semaphore, #tpu.memory_space<semaphore_mem>>
        %dma_start3A_73 = arith.constant 6400 : i32
        %dma_start3A_74 = arith.constant 0 : i32
        %dma_start3A_75 = tpu.memref_slice %arg11[%dma_start3A_73, %dma_start3A_74] : memref<10240x16xf32, #tpu.memory_space<vmem_shared>> -> memref<640x16xf32, #tpu.memory_space<vmem_shared>>
        %dma_start3A_76 = arith.constant 6400 : i32
        %dma_start3A_77 = arith.constant 0 : i32
        %dma_start3A_78 = tpu.memref_slice %arg11[%dma_start3A_76, %dma_start3A_77] : memref<10240x16xf32, #tpu.memory_space<vmem_shared>> -> memref<640x16xf32, #tpu.memory_space<vmem_shared>>
        tpu.enqueue_dma source(%arg10 : memref<640x16xf32, #tpu.memory_space<vmem>>) target(%dma_start3A_78 : memref<640x16xf32, #tpu.memory_space<vmem_shared>>) target_semaphore(%run_scoped3A : memref<!tpu.dma_semaphore, #tpu.memory_space<semaphore_mem>>)
        %dma_wait3A_79 = arith.constant 6400 : i32
        %dma_wait3A_80 = arith.constant 0 : i32
        %dma_wait3A_81 = tpu.memref_slice %arg11[%dma_wait3A_79, %dma_wait3A_80] : memref<10240x16xf32, #tpu.memory_space<vmem_shared>> -> memref<640x16xf32, #tpu.memory_space<vmem_shared>>
        %dma_wait3A_82 = arith.constant 6400 : i32
        %dma_wait3A_83 = arith.constant 0 : i32
        %dma_wait3A_84 = tpu.memref_slice %arg11[%dma_wait3A_82, %dma_wait3A_83] : memref<10240x16xf32, #tpu.memory_space<vmem_shared>> -> memref<640x16xf32, #tpu.memory_space<vmem_shared>>
        tpu.wait_dma2 semaphore(%run_scoped3A : memref<!tpu.dma_semaphore, #tpu.memory_space<semaphore_mem>>) src(%arg10 : memref<640x16xf32, #tpu.memory_space<vmem>>) dst(%dma_wait3A_84 : memref<640x16xf32, #tpu.memory_space<vmem_shared>>)
        tpu.yield
      }) : () -> ()
      "tpu.region"() ({
        %run_scoped3A = tpu.sem_alloc : memref<!tpu.dma_semaphore, #tpu.memory_space<semaphore_mem>>
        %dma_start3A_73 = arith.constant 7040 : i32
        %dma_start3A_74 = arith.constant 0 : i32
        %dma_start3A_75 = tpu.memref_slice %arg11[%dma_start3A_73, %dma_start3A_74] : memref<10240x16xf32, #tpu.memory_space<vmem_shared>> -> memref<640x16xf32, #tpu.memory_space<vmem_shared>>
        %dma_start3A_76 = arith.constant 7040 : i32
        %dma_start3A_77 = arith.constant 0 : i32
        %dma_start3A_78 = tpu.memref_slice %arg11[%dma_start3A_76, %dma_start3A_77] : memref<10240x16xf32, #tpu.memory_space<vmem_shared>> -> memref<640x16xf32, #tpu.memory_space<vmem_shared>>
        tpu.enqueue_dma source(%arg10 : memref<640x16xf32, #tpu.memory_space<vmem>>) target(%dma_start3A_78 : memref<640x16xf32, #tpu.memory_space<vmem_shared>>) target_semaphore(%run_scoped3A : memref<!tpu.dma_semaphore, #tpu.memory_space<semaphore_mem>>)
        %dma_wait3A_79 = arith.constant 7040 : i32
        %dma_wait3A_80 = arith.constant 0 : i32
        %dma_wait3A_81 = tpu.memref_slice %arg11[%dma_wait3A_79, %dma_wait3A_80] : memref<10240x16xf32, #tpu.memory_space<vmem_shared>> -> memref<640x16xf32, #tpu.memory_space<vmem_shared>>
        %dma_wait3A_82 = arith.constant 7040 : i32
        %dma_wait3A_83 = arith.constant 0 : i32
        %dma_wait3A_84 = tpu.memref_slice %arg11[%dma_wait3A_82, %dma_wait3A_83] : memref<10240x16xf32, #tpu.memory_space<vmem_shared>> -> memref<640x16xf32, #tpu.memory_space<vmem_shared>>
        tpu.wait_dma2 semaphore(%run_scoped3A : memref<!tpu.dma_semaphore, #tpu.memory_space<semaphore_mem>>) src(%arg10 : memref<640x16xf32, #tpu.memory_space<vmem>>) dst(%dma_wait3A_84 : memref<640x16xf32, #tpu.memory_space<vmem_shared>>)
        tpu.yield
      }) : () -> ()
      "tpu.region"() ({
        %run_scoped3A = tpu.sem_alloc : memref<!tpu.dma_semaphore, #tpu.memory_space<semaphore_mem>>
        %dma_start3A_73 = arith.constant 7680 : i32
        %dma_start3A_74 = arith.constant 0 : i32
        %dma_start3A_75 = tpu.memref_slice %arg11[%dma_start3A_73, %dma_start3A_74] : memref<10240x16xf32, #tpu.memory_space<vmem_shared>> -> memref<640x16xf32, #tpu.memory_space<vmem_shared>>
        %dma_start3A_76 = arith.constant 7680 : i32
        %dma_start3A_77 = arith.constant 0 : i32
        %dma_start3A_78 = tpu.memref_slice %arg11[%dma_start3A_76, %dma_start3A_77] : memref<10240x16xf32, #tpu.memory_space<vmem_shared>> -> memref<640x16xf32, #tpu.memory_space<vmem_shared>>
        tpu.enqueue_dma source(%arg10 : memref<640x16xf32, #tpu.memory_space<vmem>>) target(%dma_start3A_78 : memref<640x16xf32, #tpu.memory_space<vmem_shared>>) target_semaphore(%run_scoped3A : memref<!tpu.dma_semaphore, #tpu.memory_space<semaphore_mem>>)
        %dma_wait3A_79 = arith.constant 7680 : i32
        %dma_wait3A_80 = arith.constant 0 : i32
        %dma_wait3A_81 = tpu.memref_slice %arg11[%dma_wait3A_79, %dma_wait3A_80] : memref<10240x16xf32, #tpu.memory_space<vmem_shared>> -> memref<640x16xf32, #tpu.memory_space<vmem_shared>>
        %dma_wait3A_82 = arith.constant 7680 : i32
        %dma_wait3A_83 = arith.constant 0 : i32
        %dma_wait3A_84 = tpu.memref_slice %arg11[%dma_wait3A_82, %dma_wait3A_83] : memref<10240x16xf32, #tpu.memory_space<vmem_shared>> -> memref<640x16xf32, #tpu.memory_space<vmem_shared>>
        tpu.wait_dma2 semaphore(%run_scoped3A : memref<!tpu.dma_semaphore, #tpu.memory_space<semaphore_mem>>) src(%arg10 : memref<640x16xf32, #tpu.memory_space<vmem>>) dst(%dma_wait3A_84 : memref<640x16xf32, #tpu.memory_space<vmem_shared>>)
        tpu.yield
      }) : () -> ()
      "tpu.region"() ({
        %run_scoped3A = tpu.sem_alloc : memref<!tpu.dma_semaphore, #tpu.memory_space<semaphore_mem>>
        %dma_start3A_73 = arith.constant 8320 : i32
        %dma_start3A_74 = arith.constant 0 : i32
        %dma_start3A_75 = tpu.memref_slice %arg11[%dma_start3A_73, %dma_start3A_74] : memref<10240x16xf32, #tpu.memory_space<vmem_shared>> -> memref<640x16xf32, #tpu.memory_space<vmem_shared>>
        %dma_start3A_76 = arith.constant 8320 : i32
        %dma_start3A_77 = arith.constant 0 : i32
        %dma_start3A_78 = tpu.memref_slice %arg11[%dma_start3A_76, %dma_start3A_77] : memref<10240x16xf32, #tpu.memory_space<vmem_shared>> -> memref<640x16xf32, #tpu.memory_space<vmem_shared>>
        tpu.enqueue_dma source(%arg10 : memref<640x16xf32, #tpu.memory_space<vmem>>) target(%dma_start3A_78 : memref<640x16xf32, #tpu.memory_space<vmem_shared>>) target_semaphore(%run_scoped3A : memref<!tpu.dma_semaphore, #tpu.memory_space<semaphore_mem>>)
        %dma_wait3A_79 = arith.constant 8320 : i32
        %dma_wait3A_80 = arith.constant 0 : i32
        %dma_wait3A_81 = tpu.memref_slice %arg11[%dma_wait3A_79, %dma_wait3A_80] : memref<10240x16xf32, #tpu.memory_space<vmem_shared>> -> memref<640x16xf32, #tpu.memory_space<vmem_shared>>
        %dma_wait3A_82 = arith.constant 8320 : i32
        %dma_wait3A_83 = arith.constant 0 : i32
        %dma_wait3A_84 = tpu.memref_slice %arg11[%dma_wait3A_82, %dma_wait3A_83] : memref<10240x16xf32, #tpu.memory_space<vmem_shared>> -> memref<640x16xf32, #tpu.memory_space<vmem_shared>>
        tpu.wait_dma2 semaphore(%run_scoped3A : memref<!tpu.dma_semaphore, #tpu.memory_space<semaphore_mem>>) src(%arg10 : memref<640x16xf32, #tpu.memory_space<vmem>>) dst(%dma_wait3A_84 : memref<640x16xf32, #tpu.memory_space<vmem_shared>>)
        tpu.yield
      }) : () -> ()
      "tpu.region"() ({
        %run_scoped3A = tpu.sem_alloc : memref<!tpu.dma_semaphore, #tpu.memory_space<semaphore_mem>>
        %dma_start3A_73 = arith.constant 8960 : i32
        %dma_start3A_74 = arith.constant 0 : i32
        %dma_start3A_75 = tpu.memref_slice %arg11[%dma_start3A_73, %dma_start3A_74] : memref<10240x16xf32, #tpu.memory_space<vmem_shared>> -> memref<640x16xf32, #tpu.memory_space<vmem_shared>>
        %dma_start3A_76 = arith.constant 8960 : i32
        %dma_start3A_77 = arith.constant 0 : i32
        %dma_start3A_78 = tpu.memref_slice %arg11[%dma_start3A_76, %dma_start3A_77] : memref<10240x16xf32, #tpu.memory_space<vmem_shared>> -> memref<640x16xf32, #tpu.memory_space<vmem_shared>>
        tpu.enqueue_dma source(%arg10 : memref<640x16xf32, #tpu.memory_space<vmem>>) target(%dma_start3A_78 : memref<640x16xf32, #tpu.memory_space<vmem_shared>>) target_semaphore(%run_scoped3A : memref<!tpu.dma_semaphore, #tpu.memory_space<semaphore_mem>>)
        %dma_wait3A_79 = arith.constant 8960 : i32
        %dma_wait3A_80 = arith.constant 0 : i32
        %dma_wait3A_81 = tpu.memref_slice %arg11[%dma_wait3A_79, %dma_wait3A_80] : memref<10240x16xf32, #tpu.memory_space<vmem_shared>> -> memref<640x16xf32, #tpu.memory_space<vmem_shared>>
        %dma_wait3A_82 = arith.constant 8960 : i32
        %dma_wait3A_83 = arith.constant 0 : i32
        %dma_wait3A_84 = tpu.memref_slice %arg11[%dma_wait3A_82, %dma_wait3A_83] : memref<10240x16xf32, #tpu.memory_space<vmem_shared>> -> memref<640x16xf32, #tpu.memory_space<vmem_shared>>
        tpu.wait_dma2 semaphore(%run_scoped3A : memref<!tpu.dma_semaphore, #tpu.memory_space<semaphore_mem>>) src(%arg10 : memref<640x16xf32, #tpu.memory_space<vmem>>) dst(%dma_wait3A_84 : memref<640x16xf32, #tpu.memory_space<vmem_shared>>)
        tpu.yield
      }) : () -> ()
      "tpu.region"() ({
        %run_scoped3A = tpu.sem_alloc : memref<!tpu.dma_semaphore, #tpu.memory_space<semaphore_mem>>
        %dma_start3A_73 = arith.constant 9600 : i32
        %dma_start3A_74 = arith.constant 0 : i32
        %dma_start3A_75 = tpu.memref_slice %arg11[%dma_start3A_73, %dma_start3A_74] : memref<10240x16xf32, #tpu.memory_space<vmem_shared>> -> memref<640x16xf32, #tpu.memory_space<vmem_shared>>
        %dma_start3A_76 = arith.constant 9600 : i32
        %dma_start3A_77 = arith.constant 0 : i32
        %dma_start3A_78 = tpu.memref_slice %arg11[%dma_start3A_76, %dma_start3A_77] : memref<10240x16xf32, #tpu.memory_space<vmem_shared>> -> memref<640x16xf32, #tpu.memory_space<vmem_shared>>
        tpu.enqueue_dma source(%arg10 : memref<640x16xf32, #tpu.memory_space<vmem>>) target(%dma_start3A_78 : memref<640x16xf32, #tpu.memory_space<vmem_shared>>) target_semaphore(%run_scoped3A : memref<!tpu.dma_semaphore, #tpu.memory_space<semaphore_mem>>)
        %dma_wait3A_79 = arith.constant 9600 : i32
        %dma_wait3A_80 = arith.constant 0 : i32
        %dma_wait3A_81 = tpu.memref_slice %arg11[%dma_wait3A_79, %dma_wait3A_80] : memref<10240x16xf32, #tpu.memory_space<vmem_shared>> -> memref<640x16xf32, #tpu.memory_space<vmem_shared>>
        %dma_wait3A_82 = arith.constant 9600 : i32
        %dma_wait3A_83 = arith.constant 0 : i32
        %dma_wait3A_84 = tpu.memref_slice %arg11[%dma_wait3A_82, %dma_wait3A_83] : memref<10240x16xf32, #tpu.memory_space<vmem_shared>> -> memref<640x16xf32, #tpu.memory_space<vmem_shared>>
        tpu.wait_dma2 semaphore(%run_scoped3A : memref<!tpu.dma_semaphore, #tpu.memory_space<semaphore_mem>>) src(%arg10 : memref<640x16xf32, #tpu.memory_space<vmem>>) dst(%dma_wait3A_84 : memref<640x16xf32, #tpu.memory_space<vmem_shared>>)
        tpu.yield
      }) : () -> ()
    } else {
    }
    "tpu.region"() ({
      %run_scoped3A = tpu.sem_alloc : memref<!tpu.dma_semaphore, #tpu.memory_space<semaphore_mem>>
      %dma_start3A_66 = arith.constant 0 : i32
      %dma_start3A_67 = arith.constant 0 : i32
      %dma_start3A_68 = tpu.memref_slice %arg3[%add3A, %dma_start3A_66, %dma_start3A_67] : memref<32x125x80xi32, #tpu.memory_space<hbm>> -> memref<1x125x80xi32, #tpu.memory_space<hbm>>
      %dma_start3A_69 = tpu.memref_squeeze %dma_start3A_68 : memref<1x125x80xi32, #tpu.memory_space<hbm>> -> memref<125x80xi32, #tpu.memory_space<hbm>>
      %dma_start3A_70 = arith.constant 0 : i32
      %dma_start3A_71 = arith.constant 0 : i32
      %dma_start3A_72 = tpu.memref_slice %arg3[%add3A, %dma_start3A_70, %dma_start3A_71] : memref<32x125x80xi32, #tpu.memory_space<hbm>> -> memref<1x125x80xi32, #tpu.memory_space<hbm>>
      %dma_start3A_73 = tpu.memref_squeeze %dma_start3A_72 : memref<1x125x80xi32, #tpu.memory_space<hbm>> -> memref<125x80xi32, #tpu.memory_space<hbm>>
      tpu.enqueue_dma source(%dma_start3A_73 : memref<125x80xi32, #tpu.memory_space<hbm>>) target(%arg5 : memref<125x80xi32, #tpu.memory_space<vmem>>) target_semaphore(%run_scoped3A : memref<!tpu.dma_semaphore, #tpu.memory_space<semaphore_mem>>)
      %dma_wait3A_74 = arith.constant 0 : i32
      %dma_wait3A_75 = arith.constant 0 : i32
      %dma_wait3A_76 = tpu.memref_slice %arg3[%add3A, %dma_wait3A_74, %dma_wait3A_75] : memref<32x125x80xi32, #tpu.memory_space<hbm>> -> memref<1x125x80xi32, #tpu.memory_space<hbm>>
      %dma_wait3A_77 = tpu.memref_squeeze %dma_wait3A_76 : memref<1x125x80xi32, #tpu.memory_space<hbm>> -> memref<125x80xi32, #tpu.memory_space<hbm>>
      %dma_wait3A_78 = arith.constant 0 : i32
      %dma_wait3A_79 = arith.constant 0 : i32
      %dma_wait3A_80 = tpu.memref_slice %arg3[%add3A, %dma_wait3A_78, %dma_wait3A_79] : memref<32x125x80xi32, #tpu.memory_space<hbm>> -> memref<1x125x80xi32, #tpu.memory_space<hbm>>
      %dma_wait3A_81 = tpu.memref_squeeze %dma_wait3A_80 : memref<1x125x80xi32, #tpu.memory_space<hbm>> -> memref<125x80xi32, #tpu.memory_space<hbm>>
      tpu.wait_dma2 semaphore(%run_scoped3A : memref<!tpu.dma_semaphore, #tpu.memory_space<semaphore_mem>>) src(%dma_wait3A_81 : memref<125x80xi32, #tpu.memory_space<hbm>>) dst(%arg5 : memref<125x80xi32, #tpu.memory_space<vmem>>)
      tpu.yield
    }) : () -> ()
    %barrier3A = arith.constant 0 : index
    tpu.barrier barrier_id(%barrier3A)
    %mul3A_3 = arith.constant 10000 : i32
    %mul3A_4 = arith.muli %add3A, %mul3A_3 : i32
    %add3A_5 = arith.constant 0 : i32
    %add3A_6 = arith.addi %mul3A_4, %add3A_5 : i32
    %dma_start3A = arith.constant 0 : i32
    %dma_start3A_7 = tpu.memref_slice %arg2[%add3A_6, %dma_start3A] : memref<320000x16xf32, #tpu.memory_space<hbm>> -> memref<80x16xf32, #tpu.memory_space<hbm>>
    %dma_start3A_8 = arith.constant 0 : i32
    %dma_start3A_9 = tpu.memref_slice %arg2[%add3A_6, %dma_start3A_8] : memref<320000x16xf32, #tpu.memory_space<hbm>> -> memref<80x16xf32, #tpu.memory_space<hbm>>
    tpu.enqueue_dma source(%dma_start3A_9 : memref<80x16xf32, #tpu.memory_space<hbm>>) target(%arg6 : memref<80x16xf32, #tpu.memory_space<vmem>>) target_semaphore(%arg12 : memref<!tpu.dma_semaphore, #tpu.memory_space<semaphore_mem>>)
    %mul3A_10 = arith.constant 10000 : i32
    %mul3A_11 = arith.muli %add3A, %mul3A_10 : i32
    %add3A_12 = arith.constant 80 : i32
    %add3A_13 = arith.addi %mul3A_11, %add3A_12 : i32
    %dma_start3A_14 = arith.constant 0 : i32
    %dma_start3A_15 = tpu.memref_slice %arg2[%add3A_13, %dma_start3A_14] : memref<320000x16xf32, #tpu.memory_space<hbm>> -> memref<80x16xf32, #tpu.memory_space<hbm>>
    %dma_start3A_16 = arith.constant 0 : i32
    %dma_start3A_17 = tpu.memref_slice %arg2[%add3A_13, %dma_start3A_16] : memref<320000x16xf32, #tpu.memory_space<hbm>> -> memref<80x16xf32, #tpu.memory_space<hbm>>
    tpu.enqueue_dma source(%dma_start3A_17 : memref<80x16xf32, #tpu.memory_space<hbm>>) target(%arg7 : memref<80x16xf32, #tpu.memory_space<vmem>>) target_semaphore(%arg13 : memref<!tpu.dma_semaphore, #tpu.memory_space<semaphore_mem>>)
    %mul3A_18 = arith.constant 10000 : i32
    %mul3A_19 = arith.muli %add3A, %mul3A_18 : i32
    %add3A_20 = arith.constant 160 : i32
    %add3A_21 = arith.addi %mul3A_19, %add3A_20 : i32
    %dma_start3A_22 = arith.constant 0 : i32
    %dma_start3A_23 = tpu.memref_slice %arg2[%add3A_21, %dma_start3A_22] : memref<320000x16xf32, #tpu.memory_space<hbm>> -> memref<80x16xf32, #tpu.memory_space<hbm>>
    %dma_start3A_24 = arith.constant 0 : i32
    %dma_start3A_25 = tpu.memref_slice %arg2[%add3A_21, %dma_start3A_24] : memref<320000x16xf32, #tpu.memory_space<hbm>> -> memref<80x16xf32, #tpu.memory_space<hbm>>
    tpu.enqueue_dma source(%dma_start3A_25 : memref<80x16xf32, #tpu.memory_space<hbm>>) target(%arg8 : memref<80x16xf32, #tpu.memory_space<vmem>>) target_semaphore(%arg14 : memref<!tpu.dma_semaphore, #tpu.memory_space<semaphore_mem>>)
    %scan3A = arith.constant 0 : i32
    %scan3A_26 = arith.constant 0 : i32
    %scan3A_27 = arith.constant 31 : i32
    %scan3A_28 = arith.addi %scan3A_26, %scan3A_27 : i32
    %scan3A_29 = arith.constant 1 : i32
    %scan3A_30 = scf.for %scan3A_66 = %scan3A_26 to %scan3A_28 step %scan3A_29 iter_args(%scan3A_67 = %scan3A) -> (i32)  : i32 {
      %mul3A_68 = arith.constant 4 : i32
      %mul3A_69 = arith.muli %mul3A_68, %scan3A_66 : i32
      %add3A_70 = arith.constant 0 : i32
      %add3A_71 = arith.addi %mul3A_69, %add3A_70 : i32
      %mul3A_72 = arith.constant 10000 : i32
      %mul3A_73 = arith.muli %add3A, %mul3A_72 : i32
      %mul3A_74 = arith.constant 80 : i32
      %mul3A_75 = arith.muli %add3A_71, %mul3A_74 : i32
      %add3A_76 = arith.addi %mul3A_73, %mul3A_75 : i32
      %dma_wait3A_77 = arith.constant 0 : i32
      %dma_wait3A_78 = tpu.memref_slice %arg2[%add3A_76, %dma_wait3A_77] : memref<320000x16xf32, #tpu.memory_space<hbm>> -> memref<80x16xf32, #tpu.memory_space<hbm>>
      %dma_wait3A_79 = arith.constant 0 : i32
      %dma_wait3A_80 = tpu.memref_slice %arg2[%add3A_76, %dma_wait3A_79] : memref<320000x16xf32, #tpu.memory_space<hbm>> -> memref<80x16xf32, #tpu.memory_space<hbm>>
      tpu.wait_dma2 semaphore(%arg12 : memref<!tpu.dma_semaphore, #tpu.memory_space<semaphore_mem>>) src(%dma_wait3A_80 : memref<80x16xf32, #tpu.memory_space<hbm>>) dst(%arg6 : memref<80x16xf32, #tpu.memory_space<vmem>>)
      %ge3A = arith.constant 1 : i32
      %ge3A_81 = arith.cmpi sge, %add3A_71, %ge3A : i32
      %convert_element_type3A_82 = arith.extui %ge3A_81 : i1 to i32
      %cond3A_83 = arith.constant 0 : i32
      %cond3A_84 = arith.cmpi ne, %convert_element_type3A_82, %cond3A_83 : i32
      scf.if %cond3A_84 {
        %sub3A = arith.constant 1 : i32
        %sub3A_191 = arith.subi %add3A_71, %sub3A : i32
        %dma_wait3A_192 = arith.constant 0 : i32
        %dma_wait3A_193 = tpu.memref_slice %arg5[%sub3A_191, %dma_wait3A_192] : memref<125x80xi32, #tpu.memory_space<vmem>> -> memref<1x80xi32, #tpu.memory_space<vmem>>
        %dma_wait3A_194 = tpu.memref_squeeze %dma_wait3A_193 : memref<1x80xi32, #tpu.memory_space<vmem>> -> memref<80xi32, #tpu.memory_space<vmem>>
        %dma_wait3A_195 = arith.constant 0 : i32
        %dma_wait3A_196 = arith.constant 0 : i32
        %dma_wait3A_197 = tpu.memref_slice %arg11[%dma_wait3A_195, %dma_wait3A_196] : memref<10240x16xf32, #tpu.memory_space<vmem_shared>> -> memref<10240x16xf32, #tpu.memory_space<vmem_shared>>
        tpu.wait_indirect_dma semaphore(%arg19 : memref<!tpu.dma_semaphore, #tpu.memory_space<semaphore_mem>>) src(%arg9 : memref<80x16xf32, #tpu.memory_space<vmem>>) dst(%dma_wait3A_197 : memref<10240x16xf32, #tpu.memory_space<vmem_shared>>)
      } else {
      }
      %dma_start3A_85 = arith.constant 0 : i32
      %dma_start3A_86 = tpu.memref_slice %arg5[%add3A_71, %dma_start3A_85] : memref<125x80xi32, #tpu.memory_space<vmem>> -> memref<1x80xi32, #tpu.memory_space<vmem>>
      %dma_start3A_87 = tpu.memref_squeeze %dma_start3A_86 : memref<1x80xi32, #tpu.memory_space<vmem>> -> memref<80xi32, #tpu.memory_space<vmem>>
      %dma_start3A_88 = arith.constant 0 : i32
      %dma_start3A_89 = arith.constant 0 : i32
      %dma_start3A_90 = tpu.memref_slice %arg11[%dma_start3A_88, %dma_start3A_89] : memref<10240x16xf32, #tpu.memory_space<vmem_shared>> -> memref<10240x16xf32, #tpu.memory_space<vmem_shared>>
      tpu.enqueue_indirect_dma source(%arg6 : memref<80x16xf32, #tpu.memory_space<vmem>>) target(%dma_start3A_90 : memref<10240x16xf32, #tpu.memory_space<vmem_shared>>) offsets(%dma_start3A_87 : memref<80xi32, #tpu.memory_space<vmem>>) semaphore(%arg16 : memref<!tpu.dma_semaphore, #tpu.memory_space<semaphore_mem>>) {add = true}
      %add3A_91 = arith.constant 3 : i32
      %add3A_92 = arith.addi %add3A_71, %add3A_91 : i32
      %lt3A = arith.constant 125 : i32
      %lt3A_93 = arith.cmpi slt, %add3A_92, %lt3A : i32
      %convert_element_type3A_94 = arith.extui %lt3A_93 : i1 to i32
      %cond3A_95 = arith.constant 0 : i32
      %cond3A_96 = arith.cmpi ne, %convert_element_type3A_94, %cond3A_95 : i32
      scf.if %cond3A_96 {
        %add3A_191 = arith.constant 3 : i32
        %add3A_192 = arith.addi %add3A_71, %add3A_191 : i32
        %mul3A_193 = arith.constant 10000 : i32
        %mul3A_194 = arith.muli %add3A, %mul3A_193 : i32
        %mul3A_195 = arith.constant 80 : i32
        %mul3A_196 = arith.muli %add3A_192, %mul3A_195 : i32
        %add3A_197 = arith.addi %mul3A_194, %mul3A_196 : i32
        %dma_start3A_198 = arith.constant 0 : i32
        %dma_start3A_199 = tpu.memref_slice %arg2[%add3A_197, %dma_start3A_198] : memref<320000x16xf32, #tpu.memory_space<hbm>> -> memref<80x16xf32, #tpu.memory_space<hbm>>
        %dma_start3A_200 = arith.constant 0 : i32
        %dma_start3A_201 = tpu.memref_slice %arg2[%add3A_197, %dma_start3A_200] : memref<320000x16xf32, #tpu.memory_space<hbm>> -> memref<80x16xf32, #tpu.memory_space<hbm>>
        tpu.enqueue_dma source(%dma_start3A_201 : memref<80x16xf32, #tpu.memory_space<hbm>>) target(%arg9 : memref<80x16xf32, #tpu.memory_space<vmem>>) target_semaphore(%arg15 : memref<!tpu.dma_semaphore, #tpu.memory_space<semaphore_mem>>)
      } else {
      }
      %mul3A_97 = arith.constant 4 : i32
      %mul3A_98 = arith.muli %mul3A_97, %scan3A_66 : i32
      %add3A_99 = arith.constant 1 : i32
      %add3A_100 = arith.addi %mul3A_98, %add3A_99 : i32
      %mul3A_101 = arith.constant 10000 : i32
      %mul3A_102 = arith.muli %add3A, %mul3A_101 : i32
      %mul3A_103 = arith.constant 80 : i32
      %mul3A_104 = arith.muli %add3A_100, %mul3A_103 : i32
      %add3A_105 = arith.addi %mul3A_102, %mul3A_104 : i32
      %dma_wait3A_106 = arith.constant 0 : i32
      %dma_wait3A_107 = tpu.memref_slice %arg2[%add3A_105, %dma_wait3A_106] : memref<320000x16xf32, #tpu.memory_space<hbm>> -> memref<80x16xf32, #tpu.memory_space<hbm>>
      %dma_wait3A_108 = arith.constant 0 : i32
      %dma_wait3A_109 = tpu.memref_slice %arg2[%add3A_105, %dma_wait3A_108] : memref<320000x16xf32, #tpu.memory_space<hbm>> -> memref<80x16xf32, #tpu.memory_space<hbm>>
      tpu.wait_dma2 semaphore(%arg13 : memref<!tpu.dma_semaphore, #tpu.memory_space<semaphore_mem>>) src(%dma_wait3A_109 : memref<80x16xf32, #tpu.memory_space<hbm>>) dst(%arg7 : memref<80x16xf32, #tpu.memory_space<vmem>>)
      %ge3A_110 = arith.constant 1 : i32
      %ge3A_111 = arith.cmpi sge, %add3A_100, %ge3A_110 : i32
      %convert_element_type3A_112 = arith.extui %ge3A_111 : i1 to i32
      %cond3A_113 = arith.constant 0 : i32
      %cond3A_114 = arith.cmpi ne, %convert_element_type3A_112, %cond3A_113 : i32
      scf.if %cond3A_114 {
        %sub3A = arith.constant 1 : i32
        %sub3A_191 = arith.subi %add3A_100, %sub3A : i32
        %dma_wait3A_192 = arith.constant 0 : i32
        %dma_wait3A_193 = tpu.memref_slice %arg5[%sub3A_191, %dma_wait3A_192] : memref<125x80xi32, #tpu.memory_space<vmem>> -> memref<1x80xi32, #tpu.memory_space<vmem>>
        %dma_wait3A_194 = tpu.memref_squeeze %dma_wait3A_193 : memref<1x80xi32, #tpu.memory_space<vmem>> -> memref<80xi32, #tpu.memory_space<vmem>>
        %dma_wait3A_195 = arith.constant 0 : i32
        %dma_wait3A_196 = arith.constant 0 : i32
        %dma_wait3A_197 = tpu.memref_slice %arg11[%dma_wait3A_195, %dma_wait3A_196] : memref<10240x16xf32, #tpu.memory_space<vmem_shared>> -> memref<10240x16xf32, #tpu.memory_space<vmem_shared>>
        tpu.wait_indirect_dma semaphore(%arg16 : memref<!tpu.dma_semaphore, #tpu.memory_space<semaphore_mem>>) src(%arg6 : memref<80x16xf32, #tpu.memory_space<vmem>>) dst(%dma_wait3A_197 : memref<10240x16xf32, #tpu.memory_space<vmem_shared>>)
      } else {
      }
      %dma_start3A_115 = arith.constant 0 : i32
      %dma_start3A_116 = tpu.memref_slice %arg5[%add3A_100, %dma_start3A_115] : memref<125x80xi32, #tpu.memory_space<vmem>> -> memref<1x80xi32, #tpu.memory_space<vmem>>
      %dma_start3A_117 = tpu.memref_squeeze %dma_start3A_116 : memref<1x80xi32, #tpu.memory_space<vmem>> -> memref<80xi32, #tpu.memory_space<vmem>>
      %dma_start3A_118 = arith.constant 0 : i32
      %dma_start3A_119 = arith.constant 0 : i32
      %dma_start3A_120 = tpu.memref_slice %arg11[%dma_start3A_118, %dma_start3A_119] : memref<10240x16xf32, #tpu.memory_space<vmem_shared>> -> memref<10240x16xf32, #tpu.memory_space<vmem_shared>>
      tpu.enqueue_indirect_dma source(%arg7 : memref<80x16xf32, #tpu.memory_space<vmem>>) target(%dma_start3A_120 : memref<10240x16xf32, #tpu.memory_space<vmem_shared>>) offsets(%dma_start3A_117 : memref<80xi32, #tpu.memory_space<vmem>>) semaphore(%arg17 : memref<!tpu.dma_semaphore, #tpu.memory_space<semaphore_mem>>) {add = true}
      %add3A_121 = arith.constant 3 : i32
      %add3A_122 = arith.addi %add3A_100, %add3A_121 : i32
      %lt3A_123 = arith.constant 125 : i32
      %lt3A_124 = arith.cmpi slt, %add3A_122, %lt3A_123 : i32
      %convert_element_type3A_125 = arith.extui %lt3A_124 : i1 to i32
      %cond3A_126 = arith.constant 0 : i32
      %cond3A_127 = arith.cmpi ne, %convert_element_type3A_125, %cond3A_126 : i32
      scf.if %cond3A_127 {
        %add3A_191 = arith.constant 3 : i32
        %add3A_192 = arith.addi %add3A_100, %add3A_191 : i32
        %mul3A_193 = arith.constant 10000 : i32
        %mul3A_194 = arith.muli %add3A, %mul3A_193 : i32
        %mul3A_195 = arith.constant 80 : i32
        %mul3A_196 = arith.muli %add3A_192, %mul3A_195 : i32
        %add3A_197 = arith.addi %mul3A_194, %mul3A_196 : i32
        %dma_start3A_198 = arith.constant 0 : i32
        %dma_start3A_199 = tpu.memref_slice %arg2[%add3A_197, %dma_start3A_198] : memref<320000x16xf32, #tpu.memory_space<hbm>> -> memref<80x16xf32, #tpu.memory_space<hbm>>
        %dma_start3A_200 = arith.constant 0 : i32
        %dma_start3A_201 = tpu.memref_slice %arg2[%add3A_197, %dma_start3A_200] : memref<320000x16xf32, #tpu.memory_space<hbm>> -> memref<80x16xf32, #tpu.memory_space<hbm>>
        tpu.enqueue_dma source(%dma_start3A_201 : memref<80x16xf32, #tpu.memory_space<hbm>>) target(%arg6 : memref<80x16xf32, #tpu.memory_space<vmem>>) target_semaphore(%arg12 : memref<!tpu.dma_semaphore, #tpu.memory_space<semaphore_mem>>)
      } else {
      }
      %mul3A_128 = arith.constant 4 : i32
      %mul3A_129 = arith.muli %mul3A_128, %scan3A_66 : i32
      %add3A_130 = arith.constant 2 : i32
      %add3A_131 = arith.addi %mul3A_129, %add3A_130 : i32
      %mul3A_132 = arith.constant 10000 : i32
      %mul3A_133 = arith.muli %add3A, %mul3A_132 : i32
      %mul3A_134 = arith.constant 80 : i32
      %mul3A_135 = arith.muli %add3A_131, %mul3A_134 : i32
      %add3A_136 = arith.addi %mul3A_133, %mul3A_135 : i32
      %dma_wait3A_137 = arith.constant 0 : i32
      %dma_wait3A_138 = tpu.memref_slice %arg2[%add3A_136, %dma_wait3A_137] : memref<320000x16xf32, #tpu.memory_space<hbm>> -> memref<80x16xf32, #tpu.memory_space<hbm>>
      %dma_wait3A_139 = arith.constant 0 : i32
      %dma_wait3A_140 = tpu.memref_slice %arg2[%add3A_136, %dma_wait3A_139] : memref<320000x16xf32, #tpu.memory_space<hbm>> -> memref<80x16xf32, #tpu.memory_space<hbm>>
      tpu.wait_dma2 semaphore(%arg14 : memref<!tpu.dma_semaphore, #tpu.memory_space<semaphore_mem>>) src(%dma_wait3A_140 : memref<80x16xf32, #tpu.memory_space<hbm>>) dst(%arg8 : memref<80x16xf32, #tpu.memory_space<vmem>>)
      %ge3A_141 = arith.constant 1 : i32
      %ge3A_142 = arith.cmpi sge, %add3A_131, %ge3A_141 : i32
      %convert_element_type3A_143 = arith.extui %ge3A_142 : i1 to i32
      %cond3A_144 = arith.constant 0 : i32
      %cond3A_145 = arith.cmpi ne, %convert_element_type3A_143, %cond3A_144 : i32
      scf.if %cond3A_145 {
        %sub3A = arith.constant 1 : i32
        %sub3A_191 = arith.subi %add3A_131, %sub3A : i32
        %dma_wait3A_192 = arith.constant 0 : i32
        %dma_wait3A_193 = tpu.memref_slice %arg5[%sub3A_191, %dma_wait3A_192] : memref<125x80xi32, #tpu.memory_space<vmem>> -> memref<1x80xi32, #tpu.memory_space<vmem>>
        %dma_wait3A_194 = tpu.memref_squeeze %dma_wait3A_193 : memref<1x80xi32, #tpu.memory_space<vmem>> -> memref<80xi32, #tpu.memory_space<vmem>>
        %dma_wait3A_195 = arith.constant 0 : i32
        %dma_wait3A_196 = arith.constant 0 : i32
        %dma_wait3A_197 = tpu.memref_slice %arg11[%dma_wait3A_195, %dma_wait3A_196] : memref<10240x16xf32, #tpu.memory_space<vmem_shared>> -> memref<10240x16xf32, #tpu.memory_space<vmem_shared>>
        tpu.wait_indirect_dma semaphore(%arg17 : memref<!tpu.dma_semaphore, #tpu.memory_space<semaphore_mem>>) src(%arg7 : memref<80x16xf32, #tpu.memory_space<vmem>>) dst(%dma_wait3A_197 : memref<10240x16xf32, #tpu.memory_space<vmem_shared>>)
      } else {
      }
      %dma_start3A_146 = arith.constant 0 : i32
      %dma_start3A_147 = tpu.memref_slice %arg5[%add3A_131, %dma_start3A_146] : memref<125x80xi32, #tpu.memory_space<vmem>> -> memref<1x80xi32, #tpu.memory_space<vmem>>
      %dma_start3A_148 = tpu.memref_squeeze %dma_start3A_147 : memref<1x80xi32, #tpu.memory_space<vmem>> -> memref<80xi32, #tpu.memory_space<vmem>>
      %dma_start3A_149 = arith.constant 0 : i32
      %dma_start3A_150 = arith.constant 0 : i32
      %dma_start3A_151 = tpu.memref_slice %arg11[%dma_start3A_149, %dma_start3A_150] : memref<10240x16xf32, #tpu.memory_space<vmem_shared>> -> memref<10240x16xf32, #tpu.memory_space<vmem_shared>>
      tpu.enqueue_indirect_dma source(%arg8 : memref<80x16xf32, #tpu.memory_space<vmem>>) target(%dma_start3A_151 : memref<10240x16xf32, #tpu.memory_space<vmem_shared>>) offsets(%dma_start3A_148 : memref<80xi32, #tpu.memory_space<vmem>>) semaphore(%arg18 : memref<!tpu.dma_semaphore, #tpu.memory_space<semaphore_mem>>) {add = true}
      %add3A_152 = arith.constant 3 : i32
      %add3A_153 = arith.addi %add3A_131, %add3A_152 : i32
      %lt3A_154 = arith.constant 125 : i32
      %lt3A_155 = arith.cmpi slt, %add3A_153, %lt3A_154 : i32
      %convert_element_type3A_156 = arith.extui %lt3A_155 : i1 to i32
      %cond3A_157 = arith.constant 0 : i32
      %cond3A_158 = arith.cmpi ne, %convert_element_type3A_156, %cond3A_157 : i32
      scf.if %cond3A_158 {
        %add3A_191 = arith.constant 3 : i32
        %add3A_192 = arith.addi %add3A_131, %add3A_191 : i32
        %mul3A_193 = arith.constant 10000 : i32
        %mul3A_194 = arith.muli %add3A, %mul3A_193 : i32
        %mul3A_195 = arith.constant 80 : i32
        %mul3A_196 = arith.muli %add3A_192, %mul3A_195 : i32
        %add3A_197 = arith.addi %mul3A_194, %mul3A_196 : i32
        %dma_start3A_198 = arith.constant 0 : i32
        %dma_start3A_199 = tpu.memref_slice %arg2[%add3A_197, %dma_start3A_198] : memref<320000x16xf32, #tpu.memory_space<hbm>> -> memref<80x16xf32, #tpu.memory_space<hbm>>
        %dma_start3A_200 = arith.constant 0 : i32
        %dma_start3A_201 = tpu.memref_slice %arg2[%add3A_197, %dma_start3A_200] : memref<320000x16xf32, #tpu.memory_space<hbm>> -> memref<80x16xf32, #tpu.memory_space<hbm>>
        tpu.enqueue_dma source(%dma_start3A_201 : memref<80x16xf32, #tpu.memory_space<hbm>>) target(%arg7 : memref<80x16xf32, #tpu.memory_space<vmem>>) target_semaphore(%arg13 : memref<!tpu.dma_semaphore, #tpu.memory_space<semaphore_mem>>)
      } else {
      }
      %mul3A_159 = arith.constant 4 : i32
      %mul3A_160 = arith.muli %mul3A_159, %scan3A_66 : i32
      %add3A_161 = arith.constant 3 : i32
      %add3A_162 = arith.addi %mul3A_160, %add3A_161 : i32
      %mul3A_163 = arith.constant 10000 : i32
      %mul3A_164 = arith.muli %add3A, %mul3A_163 : i32
      %mul3A_165 = arith.constant 80 : i32
      %mul3A_166 = arith.muli %add3A_162, %mul3A_165 : i32
      %add3A_167 = arith.addi %mul3A_164, %mul3A_166 : i32
      %dma_wait3A_168 = arith.constant 0 : i32
      %dma_wait3A_169 = tpu.memref_slice %arg2[%add3A_167, %dma_wait3A_168] : memref<320000x16xf32, #tpu.memory_space<hbm>> -> memref<80x16xf32, #tpu.memory_space<hbm>>
      %dma_wait3A_170 = arith.constant 0 : i32
      %dma_wait3A_171 = tpu.memref_slice %arg2[%add3A_167, %dma_wait3A_170] : memref<320000x16xf32, #tpu.memory_space<hbm>> -> memref<80x16xf32, #tpu.memory_space<hbm>>
      tpu.wait_dma2 semaphore(%arg15 : memref<!tpu.dma_semaphore, #tpu.memory_space<semaphore_mem>>) src(%dma_wait3A_171 : memref<80x16xf32, #tpu.memory_space<hbm>>) dst(%arg9 : memref<80x16xf32, #tpu.memory_space<vmem>>)
      %ge3A_172 = arith.constant 1 : i32
      %ge3A_173 = arith.cmpi sge, %add3A_162, %ge3A_172 : i32
      %convert_element_type3A_174 = arith.extui %ge3A_173 : i1 to i32
      %cond3A_175 = arith.constant 0 : i32
      %cond3A_176 = arith.cmpi ne, %convert_element_type3A_174, %cond3A_175 : i32
      scf.if %cond3A_176 {
        %sub3A = arith.constant 1 : i32
        %sub3A_191 = arith.subi %add3A_162, %sub3A : i32
        %dma_wait3A_192 = arith.constant 0 : i32
        %dma_wait3A_193 = tpu.memref_slice %arg5[%sub3A_191, %dma_wait3A_192] : memref<125x80xi32, #tpu.memory_space<vmem>> -> memref<1x80xi32, #tpu.memory_space<vmem>>
        %dma_wait3A_194 = tpu.memref_squeeze %dma_wait3A_193 : memref<1x80xi32, #tpu.memory_space<vmem>> -> memref<80xi32, #tpu.memory_space<vmem>>
        %dma_wait3A_195 = arith.constant 0 : i32
        %dma_wait3A_196 = arith.constant 0 : i32
        %dma_wait3A_197 = tpu.memref_slice %arg11[%dma_wait3A_195, %dma_wait3A_196] : memref<10240x16xf32, #tpu.memory_space<vmem_shared>> -> memref<10240x16xf32, #tpu.memory_space<vmem_shared>>
        tpu.wait_indirect_dma semaphore(%arg18 : memref<!tpu.dma_semaphore, #tpu.memory_space<semaphore_mem>>) src(%arg8 : memref<80x16xf32, #tpu.memory_space<vmem>>) dst(%dma_wait3A_197 : memref<10240x16xf32, #tpu.memory_space<vmem_shared>>)
      } else {
      }
      %dma_start3A_177 = arith.constant 0 : i32
      %dma_start3A_178 = tpu.memref_slice %arg5[%add3A_162, %dma_start3A_177] : memref<125x80xi32, #tpu.memory_space<vmem>> -> memref<1x80xi32, #tpu.memory_space<vmem>>
      %dma_start3A_179 = tpu.memref_squeeze %dma_start3A_178 : memref<1x80xi32, #tpu.memory_space<vmem>> -> memref<80xi32, #tpu.memory_space<vmem>>
      %dma_start3A_180 = arith.constant 0 : i32
      %dma_start3A_181 = arith.constant 0 : i32
      %dma_start3A_182 = tpu.memref_slice %arg11[%dma_start3A_180, %dma_start3A_181] : memref<10240x16xf32, #tpu.memory_space<vmem_shared>> -> memref<10240x16xf32, #tpu.memory_space<vmem_shared>>
      tpu.enqueue_indirect_dma source(%arg9 : memref<80x16xf32, #tpu.memory_space<vmem>>) target(%dma_start3A_182 : memref<10240x16xf32, #tpu.memory_space<vmem_shared>>) offsets(%dma_start3A_179 : memref<80xi32, #tpu.memory_space<vmem>>) semaphore(%arg19 : memref<!tpu.dma_semaphore, #tpu.memory_space<semaphore_mem>>) {add = true}
      %add3A_183 = arith.constant 3 : i32
      %add3A_184 = arith.addi %add3A_162, %add3A_183 : i32
      %lt3A_185 = arith.constant 125 : i32
      %lt3A_186 = arith.cmpi slt, %add3A_184, %lt3A_185 : i32
      %convert_element_type3A_187 = arith.extui %lt3A_186 : i1 to i32
      %cond3A_188 = arith.constant 0 : i32
      %cond3A_189 = arith.cmpi ne, %convert_element_type3A_187, %cond3A_188 : i32
      scf.if %cond3A_189 {
        %add3A_191 = arith.constant 3 : i32
        %add3A_192 = arith.addi %add3A_162, %add3A_191 : i32
        %mul3A_193 = arith.constant 10000 : i32
        %mul3A_194 = arith.muli %add3A, %mul3A_193 : i32
        %mul3A_195 = arith.constant 80 : i32
        %mul3A_196 = arith.muli %add3A_192, %mul3A_195 : i32
        %add3A_197 = arith.addi %mul3A_194, %mul3A_196 : i32
        %dma_start3A_198 = arith.constant 0 : i32
        %dma_start3A_199 = tpu.memref_slice %arg2[%add3A_197, %dma_start3A_198] : memref<320000x16xf32, #tpu.memory_space<hbm>> -> memref<80x16xf32, #tpu.memory_space<hbm>>
        %dma_start3A_200 = arith.constant 0 : i32
        %dma_start3A_201 = tpu.memref_slice %arg2[%add3A_197, %dma_start3A_200] : memref<320000x16xf32, #tpu.memory_space<hbm>> -> memref<80x16xf32, #tpu.memory_space<hbm>>
        tpu.enqueue_dma source(%dma_start3A_201 : memref<80x16xf32, #tpu.memory_space<hbm>>) target(%arg8 : memref<80x16xf32, #tpu.memory_space<vmem>>) target_semaphore(%arg14 : memref<!tpu.dma_semaphore, #tpu.memory_space<semaphore_mem>>)
      } else {
      }
      %scan3A_190 = arith.constant 0 : i32
      scf.yield %scan3A_190 : i32
    }
    %scan3A_31 = arith.constant 31 : i32
    %mul3A_32 = arith.constant 10000 : i32
    %mul3A_33 = arith.muli %add3A, %mul3A_32 : i32
    %add3A_34 = arith.constant 9920 : i32
    %add3A_35 = arith.addi %mul3A_33, %add3A_34 : i32
    %dma_wait3A = arith.constant 0 : i32
    %dma_wait3A_36 = tpu.memref_slice %arg2[%add3A_35, %dma_wait3A] : memref<320000x16xf32, #tpu.memory_space<hbm>> -> memref<80x16xf32, #tpu.memory_space<hbm>>
    %dma_wait3A_37 = arith.constant 0 : i32
    %dma_wait3A_38 = tpu.memref_slice %arg2[%add3A_35, %dma_wait3A_37] : memref<320000x16xf32, #tpu.memory_space<hbm>> -> memref<80x16xf32, #tpu.memory_space<hbm>>
    tpu.wait_dma2 semaphore(%arg12 : memref<!tpu.dma_semaphore, #tpu.memory_space<semaphore_mem>>) src(%dma_wait3A_38 : memref<80x16xf32, #tpu.memory_space<hbm>>) dst(%arg6 : memref<80x16xf32, #tpu.memory_space<vmem>>)
    %dma_wait3A_39 = arith.constant 123 : i32
    %dma_wait3A_40 = arith.constant 0 : i32
    %dma_wait3A_41 = tpu.memref_slice %arg5[%dma_wait3A_39, %dma_wait3A_40] : memref<125x80xi32, #tpu.memory_space<vmem>> -> memref<1x80xi32, #tpu.memory_space<vmem>>
    %dma_wait3A_42 = tpu.memref_squeeze %dma_wait3A_41 : memref<1x80xi32, #tpu.memory_space<vmem>> -> memref<80xi32, #tpu.memory_space<vmem>>
    %dma_wait3A_43 = arith.constant 0 : i32
    %dma_wait3A_44 = arith.constant 0 : i32
    %dma_wait3A_45 = tpu.memref_slice %arg11[%dma_wait3A_43, %dma_wait3A_44] : memref<10240x16xf32, #tpu.memory_space<vmem_shared>> -> memref<10240x16xf32, #tpu.memory_space<vmem_shared>>
    tpu.wait_indirect_dma semaphore(%arg19 : memref<!tpu.dma_semaphore, #tpu.memory_space<semaphore_mem>>) src(%arg9 : memref<80x16xf32, #tpu.memory_space<vmem>>) dst(%dma_wait3A_45 : memref<10240x16xf32, #tpu.memory_space<vmem_shared>>)
    %dma_start3A_46 = arith.constant 124 : i32
    %dma_start3A_47 = arith.constant 0 : i32
    %dma_start3A_48 = tpu.memref_slice %arg5[%dma_start3A_46, %dma_start3A_47] : memref<125x80xi32, #tpu.memory_space<vmem>> -> memref<1x80xi32, #tpu.memory_space<vmem>>
    %dma_start3A_49 = tpu.memref_squeeze %dma_start3A_48 : memref<1x80xi32, #tpu.memory_space<vmem>> -> memref<80xi32, #tpu.memory_space<vmem>>
    %dma_start3A_50 = arith.constant 0 : i32
    %dma_start3A_51 = arith.constant 0 : i32
    %dma_start3A_52 = tpu.memref_slice %arg11[%dma_start3A_50, %dma_start3A_51] : memref<10240x16xf32, #tpu.memory_space<vmem_shared>> -> memref<10240x16xf32, #tpu.memory_space<vmem_shared>>
    tpu.enqueue_indirect_dma source(%arg6 : memref<80x16xf32, #tpu.memory_space<vmem>>) target(%dma_start3A_52 : memref<10240x16xf32, #tpu.memory_space<vmem_shared>>) offsets(%dma_start3A_49 : memref<80xi32, #tpu.memory_space<vmem>>) semaphore(%arg16 : memref<!tpu.dma_semaphore, #tpu.memory_space<semaphore_mem>>) {add = true}
    %dma_wait3A_53 = arith.constant 124 : i32
    %dma_wait3A_54 = arith.constant 0 : i32
    %dma_wait3A_55 = tpu.memref_slice %arg5[%dma_wait3A_53, %dma_wait3A_54] : memref<125x80xi32, #tpu.memory_space<vmem>> -> memref<1x80xi32, #tpu.memory_space<vmem>>
    %dma_wait3A_56 = tpu.memref_squeeze %dma_wait3A_55 : memref<1x80xi32, #tpu.memory_space<vmem>> -> memref<80xi32, #tpu.memory_space<vmem>>
    %dma_wait3A_57 = arith.constant 0 : i32
    %dma_wait3A_58 = arith.constant 0 : i32
    %dma_wait3A_59 = tpu.memref_slice %arg11[%dma_wait3A_57, %dma_wait3A_58] : memref<10240x16xf32, #tpu.memory_space<vmem_shared>> -> memref<10240x16xf32, #tpu.memory_space<vmem_shared>>
    tpu.wait_indirect_dma semaphore(%arg16 : memref<!tpu.dma_semaphore, #tpu.memory_space<semaphore_mem>>) src(%arg6 : memref<80x16xf32, #tpu.memory_space<vmem>>) dst(%dma_wait3A_59 : memref<10240x16xf32, #tpu.memory_space<vmem_shared>>)
    %barrier3A_60 = arith.constant 0 : index
    tpu.barrier barrier_id(%barrier3A_60)
    %eq3A_61 = arith.constant 0 : i32
    %eq3A_62 = arith.cmpi eq, %arg1, %eq3A_61 : i32
    %convert_element_type3A_63 = arith.extui %eq3A_62 : i1 to i32
    %cond3A_64 = arith.constant 0 : i32
    %cond3A_65 = arith.cmpi ne, %convert_element_type3A_63, %cond3A_64 : i32
    scf.if %cond3A_65 {
      "tpu.region"() ({
        %run_scoped3A = tpu.sem_alloc : memref<!tpu.dma_semaphore, #tpu.memory_space<semaphore_mem>>
        %dma_start3A_66 = arith.constant 0 : i32
        %dma_start3A_67 = arith.constant 0 : i32
        %dma_start3A_68 = tpu.memref_slice %arg11[%dma_start3A_66, %dma_start3A_67] : memref<10240x16xf32, #tpu.memory_space<vmem_shared>> -> memref<640x16xf32, #tpu.memory_space<vmem_shared>>
        %dma_start3A_69 = arith.constant 0 : i32
        %dma_start3A_70 = arith.constant 0 : i32
        %dma_start3A_71 = tpu.memref_slice %arg11[%dma_start3A_69, %dma_start3A_70] : memref<10240x16xf32, #tpu.memory_space<vmem_shared>> -> memref<640x16xf32, #tpu.memory_space<vmem_shared>>
        tpu.enqueue_dma source(%dma_start3A_71 : memref<640x16xf32, #tpu.memory_space<vmem_shared>>) target(%arg10 : memref<640x16xf32, #tpu.memory_space<vmem>>) target_semaphore(%run_scoped3A : memref<!tpu.dma_semaphore, #tpu.memory_space<semaphore_mem>>)
        %dma_wait3A_72 = arith.constant 0 : i32
        %dma_wait3A_73 = arith.constant 0 : i32
        %dma_wait3A_74 = tpu.memref_slice %arg11[%dma_wait3A_72, %dma_wait3A_73] : memref<10240x16xf32, #tpu.memory_space<vmem_shared>> -> memref<640x16xf32, #tpu.memory_space<vmem_shared>>
        %dma_wait3A_75 = arith.constant 0 : i32
        %dma_wait3A_76 = arith.constant 0 : i32
        %dma_wait3A_77 = tpu.memref_slice %arg11[%dma_wait3A_75, %dma_wait3A_76] : memref<10240x16xf32, #tpu.memory_space<vmem_shared>> -> memref<640x16xf32, #tpu.memory_space<vmem_shared>>
        tpu.wait_dma2 semaphore(%run_scoped3A : memref<!tpu.dma_semaphore, #tpu.memory_space<semaphore_mem>>) src(%dma_wait3A_77 : memref<640x16xf32, #tpu.memory_space<vmem_shared>>) dst(%arg10 : memref<640x16xf32, #tpu.memory_space<vmem>>)
        tpu.yield
      }) : () -> ()
      "tpu.region"() ({
        %run_scoped3A = tpu.sem_alloc : memref<!tpu.dma_semaphore, #tpu.memory_space<semaphore_mem>>
        %dma_start3A_66 = arith.constant 0 : i32
        %dma_start3A_67 = arith.constant 0 : i32
        %dma_start3A_68 = tpu.memref_slice %arg4[%arg0, %dma_start3A_66, %dma_start3A_67] : memref<2x10240x16xf32, #tpu.memory_space<hbm>> -> memref<1x640x16xf32, #tpu.memory_space<hbm>>
        %dma_start3A_69 = tpu.memref_squeeze %dma_start3A_68 : memref<1x640x16xf32, #tpu.memory_space<hbm>> -> memref<640x16xf32, #tpu.memory_space<hbm>>
        %dma_start3A_70 = arith.constant 0 : i32
        %dma_start3A_71 = arith.constant 0 : i32
        %dma_start3A_72 = tpu.memref_slice %arg4[%arg0, %dma_start3A_70, %dma_start3A_71] : memref<2x10240x16xf32, #tpu.memory_space<hbm>> -> memref<1x640x16xf32, #tpu.memory_space<hbm>>
        %dma_start3A_73 = tpu.memref_squeeze %dma_start3A_72 : memref<1x640x16xf32, #tpu.memory_space<hbm>> -> memref<640x16xf32, #tpu.memory_space<hbm>>
        tpu.enqueue_dma source(%arg10 : memref<640x16xf32, #tpu.memory_space<vmem>>) target(%dma_start3A_73 : memref<640x16xf32, #tpu.memory_space<hbm>>) target_semaphore(%run_scoped3A : memref<!tpu.dma_semaphore, #tpu.memory_space<semaphore_mem>>)
        %dma_wait3A_74 = arith.constant 0 : i32
        %dma_wait3A_75 = arith.constant 0 : i32
        %dma_wait3A_76 = tpu.memref_slice %arg4[%arg0, %dma_wait3A_74, %dma_wait3A_75] : memref<2x10240x16xf32, #tpu.memory_space<hbm>> -> memref<1x640x16xf32, #tpu.memory_space<hbm>>
        %dma_wait3A_77 = tpu.memref_squeeze %dma_wait3A_76 : memref<1x640x16xf32, #tpu.memory_space<hbm>> -> memref<640x16xf32, #tpu.memory_space<hbm>>
        %dma_wait3A_78 = arith.constant 0 : i32
        %dma_wait3A_79 = arith.constant 0 : i32
        %dma_wait3A_80 = tpu.memref_slice %arg4[%arg0, %dma_wait3A_78, %dma_wait3A_79] : memref<2x10240x16xf32, #tpu.memory_space<hbm>> -> memref<1x640x16xf32, #tpu.memory_space<hbm>>
        %dma_wait3A_81 = tpu.memref_squeeze %dma_wait3A_80 : memref<1x640x16xf32, #tpu.memory_space<hbm>> -> memref<640x16xf32, #tpu.memory_space<hbm>>
        tpu.wait_dma2 semaphore(%run_scoped3A : memref<!tpu.dma_semaphore, #tpu.memory_space<semaphore_mem>>) src(%arg10 : memref<640x16xf32, #tpu.memory_space<vmem>>) dst(%dma_wait3A_81 : memref<640x16xf32, #tpu.memory_space<hbm>>)
        tpu.yield
      }) : () -> ()
      "tpu.region"() ({
        %run_scoped3A = tpu.sem_alloc : memref<!tpu.dma_semaphore, #tpu.memory_space<semaphore_mem>>
        %dma_start3A_66 = arith.constant 640 : i32
        %dma_start3A_67 = arith.constant 0 : i32
        %dma_start3A_68 = tpu.memref_slice %arg11[%dma_start3A_66, %dma_start3A_67] : memref<10240x16xf32, #tpu.memory_space<vmem_shared>> -> memref<640x16xf32, #tpu.memory_space<vmem_shared>>
        %dma_start3A_69 = arith.constant 640 : i32
        %dma_start3A_70 = arith.constant 0 : i32
        %dma_start3A_71 = tpu.memref_slice %arg11[%dma_start3A_69, %dma_start3A_70] : memref<10240x16xf32, #tpu.memory_space<vmem_shared>> -> memref<640x16xf32, #tpu.memory_space<vmem_shared>>
        tpu.enqueue_dma source(%dma_start3A_71 : memref<640x16xf32, #tpu.memory_space<vmem_shared>>) target(%arg10 : memref<640x16xf32, #tpu.memory_space<vmem>>) target_semaphore(%run_scoped3A : memref<!tpu.dma_semaphore, #tpu.memory_space<semaphore_mem>>)
        %dma_wait3A_72 = arith.constant 640 : i32
        %dma_wait3A_73 = arith.constant 0 : i32
        %dma_wait3A_74 = tpu.memref_slice %arg11[%dma_wait3A_72, %dma_wait3A_73] : memref<10240x16xf32, #tpu.memory_space<vmem_shared>> -> memref<640x16xf32, #tpu.memory_space<vmem_shared>>
        %dma_wait3A_75 = arith.constant 640 : i32
        %dma_wait3A_76 = arith.constant 0 : i32
        %dma_wait3A_77 = tpu.memref_slice %arg11[%dma_wait3A_75, %dma_wait3A_76] : memref<10240x16xf32, #tpu.memory_space<vmem_shared>> -> memref<640x16xf32, #tpu.memory_space<vmem_shared>>
        tpu.wait_dma2 semaphore(%run_scoped3A : memref<!tpu.dma_semaphore, #tpu.memory_space<semaphore_mem>>) src(%dma_wait3A_77 : memref<640x16xf32, #tpu.memory_space<vmem_shared>>) dst(%arg10 : memref<640x16xf32, #tpu.memory_space<vmem>>)
        tpu.yield
      }) : () -> ()
      "tpu.region"() ({
        %run_scoped3A = tpu.sem_alloc : memref<!tpu.dma_semaphore, #tpu.memory_space<semaphore_mem>>
        %dma_start3A_66 = arith.constant 640 : i32
        %dma_start3A_67 = arith.constant 0 : i32
        %dma_start3A_68 = tpu.memref_slice %arg4[%arg0, %dma_start3A_66, %dma_start3A_67] : memref<2x10240x16xf32, #tpu.memory_space<hbm>> -> memref<1x640x16xf32, #tpu.memory_space<hbm>>
        %dma_start3A_69 = tpu.memref_squeeze %dma_start3A_68 : memref<1x640x16xf32, #tpu.memory_space<hbm>> -> memref<640x16xf32, #tpu.memory_space<hbm>>
        %dma_start3A_70 = arith.constant 640 : i32
        %dma_start3A_71 = arith.constant 0 : i32
        %dma_start3A_72 = tpu.memref_slice %arg4[%arg0, %dma_start3A_70, %dma_start3A_71] : memref<2x10240x16xf32, #tpu.memory_space<hbm>> -> memref<1x640x16xf32, #tpu.memory_space<hbm>>
        %dma_start3A_73 = tpu.memref_squeeze %dma_start3A_72 : memref<1x640x16xf32, #tpu.memory_space<hbm>> -> memref<640x16xf32, #tpu.memory_space<hbm>>
        tpu.enqueue_dma source(%arg10 : memref<640x16xf32, #tpu.memory_space<vmem>>) target(%dma_start3A_73 : memref<640x16xf32, #tpu.memory_space<hbm>>) target_semaphore(%run_scoped3A : memref<!tpu.dma_semaphore, #tpu.memory_space<semaphore_mem>>)
        %dma_wait3A_74 = arith.constant 640 : i32
        %dma_wait3A_75 = arith.constant 0 : i32
        %dma_wait3A_76 = tpu.memref_slice %arg4[%arg0, %dma_wait3A_74, %dma_wait3A_75] : memref<2x10240x16xf32, #tpu.memory_space<hbm>> -> memref<1x640x16xf32, #tpu.memory_space<hbm>>
        %dma_wait3A_77 = tpu.memref_squeeze %dma_wait3A_76 : memref<1x640x16xf32, #tpu.memory_space<hbm>> -> memref<640x16xf32, #tpu.memory_space<hbm>>
        %dma_wait3A_78 = arith.constant 640 : i32
        %dma_wait3A_79 = arith.constant 0 : i32
        %dma_wait3A_80 = tpu.memref_slice %arg4[%arg0, %dma_wait3A_78, %dma_wait3A_79] : memref<2x10240x16xf32, #tpu.memory_space<hbm>> -> memref<1x640x16xf32, #tpu.memory_space<hbm>>
        %dma_wait3A_81 = tpu.memref_squeeze %dma_wait3A_80 : memref<1x640x16xf32, #tpu.memory_space<hbm>> -> memref<640x16xf32, #tpu.memory_space<hbm>>
        tpu.wait_dma2 semaphore(%run_scoped3A : memref<!tpu.dma_semaphore, #tpu.memory_space<semaphore_mem>>) src(%arg10 : memref<640x16xf32, #tpu.memory_space<vmem>>) dst(%dma_wait3A_81 : memref<640x16xf32, #tpu.memory_space<hbm>>)
        tpu.yield
      }) : () -> ()
      "tpu.region"() ({
        %run_scoped3A = tpu.sem_alloc : memref<!tpu.dma_semaphore, #tpu.memory_space<semaphore_mem>>
        %dma_start3A_66 = arith.constant 1280 : i32
        %dma_start3A_67 = arith.constant 0 : i32
        %dma_start3A_68 = tpu.memref_slice %arg11[%dma_start3A_66, %dma_start3A_67] : memref<10240x16xf32, #tpu.memory_space<vmem_shared>> -> memref<640x16xf32, #tpu.memory_space<vmem_shared>>
        %dma_start3A_69 = arith.constant 1280 : i32
        %dma_start3A_70 = arith.constant 0 : i32
        %dma_start3A_71 = tpu.memref_slice %arg11[%dma_start3A_69, %dma_start3A_70] : memref<10240x16xf32, #tpu.memory_space<vmem_shared>> -> memref<640x16xf32, #tpu.memory_space<vmem_shared>>
        tpu.enqueue_dma source(%dma_start3A_71 : memref<640x16xf32, #tpu.memory_space<vmem_shared>>) target(%arg10 : memref<640x16xf32, #tpu.memory_space<vmem>>) target_semaphore(%run_scoped3A : memref<!tpu.dma_semaphore, #tpu.memory_space<semaphore_mem>>)
        %dma_wait3A_72 = arith.constant 1280 : i32
        %dma_wait3A_73 = arith.constant 0 : i32
        %dma_wait3A_74 = tpu.memref_slice %arg11[%dma_wait3A_72, %dma_wait3A_73] : memref<10240x16xf32, #tpu.memory_space<vmem_shared>> -> memref<640x16xf32, #tpu.memory_space<vmem_shared>>
        %dma_wait3A_75 = arith.constant 1280 : i32
        %dma_wait3A_76 = arith.constant 0 : i32
        %dma_wait3A_77 = tpu.memref_slice %arg11[%dma_wait3A_75, %dma_wait3A_76] : memref<10240x16xf32, #tpu.memory_space<vmem_shared>> -> memref<640x16xf32, #tpu.memory_space<vmem_shared>>
        tpu.wait_dma2 semaphore(%run_scoped3A : memref<!tpu.dma_semaphore, #tpu.memory_space<semaphore_mem>>) src(%dma_wait3A_77 : memref<640x16xf32, #tpu.memory_space<vmem_shared>>) dst(%arg10 : memref<640x16xf32, #tpu.memory_space<vmem>>)
        tpu.yield
      }) : () -> ()
      "tpu.region"() ({
        %run_scoped3A = tpu.sem_alloc : memref<!tpu.dma_semaphore, #tpu.memory_space<semaphore_mem>>
        %dma_start3A_66 = arith.constant 1280 : i32
        %dma_start3A_67 = arith.constant 0 : i32
        %dma_start3A_68 = tpu.memref_slice %arg4[%arg0, %dma_start3A_66, %dma_start3A_67] : memref<2x10240x16xf32, #tpu.memory_space<hbm>> -> memref<1x640x16xf32, #tpu.memory_space<hbm>>
        %dma_start3A_69 = tpu.memref_squeeze %dma_start3A_68 : memref<1x640x16xf32, #tpu.memory_space<hbm>> -> memref<640x16xf32, #tpu.memory_space<hbm>>
        %dma_start3A_70 = arith.constant 1280 : i32
        %dma_start3A_71 = arith.constant 0 : i32
        %dma_start3A_72 = tpu.memref_slice %arg4[%arg0, %dma_start3A_70, %dma_start3A_71] : memref<2x10240x16xf32, #tpu.memory_space<hbm>> -> memref<1x640x16xf32, #tpu.memory_space<hbm>>
        %dma_start3A_73 = tpu.memref_squeeze %dma_start3A_72 : memref<1x640x16xf32, #tpu.memory_space<hbm>> -> memref<640x16xf32, #tpu.memory_space<hbm>>
        tpu.enqueue_dma source(%arg10 : memref<640x16xf32, #tpu.memory_space<vmem>>) target(%dma_start3A_73 : memref<640x16xf32, #tpu.memory_space<hbm>>) target_semaphore(%run_scoped3A : memref<!tpu.dma_semaphore, #tpu.memory_space<semaphore_mem>>)
        %dma_wait3A_74 = arith.constant 1280 : i32
        %dma_wait3A_75 = arith.constant 0 : i32
        %dma_wait3A_76 = tpu.memref_slice %arg4[%arg0, %dma_wait3A_74, %dma_wait3A_75] : memref<2x10240x16xf32, #tpu.memory_space<hbm>> -> memref<1x640x16xf32, #tpu.memory_space<hbm>>
        %dma_wait3A_77 = tpu.memref_squeeze %dma_wait3A_76 : memref<1x640x16xf32, #tpu.memory_space<hbm>> -> memref<640x16xf32, #tpu.memory_space<hbm>>
        %dma_wait3A_78 = arith.constant 1280 : i32
        %dma_wait3A_79 = arith.constant 0 : i32
        %dma_wait3A_80 = tpu.memref_slice %arg4[%arg0, %dma_wait3A_78, %dma_wait3A_79] : memref<2x10240x16xf32, #tpu.memory_space<hbm>> -> memref<1x640x16xf32, #tpu.memory_space<hbm>>
        %dma_wait3A_81 = tpu.memref_squeeze %dma_wait3A_80 : memref<1x640x16xf32, #tpu.memory_space<hbm>> -> memref<640x16xf32, #tpu.memory_space<hbm>>
        tpu.wait_dma2 semaphore(%run_scoped3A : memref<!tpu.dma_semaphore, #tpu.memory_space<semaphore_mem>>) src(%arg10 : memref<640x16xf32, #tpu.memory_space<vmem>>) dst(%dma_wait3A_81 : memref<640x16xf32, #tpu.memory_space<hbm>>)
        tpu.yield
      }) : () -> ()
      "tpu.region"() ({
        %run_scoped3A = tpu.sem_alloc : memref<!tpu.dma_semaphore, #tpu.memory_space<semaphore_mem>>
        %dma_start3A_66 = arith.constant 1920 : i32
        %dma_start3A_67 = arith.constant 0 : i32
        %dma_start3A_68 = tpu.memref_slice %arg11[%dma_start3A_66, %dma_start3A_67] : memref<10240x16xf32, #tpu.memory_space<vmem_shared>> -> memref<640x16xf32, #tpu.memory_space<vmem_shared>>
        %dma_start3A_69 = arith.constant 1920 : i32
        %dma_start3A_70 = arith.constant 0 : i32
        %dma_start3A_71 = tpu.memref_slice %arg11[%dma_start3A_69, %dma_start3A_70] : memref<10240x16xf32, #tpu.memory_space<vmem_shared>> -> memref<640x16xf32, #tpu.memory_space<vmem_shared>>
        tpu.enqueue_dma source(%dma_start3A_71 : memref<640x16xf32, #tpu.memory_space<vmem_shared>>) target(%arg10 : memref<640x16xf32, #tpu.memory_space<vmem>>) target_semaphore(%run_scoped3A : memref<!tpu.dma_semaphore, #tpu.memory_space<semaphore_mem>>)
        %dma_wait3A_72 = arith.constant 1920 : i32
        %dma_wait3A_73 = arith.constant 0 : i32
        %dma_wait3A_74 = tpu.memref_slice %arg11[%dma_wait3A_72, %dma_wait3A_73] : memref<10240x16xf32, #tpu.memory_space<vmem_shared>> -> memref<640x16xf32, #tpu.memory_space<vmem_shared>>
        %dma_wait3A_75 = arith.constant 1920 : i32
        %dma_wait3A_76 = arith.constant 0 : i32
        %dma_wait3A_77 = tpu.memref_slice %arg11[%dma_wait3A_75, %dma_wait3A_76] : memref<10240x16xf32, #tpu.memory_space<vmem_shared>> -> memref<640x16xf32, #tpu.memory_space<vmem_shared>>
        tpu.wait_dma2 semaphore(%run_scoped3A : memref<!tpu.dma_semaphore, #tpu.memory_space<semaphore_mem>>) src(%dma_wait3A_77 : memref<640x16xf32, #tpu.memory_space<vmem_shared>>) dst(%arg10 : memref<640x16xf32, #tpu.memory_space<vmem>>)
        tpu.yield
      }) : () -> ()
      "tpu.region"() ({
        %run_scoped3A = tpu.sem_alloc : memref<!tpu.dma_semaphore, #tpu.memory_space<semaphore_mem>>
        %dma_start3A_66 = arith.constant 1920 : i32
        %dma_start3A_67 = arith.constant 0 : i32
        %dma_start3A_68 = tpu.memref_slice %arg4[%arg0, %dma_start3A_66, %dma_start3A_67] : memref<2x10240x16xf32, #tpu.memory_space<hbm>> -> memref<1x640x16xf32, #tpu.memory_space<hbm>>
        %dma_start3A_69 = tpu.memref_squeeze %dma_start3A_68 : memref<1x640x16xf32, #tpu.memory_space<hbm>> -> memref<640x16xf32, #tpu.memory_space<hbm>>
        %dma_start3A_70 = arith.constant 1920 : i32
        %dma_start3A_71 = arith.constant 0 : i32
        %dma_start3A_72 = tpu.memref_slice %arg4[%arg0, %dma_start3A_70, %dma_start3A_71] : memref<2x10240x16xf32, #tpu.memory_space<hbm>> -> memref<1x640x16xf32, #tpu.memory_space<hbm>>
        %dma_start3A_73 = tpu.memref_squeeze %dma_start3A_72 : memref<1x640x16xf32, #tpu.memory_space<hbm>> -> memref<640x16xf32, #tpu.memory_space<hbm>>
        tpu.enqueue_dma source(%arg10 : memref<640x16xf32, #tpu.memory_space<vmem>>) target(%dma_start3A_73 : memref<640x16xf32, #tpu.memory_space<hbm>>) target_semaphore(%run_scoped3A : memref<!tpu.dma_semaphore, #tpu.memory_space<semaphore_mem>>)
        %dma_wait3A_74 = arith.constant 1920 : i32
        %dma_wait3A_75 = arith.constant 0 : i32
        %dma_wait3A_76 = tpu.memref_slice %arg4[%arg0, %dma_wait3A_74, %dma_wait3A_75] : memref<2x10240x16xf32, #tpu.memory_space<hbm>> -> memref<1x640x16xf32, #tpu.memory_space<hbm>>
        %dma_wait3A_77 = tpu.memref_squeeze %dma_wait3A_76 : memref<1x640x16xf32, #tpu.memory_space<hbm>> -> memref<640x16xf32, #tpu.memory_space<hbm>>
        %dma_wait3A_78 = arith.constant 1920 : i32
        %dma_wait3A_79 = arith.constant 0 : i32
        %dma_wait3A_80 = tpu.memref_slice %arg4[%arg0, %dma_wait3A_78, %dma_wait3A_79] : memref<2x10240x16xf32, #tpu.memory_space<hbm>> -> memref<1x640x16xf32, #tpu.memory_space<hbm>>
        %dma_wait3A_81 = tpu.memref_squeeze %dma_wait3A_80 : memref<1x640x16xf32, #tpu.memory_space<hbm>> -> memref<640x16xf32, #tpu.memory_space<hbm>>
        tpu.wait_dma2 semaphore(%run_scoped3A : memref<!tpu.dma_semaphore, #tpu.memory_space<semaphore_mem>>) src(%arg10 : memref<640x16xf32, #tpu.memory_space<vmem>>) dst(%dma_wait3A_81 : memref<640x16xf32, #tpu.memory_space<hbm>>)
        tpu.yield
      }) : () -> ()
      "tpu.region"() ({
        %run_scoped3A = tpu.sem_alloc : memref<!tpu.dma_semaphore, #tpu.memory_space<semaphore_mem>>
        %dma_start3A_66 = arith.constant 2560 : i32
        %dma_start3A_67 = arith.constant 0 : i32
        %dma_start3A_68 = tpu.memref_slice %arg11[%dma_start3A_66, %dma_start3A_67] : memref<10240x16xf32, #tpu.memory_space<vmem_shared>> -> memref<640x16xf32, #tpu.memory_space<vmem_shared>>
        %dma_start3A_69 = arith.constant 2560 : i32
        %dma_start3A_70 = arith.constant 0 : i32
        %dma_start3A_71 = tpu.memref_slice %arg11[%dma_start3A_69, %dma_start3A_70] : memref<10240x16xf32, #tpu.memory_space<vmem_shared>> -> memref<640x16xf32, #tpu.memory_space<vmem_shared>>
        tpu.enqueue_dma source(%dma_start3A_71 : memref<640x16xf32, #tpu.memory_space<vmem_shared>>) target(%arg10 : memref<640x16xf32, #tpu.memory_space<vmem>>) target_semaphore(%run_scoped3A : memref<!tpu.dma_semaphore, #tpu.memory_space<semaphore_mem>>)
        %dma_wait3A_72 = arith.constant 2560 : i32
        %dma_wait3A_73 = arith.constant 0 : i32
        %dma_wait3A_74 = tpu.memref_slice %arg11[%dma_wait3A_72, %dma_wait3A_73] : memref<10240x16xf32, #tpu.memory_space<vmem_shared>> -> memref<640x16xf32, #tpu.memory_space<vmem_shared>>
        %dma_wait3A_75 = arith.constant 2560 : i32
        %dma_wait3A_76 = arith.constant 0 : i32
        %dma_wait3A_77 = tpu.memref_slice %arg11[%dma_wait3A_75, %dma_wait3A_76] : memref<10240x16xf32, #tpu.memory_space<vmem_shared>> -> memref<640x16xf32, #tpu.memory_space<vmem_shared>>
        tpu.wait_dma2 semaphore(%run_scoped3A : memref<!tpu.dma_semaphore, #tpu.memory_space<semaphore_mem>>) src(%dma_wait3A_77 : memref<640x16xf32, #tpu.memory_space<vmem_shared>>) dst(%arg10 : memref<640x16xf32, #tpu.memory_space<vmem>>)
        tpu.yield
      }) : () -> ()
      "tpu.region"() ({
        %run_scoped3A = tpu.sem_alloc : memref<!tpu.dma_semaphore, #tpu.memory_space<semaphore_mem>>
        %dma_start3A_66 = arith.constant 2560 : i32
        %dma_start3A_67 = arith.constant 0 : i32
        %dma_start3A_68 = tpu.memref_slice %arg4[%arg0, %dma_start3A_66, %dma_start3A_67] : memref<2x10240x16xf32, #tpu.memory_space<hbm>> -> memref<1x640x16xf32, #tpu.memory_space<hbm>>
        %dma_start3A_69 = tpu.memref_squeeze %dma_start3A_68 : memref<1x640x16xf32, #tpu.memory_space<hbm>> -> memref<640x16xf32, #tpu.memory_space<hbm>>
        %dma_start3A_70 = arith.constant 2560 : i32
        %dma_start3A_71 = arith.constant 0 : i32
        %dma_start3A_72 = tpu.memref_slice %arg4[%arg0, %dma_start3A_70, %dma_start3A_71] : memref<2x10240x16xf32, #tpu.memory_space<hbm>> -> memref<1x640x16xf32, #tpu.memory_space<hbm>>
        %dma_start3A_73 = tpu.memref_squeeze %dma_start3A_72 : memref<1x640x16xf32, #tpu.memory_space<hbm>> -> memref<640x16xf32, #tpu.memory_space<hbm>>
        tpu.enqueue_dma source(%arg10 : memref<640x16xf32, #tpu.memory_space<vmem>>) target(%dma_start3A_73 : memref<640x16xf32, #tpu.memory_space<hbm>>) target_semaphore(%run_scoped3A : memref<!tpu.dma_semaphore, #tpu.memory_space<semaphore_mem>>)
        %dma_wait3A_74 = arith.constant 2560 : i32
        %dma_wait3A_75 = arith.constant 0 : i32
        %dma_wait3A_76 = tpu.memref_slice %arg4[%arg0, %dma_wait3A_74, %dma_wait3A_75] : memref<2x10240x16xf32, #tpu.memory_space<hbm>> -> memref<1x640x16xf32, #tpu.memory_space<hbm>>
        %dma_wait3A_77 = tpu.memref_squeeze %dma_wait3A_76 : memref<1x640x16xf32, #tpu.memory_space<hbm>> -> memref<640x16xf32, #tpu.memory_space<hbm>>
        %dma_wait3A_78 = arith.constant 2560 : i32
        %dma_wait3A_79 = arith.constant 0 : i32
        %dma_wait3A_80 = tpu.memref_slice %arg4[%arg0, %dma_wait3A_78, %dma_wait3A_79] : memref<2x10240x16xf32, #tpu.memory_space<hbm>> -> memref<1x640x16xf32, #tpu.memory_space<hbm>>
        %dma_wait3A_81 = tpu.memref_squeeze %dma_wait3A_80 : memref<1x640x16xf32, #tpu.memory_space<hbm>> -> memref<640x16xf32, #tpu.memory_space<hbm>>
        tpu.wait_dma2 semaphore(%run_scoped3A : memref<!tpu.dma_semaphore, #tpu.memory_space<semaphore_mem>>) src(%arg10 : memref<640x16xf32, #tpu.memory_space<vmem>>) dst(%dma_wait3A_81 : memref<640x16xf32, #tpu.memory_space<hbm>>)
        tpu.yield
      }) : () -> ()
      "tpu.region"() ({
        %run_scoped3A = tpu.sem_alloc : memref<!tpu.dma_semaphore, #tpu.memory_space<semaphore_mem>>
        %dma_start3A_66 = arith.constant 3200 : i32
        %dma_start3A_67 = arith.constant 0 : i32
        %dma_start3A_68 = tpu.memref_slice %arg11[%dma_start3A_66, %dma_start3A_67] : memref<10240x16xf32, #tpu.memory_space<vmem_shared>> -> memref<640x16xf32, #tpu.memory_space<vmem_shared>>
        %dma_start3A_69 = arith.constant 3200 : i32
        %dma_start3A_70 = arith.constant 0 : i32
        %dma_start3A_71 = tpu.memref_slice %arg11[%dma_start3A_69, %dma_start3A_70] : memref<10240x16xf32, #tpu.memory_space<vmem_shared>> -> memref<640x16xf32, #tpu.memory_space<vmem_shared>>
        tpu.enqueue_dma source(%dma_start3A_71 : memref<640x16xf32, #tpu.memory_space<vmem_shared>>) target(%arg10 : memref<640x16xf32, #tpu.memory_space<vmem>>) target_semaphore(%run_scoped3A : memref<!tpu.dma_semaphore, #tpu.memory_space<semaphore_mem>>)
        %dma_wait3A_72 = arith.constant 3200 : i32
        %dma_wait3A_73 = arith.constant 0 : i32
        %dma_wait3A_74 = tpu.memref_slice %arg11[%dma_wait3A_72, %dma_wait3A_73] : memref<10240x16xf32, #tpu.memory_space<vmem_shared>> -> memref<640x16xf32, #tpu.memory_space<vmem_shared>>
        %dma_wait3A_75 = arith.constant 3200 : i32
        %dma_wait3A_76 = arith.constant 0 : i32
        %dma_wait3A_77 = tpu.memref_slice %arg11[%dma_wait3A_75, %dma_wait3A_76] : memref<10240x16xf32, #tpu.memory_space<vmem_shared>> -> memref<640x16xf32, #tpu.memory_space<vmem_shared>>
        tpu.wait_dma2 semaphore(%run_scoped3A : memref<!tpu.dma_semaphore, #tpu.memory_space<semaphore_mem>>) src(%dma_wait3A_77 : memref<640x16xf32, #tpu.memory_space<vmem_shared>>) dst(%arg10 : memref<640x16xf32, #tpu.memory_space<vmem>>)
        tpu.yield
      }) : () -> ()
      "tpu.region"() ({
        %run_scoped3A = tpu.sem_alloc : memref<!tpu.dma_semaphore, #tpu.memory_space<semaphore_mem>>
        %dma_start3A_66 = arith.constant 3200 : i32
        %dma_start3A_67 = arith.constant 0 : i32
        %dma_start3A_68 = tpu.memref_slice %arg4[%arg0, %dma_start3A_66, %dma_start3A_67] : memref<2x10240x16xf32, #tpu.memory_space<hbm>> -> memref<1x640x16xf32, #tpu.memory_space<hbm>>
        %dma_start3A_69 = tpu.memref_squeeze %dma_start3A_68 : memref<1x640x16xf32, #tpu.memory_space<hbm>> -> memref<640x16xf32, #tpu.memory_space<hbm>>
        %dma_start3A_70 = arith.constant 3200 : i32
        %dma_start3A_71 = arith.constant 0 : i32
        %dma_start3A_72 = tpu.memref_slice %arg4[%arg0, %dma_start3A_70, %dma_start3A_71] : memref<2x10240x16xf32, #tpu.memory_space<hbm>> -> memref<1x640x16xf32, #tpu.memory_space<hbm>>
        %dma_start3A_73 = tpu.memref_squeeze %dma_start3A_72 : memref<1x640x16xf32, #tpu.memory_space<hbm>> -> memref<640x16xf32, #tpu.memory_space<hbm>>
        tpu.enqueue_dma source(%arg10 : memref<640x16xf32, #tpu.memory_space<vmem>>) target(%dma_start3A_73 : memref<640x16xf32, #tpu.memory_space<hbm>>) target_semaphore(%run_scoped3A : memref<!tpu.dma_semaphore, #tpu.memory_space<semaphore_mem>>)
        %dma_wait3A_74 = arith.constant 3200 : i32
        %dma_wait3A_75 = arith.constant 0 : i32
        %dma_wait3A_76 = tpu.memref_slice %arg4[%arg0, %dma_wait3A_74, %dma_wait3A_75] : memref<2x10240x16xf32, #tpu.memory_space<hbm>> -> memref<1x640x16xf32, #tpu.memory_space<hbm>>
        %dma_wait3A_77 = tpu.memref_squeeze %dma_wait3A_76 : memref<1x640x16xf32, #tpu.memory_space<hbm>> -> memref<640x16xf32, #tpu.memory_space<hbm>>
        %dma_wait3A_78 = arith.constant 3200 : i32
        %dma_wait3A_79 = arith.constant 0 : i32
        %dma_wait3A_80 = tpu.memref_slice %arg4[%arg0, %dma_wait3A_78, %dma_wait3A_79] : memref<2x10240x16xf32, #tpu.memory_space<hbm>> -> memref<1x640x16xf32, #tpu.memory_space<hbm>>
        %dma_wait3A_81 = tpu.memref_squeeze %dma_wait3A_80 : memref<1x640x16xf32, #tpu.memory_space<hbm>> -> memref<640x16xf32, #tpu.memory_space<hbm>>
        tpu.wait_dma2 semaphore(%run_scoped3A : memref<!tpu.dma_semaphore, #tpu.memory_space<semaphore_mem>>) src(%arg10 : memref<640x16xf32, #tpu.memory_space<vmem>>) dst(%dma_wait3A_81 : memref<640x16xf32, #tpu.memory_space<hbm>>)
        tpu.yield
      }) : () -> ()
      "tpu.region"() ({
        %run_scoped3A = tpu.sem_alloc : memref<!tpu.dma_semaphore, #tpu.memory_space<semaphore_mem>>
        %dma_start3A_66 = arith.constant 3840 : i32
        %dma_start3A_67 = arith.constant 0 : i32
        %dma_start3A_68 = tpu.memref_slice %arg11[%dma_start3A_66, %dma_start3A_67] : memref<10240x16xf32, #tpu.memory_space<vmem_shared>> -> memref<640x16xf32, #tpu.memory_space<vmem_shared>>
        %dma_start3A_69 = arith.constant 3840 : i32
        %dma_start3A_70 = arith.constant 0 : i32
        %dma_start3A_71 = tpu.memref_slice %arg11[%dma_start3A_69, %dma_start3A_70] : memref<10240x16xf32, #tpu.memory_space<vmem_shared>> -> memref<640x16xf32, #tpu.memory_space<vmem_shared>>
        tpu.enqueue_dma source(%dma_start3A_71 : memref<640x16xf32, #tpu.memory_space<vmem_shared>>) target(%arg10 : memref<640x16xf32, #tpu.memory_space<vmem>>) target_semaphore(%run_scoped3A : memref<!tpu.dma_semaphore, #tpu.memory_space<semaphore_mem>>)
        %dma_wait3A_72 = arith.constant 3840 : i32
        %dma_wait3A_73 = arith.constant 0 : i32
        %dma_wait3A_74 = tpu.memref_slice %arg11[%dma_wait3A_72, %dma_wait3A_73] : memref<10240x16xf32, #tpu.memory_space<vmem_shared>> -> memref<640x16xf32, #tpu.memory_space<vmem_shared>>
        %dma_wait3A_75 = arith.constant 3840 : i32
        %dma_wait3A_76 = arith.constant 0 : i32
        %dma_wait3A_77 = tpu.memref_slice %arg11[%dma_wait3A_75, %dma_wait3A_76] : memref<10240x16xf32, #tpu.memory_space<vmem_shared>> -> memref<640x16xf32, #tpu.memory_space<vmem_shared>>
        tpu.wait_dma2 semaphore(%run_scoped3A : memref<!tpu.dma_semaphore, #tpu.memory_space<semaphore_mem>>) src(%dma_wait3A_77 : memref<640x16xf32, #tpu.memory_space<vmem_shared>>) dst(%arg10 : memref<640x16xf32, #tpu.memory_space<vmem>>)
        tpu.yield
      }) : () -> ()
      "tpu.region"() ({
        %run_scoped3A = tpu.sem_alloc : memref<!tpu.dma_semaphore, #tpu.memory_space<semaphore_mem>>
        %dma_start3A_66 = arith.constant 3840 : i32
        %dma_start3A_67 = arith.constant 0 : i32
        %dma_start3A_68 = tpu.memref_slice %arg4[%arg0, %dma_start3A_66, %dma_start3A_67] : memref<2x10240x16xf32, #tpu.memory_space<hbm>> -> memref<1x640x16xf32, #tpu.memory_space<hbm>>
        %dma_start3A_69 = tpu.memref_squeeze %dma_start3A_68 : memref<1x640x16xf32, #tpu.memory_space<hbm>> -> memref<640x16xf32, #tpu.memory_space<hbm>>
        %dma_start3A_70 = arith.constant 3840 : i32
        %dma_start3A_71 = arith.constant 0 : i32
        %dma_start3A_72 = tpu.memref_slice %arg4[%arg0, %dma_start3A_70, %dma_start3A_71] : memref<2x10240x16xf32, #tpu.memory_space<hbm>> -> memref<1x640x16xf32, #tpu.memory_space<hbm>>
        %dma_start3A_73 = tpu.memref_squeeze %dma_start3A_72 : memref<1x640x16xf32, #tpu.memory_space<hbm>> -> memref<640x16xf32, #tpu.memory_space<hbm>>
        tpu.enqueue_dma source(%arg10 : memref<640x16xf32, #tpu.memory_space<vmem>>) target(%dma_start3A_73 : memref<640x16xf32, #tpu.memory_space<hbm>>) target_semaphore(%run_scoped3A : memref<!tpu.dma_semaphore, #tpu.memory_space<semaphore_mem>>)
        %dma_wait3A_74 = arith.constant 3840 : i32
        %dma_wait3A_75 = arith.constant 0 : i32
        %dma_wait3A_76 = tpu.memref_slice %arg4[%arg0, %dma_wait3A_74, %dma_wait3A_75] : memref<2x10240x16xf32, #tpu.memory_space<hbm>> -> memref<1x640x16xf32, #tpu.memory_space<hbm>>
        %dma_wait3A_77 = tpu.memref_squeeze %dma_wait3A_76 : memref<1x640x16xf32, #tpu.memory_space<hbm>> -> memref<640x16xf32, #tpu.memory_space<hbm>>
        %dma_wait3A_78 = arith.constant 3840 : i32
        %dma_wait3A_79 = arith.constant 0 : i32
        %dma_wait3A_80 = tpu.memref_slice %arg4[%arg0, %dma_wait3A_78, %dma_wait3A_79] : memref<2x10240x16xf32, #tpu.memory_space<hbm>> -> memref<1x640x16xf32, #tpu.memory_space<hbm>>
        %dma_wait3A_81 = tpu.memref_squeeze %dma_wait3A_80 : memref<1x640x16xf32, #tpu.memory_space<hbm>> -> memref<640x16xf32, #tpu.memory_space<hbm>>
        tpu.wait_dma2 semaphore(%run_scoped3A : memref<!tpu.dma_semaphore, #tpu.memory_space<semaphore_mem>>) src(%arg10 : memref<640x16xf32, #tpu.memory_space<vmem>>) dst(%dma_wait3A_81 : memref<640x16xf32, #tpu.memory_space<hbm>>)
        tpu.yield
      }) : () -> ()
      "tpu.region"() ({
        %run_scoped3A = tpu.sem_alloc : memref<!tpu.dma_semaphore, #tpu.memory_space<semaphore_mem>>
        %dma_start3A_66 = arith.constant 4480 : i32
        %dma_start3A_67 = arith.constant 0 : i32
        %dma_start3A_68 = tpu.memref_slice %arg11[%dma_start3A_66, %dma_start3A_67] : memref<10240x16xf32, #tpu.memory_space<vmem_shared>> -> memref<640x16xf32, #tpu.memory_space<vmem_shared>>
        %dma_start3A_69 = arith.constant 4480 : i32
        %dma_start3A_70 = arith.constant 0 : i32
        %dma_start3A_71 = tpu.memref_slice %arg11[%dma_start3A_69, %dma_start3A_70] : memref<10240x16xf32, #tpu.memory_space<vmem_shared>> -> memref<640x16xf32, #tpu.memory_space<vmem_shared>>
        tpu.enqueue_dma source(%dma_start3A_71 : memref<640x16xf32, #tpu.memory_space<vmem_shared>>) target(%arg10 : memref<640x16xf32, #tpu.memory_space<vmem>>) target_semaphore(%run_scoped3A : memref<!tpu.dma_semaphore, #tpu.memory_space<semaphore_mem>>)
        %dma_wait3A_72 = arith.constant 4480 : i32
        %dma_wait3A_73 = arith.constant 0 : i32
        %dma_wait3A_74 = tpu.memref_slice %arg11[%dma_wait3A_72, %dma_wait3A_73] : memref<10240x16xf32, #tpu.memory_space<vmem_shared>> -> memref<640x16xf32, #tpu.memory_space<vmem_shared>>
        %dma_wait3A_75 = arith.constant 4480 : i32
        %dma_wait3A_76 = arith.constant 0 : i32
        %dma_wait3A_77 = tpu.memref_slice %arg11[%dma_wait3A_75, %dma_wait3A_76] : memref<10240x16xf32, #tpu.memory_space<vmem_shared>> -> memref<640x16xf32, #tpu.memory_space<vmem_shared>>
        tpu.wait_dma2 semaphore(%run_scoped3A : memref<!tpu.dma_semaphore, #tpu.memory_space<semaphore_mem>>) src(%dma_wait3A_77 : memref<640x16xf32, #tpu.memory_space<vmem_shared>>) dst(%arg10 : memref<640x16xf32, #tpu.memory_space<vmem>>)
        tpu.yield
      }) : () -> ()
      "tpu.region"() ({
        %run_scoped3A = tpu.sem_alloc : memref<!tpu.dma_semaphore, #tpu.memory_space<semaphore_mem>>
        %dma_start3A_66 = arith.constant 4480 : i32
        %dma_start3A_67 = arith.constant 0 : i32
        %dma_start3A_68 = tpu.memref_slice %arg4[%arg0, %dma_start3A_66, %dma_start3A_67] : memref<2x10240x16xf32, #tpu.memory_space<hbm>> -> memref<1x640x16xf32, #tpu.memory_space<hbm>>
        %dma_start3A_69 = tpu.memref_squeeze %dma_start3A_68 : memref<1x640x16xf32, #tpu.memory_space<hbm>> -> memref<640x16xf32, #tpu.memory_space<hbm>>
        %dma_start3A_70 = arith.constant 4480 : i32
        %dma_start3A_71 = arith.constant 0 : i32
        %dma_start3A_72 = tpu.memref_slice %arg4[%arg0, %dma_start3A_70, %dma_start3A_71] : memref<2x10240x16xf32, #tpu.memory_space<hbm>> -> memref<1x640x16xf32, #tpu.memory_space<hbm>>
        %dma_start3A_73 = tpu.memref_squeeze %dma_start3A_72 : memref<1x640x16xf32, #tpu.memory_space<hbm>> -> memref<640x16xf32, #tpu.memory_space<hbm>>
        tpu.enqueue_dma source(%arg10 : memref<640x16xf32, #tpu.memory_space<vmem>>) target(%dma_start3A_73 : memref<640x16xf32, #tpu.memory_space<hbm>>) target_semaphore(%run_scoped3A : memref<!tpu.dma_semaphore, #tpu.memory_space<semaphore_mem>>)
        %dma_wait3A_74 = arith.constant 4480 : i32
        %dma_wait3A_75 = arith.constant 0 : i32
        %dma_wait3A_76 = tpu.memref_slice %arg4[%arg0, %dma_wait3A_74, %dma_wait3A_75] : memref<2x10240x16xf32, #tpu.memory_space<hbm>> -> memref<1x640x16xf32, #tpu.memory_space<hbm>>
        %dma_wait3A_77 = tpu.memref_squeeze %dma_wait3A_76 : memref<1x640x16xf32, #tpu.memory_space<hbm>> -> memref<640x16xf32, #tpu.memory_space<hbm>>
        %dma_wait3A_78 = arith.constant 4480 : i32
        %dma_wait3A_79 = arith.constant 0 : i32
        %dma_wait3A_80 = tpu.memref_slice %arg4[%arg0, %dma_wait3A_78, %dma_wait3A_79] : memref<2x10240x16xf32, #tpu.memory_space<hbm>> -> memref<1x640x16xf32, #tpu.memory_space<hbm>>
        %dma_wait3A_81 = tpu.memref_squeeze %dma_wait3A_80 : memref<1x640x16xf32, #tpu.memory_space<hbm>> -> memref<640x16xf32, #tpu.memory_space<hbm>>
        tpu.wait_dma2 semaphore(%run_scoped3A : memref<!tpu.dma_semaphore, #tpu.memory_space<semaphore_mem>>) src(%arg10 : memref<640x16xf32, #tpu.memory_space<vmem>>) dst(%dma_wait3A_81 : memref<640x16xf32, #tpu.memory_space<hbm>>)
        tpu.yield
      }) : () -> ()
      "tpu.region"() ({
        %run_scoped3A = tpu.sem_alloc : memref<!tpu.dma_semaphore, #tpu.memory_space<semaphore_mem>>
        %dma_start3A_66 = arith.constant 5120 : i32
        %dma_start3A_67 = arith.constant 0 : i32
        %dma_start3A_68 = tpu.memref_slice %arg11[%dma_start3A_66, %dma_start3A_67] : memref<10240x16xf32, #tpu.memory_space<vmem_shared>> -> memref<640x16xf32, #tpu.memory_space<vmem_shared>>
        %dma_start3A_69 = arith.constant 5120 : i32
        %dma_start3A_70 = arith.constant 0 : i32
        %dma_start3A_71 = tpu.memref_slice %arg11[%dma_start3A_69, %dma_start3A_70] : memref<10240x16xf32, #tpu.memory_space<vmem_shared>> -> memref<640x16xf32, #tpu.memory_space<vmem_shared>>
        tpu.enqueue_dma source(%dma_start3A_71 : memref<640x16xf32, #tpu.memory_space<vmem_shared>>) target(%arg10 : memref<640x16xf32, #tpu.memory_space<vmem>>) target_semaphore(%run_scoped3A : memref<!tpu.dma_semaphore, #tpu.memory_space<semaphore_mem>>)
        %dma_wait3A_72 = arith.constant 5120 : i32
        %dma_wait3A_73 = arith.constant 0 : i32
        %dma_wait3A_74 = tpu.memref_slice %arg11[%dma_wait3A_72, %dma_wait3A_73] : memref<10240x16xf32, #tpu.memory_space<vmem_shared>> -> memref<640x16xf32, #tpu.memory_space<vmem_shared>>
        %dma_wait3A_75 = arith.constant 5120 : i32
        %dma_wait3A_76 = arith.constant 0 : i32
        %dma_wait3A_77 = tpu.memref_slice %arg11[%dma_wait3A_75, %dma_wait3A_76] : memref<10240x16xf32, #tpu.memory_space<vmem_shared>> -> memref<640x16xf32, #tpu.memory_space<vmem_shared>>
        tpu.wait_dma2 semaphore(%run_scoped3A : memref<!tpu.dma_semaphore, #tpu.memory_space<semaphore_mem>>) src(%dma_wait3A_77 : memref<640x16xf32, #tpu.memory_space<vmem_shared>>) dst(%arg10 : memref<640x16xf32, #tpu.memory_space<vmem>>)
        tpu.yield
      }) : () -> ()
      "tpu.region"() ({
        %run_scoped3A = tpu.sem_alloc : memref<!tpu.dma_semaphore, #tpu.memory_space<semaphore_mem>>
        %dma_start3A_66 = arith.constant 5120 : i32
        %dma_start3A_67 = arith.constant 0 : i32
        %dma_start3A_68 = tpu.memref_slice %arg4[%arg0, %dma_start3A_66, %dma_start3A_67] : memref<2x10240x16xf32, #tpu.memory_space<hbm>> -> memref<1x640x16xf32, #tpu.memory_space<hbm>>
        %dma_start3A_69 = tpu.memref_squeeze %dma_start3A_68 : memref<1x640x16xf32, #tpu.memory_space<hbm>> -> memref<640x16xf32, #tpu.memory_space<hbm>>
        %dma_start3A_70 = arith.constant 5120 : i32
        %dma_start3A_71 = arith.constant 0 : i32
        %dma_start3A_72 = tpu.memref_slice %arg4[%arg0, %dma_start3A_70, %dma_start3A_71] : memref<2x10240x16xf32, #tpu.memory_space<hbm>> -> memref<1x640x16xf32, #tpu.memory_space<hbm>>
        %dma_start3A_73 = tpu.memref_squeeze %dma_start3A_72 : memref<1x640x16xf32, #tpu.memory_space<hbm>> -> memref<640x16xf32, #tpu.memory_space<hbm>>
        tpu.enqueue_dma source(%arg10 : memref<640x16xf32, #tpu.memory_space<vmem>>) target(%dma_start3A_73 : memref<640x16xf32, #tpu.memory_space<hbm>>) target_semaphore(%run_scoped3A : memref<!tpu.dma_semaphore, #tpu.memory_space<semaphore_mem>>)
        %dma_wait3A_74 = arith.constant 5120 : i32
        %dma_wait3A_75 = arith.constant 0 : i32
        %dma_wait3A_76 = tpu.memref_slice %arg4[%arg0, %dma_wait3A_74, %dma_wait3A_75] : memref<2x10240x16xf32, #tpu.memory_space<hbm>> -> memref<1x640x16xf32, #tpu.memory_space<hbm>>
        %dma_wait3A_77 = tpu.memref_squeeze %dma_wait3A_76 : memref<1x640x16xf32, #tpu.memory_space<hbm>> -> memref<640x16xf32, #tpu.memory_space<hbm>>
        %dma_wait3A_78 = arith.constant 5120 : i32
        %dma_wait3A_79 = arith.constant 0 : i32
        %dma_wait3A_80 = tpu.memref_slice %arg4[%arg0, %dma_wait3A_78, %dma_wait3A_79] : memref<2x10240x16xf32, #tpu.memory_space<hbm>> -> memref<1x640x16xf32, #tpu.memory_space<hbm>>
        %dma_wait3A_81 = tpu.memref_squeeze %dma_wait3A_80 : memref<1x640x16xf32, #tpu.memory_space<hbm>> -> memref<640x16xf32, #tpu.memory_space<hbm>>
        tpu.wait_dma2 semaphore(%run_scoped3A : memref<!tpu.dma_semaphore, #tpu.memory_space<semaphore_mem>>) src(%arg10 : memref<640x16xf32, #tpu.memory_space<vmem>>) dst(%dma_wait3A_81 : memref<640x16xf32, #tpu.memory_space<hbm>>)
        tpu.yield
      }) : () -> ()
      "tpu.region"() ({
        %run_scoped3A = tpu.sem_alloc : memref<!tpu.dma_semaphore, #tpu.memory_space<semaphore_mem>>
        %dma_start3A_66 = arith.constant 5760 : i32
        %dma_start3A_67 = arith.constant 0 : i32
        %dma_start3A_68 = tpu.memref_slice %arg11[%dma_start3A_66, %dma_start3A_67] : memref<10240x16xf32, #tpu.memory_space<vmem_shared>> -> memref<640x16xf32, #tpu.memory_space<vmem_shared>>
        %dma_start3A_69 = arith.constant 5760 : i32
        %dma_start3A_70 = arith.constant 0 : i32
        %dma_start3A_71 = tpu.memref_slice %arg11[%dma_start3A_69, %dma_start3A_70] : memref<10240x16xf32, #tpu.memory_space<vmem_shared>> -> memref<640x16xf32, #tpu.memory_space<vmem_shared>>
        tpu.enqueue_dma source(%dma_start3A_71 : memref<640x16xf32, #tpu.memory_space<vmem_shared>>) target(%arg10 : memref<640x16xf32, #tpu.memory_space<vmem>>) target_semaphore(%run_scoped3A : memref<!tpu.dma_semaphore, #tpu.memory_space<semaphore_mem>>)
        %dma_wait3A_72 = arith.constant 5760 : i32
        %dma_wait3A_73 = arith.constant 0 : i32
        %dma_wait3A_74 = tpu.memref_slice %arg11[%dma_wait3A_72, %dma_wait3A_73] : memref<10240x16xf32, #tpu.memory_space<vmem_shared>> -> memref<640x16xf32, #tpu.memory_space<vmem_shared>>
        %dma_wait3A_75 = arith.constant 5760 : i32
        %dma_wait3A_76 = arith.constant 0 : i32
        %dma_wait3A_77 = tpu.memref_slice %arg11[%dma_wait3A_75, %dma_wait3A_76] : memref<10240x16xf32, #tpu.memory_space<vmem_shared>> -> memref<640x16xf32, #tpu.memory_space<vmem_shared>>
        tpu.wait_dma2 semaphore(%run_scoped3A : memref<!tpu.dma_semaphore, #tpu.memory_space<semaphore_mem>>) src(%dma_wait3A_77 : memref<640x16xf32, #tpu.memory_space<vmem_shared>>) dst(%arg10 : memref<640x16xf32, #tpu.memory_space<vmem>>)
        tpu.yield
      }) : () -> ()
      "tpu.region"() ({
        %run_scoped3A = tpu.sem_alloc : memref<!tpu.dma_semaphore, #tpu.memory_space<semaphore_mem>>
        %dma_start3A_66 = arith.constant 5760 : i32
        %dma_start3A_67 = arith.constant 0 : i32
        %dma_start3A_68 = tpu.memref_slice %arg4[%arg0, %dma_start3A_66, %dma_start3A_67] : memref<2x10240x16xf32, #tpu.memory_space<hbm>> -> memref<1x640x16xf32, #tpu.memory_space<hbm>>
        %dma_start3A_69 = tpu.memref_squeeze %dma_start3A_68 : memref<1x640x16xf32, #tpu.memory_space<hbm>> -> memref<640x16xf32, #tpu.memory_space<hbm>>
        %dma_start3A_70 = arith.constant 5760 : i32
        %dma_start3A_71 = arith.constant 0 : i32
        %dma_start3A_72 = tpu.memref_slice %arg4[%arg0, %dma_start3A_70, %dma_start3A_71] : memref<2x10240x16xf32, #tpu.memory_space<hbm>> -> memref<1x640x16xf32, #tpu.memory_space<hbm>>
        %dma_start3A_73 = tpu.memref_squeeze %dma_start3A_72 : memref<1x640x16xf32, #tpu.memory_space<hbm>> -> memref<640x16xf32, #tpu.memory_space<hbm>>
        tpu.enqueue_dma source(%arg10 : memref<640x16xf32, #tpu.memory_space<vmem>>) target(%dma_start3A_73 : memref<640x16xf32, #tpu.memory_space<hbm>>) target_semaphore(%run_scoped3A : memref<!tpu.dma_semaphore, #tpu.memory_space<semaphore_mem>>)
        %dma_wait3A_74 = arith.constant 5760 : i32
        %dma_wait3A_75 = arith.constant 0 : i32
        %dma_wait3A_76 = tpu.memref_slice %arg4[%arg0, %dma_wait3A_74, %dma_wait3A_75] : memref<2x10240x16xf32, #tpu.memory_space<hbm>> -> memref<1x640x16xf32, #tpu.memory_space<hbm>>
        %dma_wait3A_77 = tpu.memref_squeeze %dma_wait3A_76 : memref<1x640x16xf32, #tpu.memory_space<hbm>> -> memref<640x16xf32, #tpu.memory_space<hbm>>
        %dma_wait3A_78 = arith.constant 5760 : i32
        %dma_wait3A_79 = arith.constant 0 : i32
        %dma_wait3A_80 = tpu.memref_slice %arg4[%arg0, %dma_wait3A_78, %dma_wait3A_79] : memref<2x10240x16xf32, #tpu.memory_space<hbm>> -> memref<1x640x16xf32, #tpu.memory_space<hbm>>
        %dma_wait3A_81 = tpu.memref_squeeze %dma_wait3A_80 : memref<1x640x16xf32, #tpu.memory_space<hbm>> -> memref<640x16xf32, #tpu.memory_space<hbm>>
        tpu.wait_dma2 semaphore(%run_scoped3A : memref<!tpu.dma_semaphore, #tpu.memory_space<semaphore_mem>>) src(%arg10 : memref<640x16xf32, #tpu.memory_space<vmem>>) dst(%dma_wait3A_81 : memref<640x16xf32, #tpu.memory_space<hbm>>)
        tpu.yield
      }) : () -> ()
      "tpu.region"() ({
        %run_scoped3A = tpu.sem_alloc : memref<!tpu.dma_semaphore, #tpu.memory_space<semaphore_mem>>
        %dma_start3A_66 = arith.constant 6400 : i32
        %dma_start3A_67 = arith.constant 0 : i32
        %dma_start3A_68 = tpu.memref_slice %arg11[%dma_start3A_66, %dma_start3A_67] : memref<10240x16xf32, #tpu.memory_space<vmem_shared>> -> memref<640x16xf32, #tpu.memory_space<vmem_shared>>
        %dma_start3A_69 = arith.constant 6400 : i32
        %dma_start3A_70 = arith.constant 0 : i32
        %dma_start3A_71 = tpu.memref_slice %arg11[%dma_start3A_69, %dma_start3A_70] : memref<10240x16xf32, #tpu.memory_space<vmem_shared>> -> memref<640x16xf32, #tpu.memory_space<vmem_shared>>
        tpu.enqueue_dma source(%dma_start3A_71 : memref<640x16xf32, #tpu.memory_space<vmem_shared>>) target(%arg10 : memref<640x16xf32, #tpu.memory_space<vmem>>) target_semaphore(%run_scoped3A : memref<!tpu.dma_semaphore, #tpu.memory_space<semaphore_mem>>)
        %dma_wait3A_72 = arith.constant 6400 : i32
        %dma_wait3A_73 = arith.constant 0 : i32
        %dma_wait3A_74 = tpu.memref_slice %arg11[%dma_wait3A_72, %dma_wait3A_73] : memref<10240x16xf32, #tpu.memory_space<vmem_shared>> -> memref<640x16xf32, #tpu.memory_space<vmem_shared>>
        %dma_wait3A_75 = arith.constant 6400 : i32
        %dma_wait3A_76 = arith.constant 0 : i32
        %dma_wait3A_77 = tpu.memref_slice %arg11[%dma_wait3A_75, %dma_wait3A_76] : memref<10240x16xf32, #tpu.memory_space<vmem_shared>> -> memref<640x16xf32, #tpu.memory_space<vmem_shared>>
        tpu.wait_dma2 semaphore(%run_scoped3A : memref<!tpu.dma_semaphore, #tpu.memory_space<semaphore_mem>>) src(%dma_wait3A_77 : memref<640x16xf32, #tpu.memory_space<vmem_shared>>) dst(%arg10 : memref<640x16xf32, #tpu.memory_space<vmem>>)
        tpu.yield
      }) : () -> ()
      "tpu.region"() ({
        %run_scoped3A = tpu.sem_alloc : memref<!tpu.dma_semaphore, #tpu.memory_space<semaphore_mem>>
        %dma_start3A_66 = arith.constant 6400 : i32
        %dma_start3A_67 = arith.constant 0 : i32
        %dma_start3A_68 = tpu.memref_slice %arg4[%arg0, %dma_start3A_66, %dma_start3A_67] : memref<2x10240x16xf32, #tpu.memory_space<hbm>> -> memref<1x640x16xf32, #tpu.memory_space<hbm>>
        %dma_start3A_69 = tpu.memref_squeeze %dma_start3A_68 : memref<1x640x16xf32, #tpu.memory_space<hbm>> -> memref<640x16xf32, #tpu.memory_space<hbm>>
        %dma_start3A_70 = arith.constant 6400 : i32
        %dma_start3A_71 = arith.constant 0 : i32
        %dma_start3A_72 = tpu.memref_slice %arg4[%arg0, %dma_start3A_70, %dma_start3A_71] : memref<2x10240x16xf32, #tpu.memory_space<hbm>> -> memref<1x640x16xf32, #tpu.memory_space<hbm>>
        %dma_start3A_73 = tpu.memref_squeeze %dma_start3A_72 : memref<1x640x16xf32, #tpu.memory_space<hbm>> -> memref<640x16xf32, #tpu.memory_space<hbm>>
        tpu.enqueue_dma source(%arg10 : memref<640x16xf32, #tpu.memory_space<vmem>>) target(%dma_start3A_73 : memref<640x16xf32, #tpu.memory_space<hbm>>) target_semaphore(%run_scoped3A : memref<!tpu.dma_semaphore, #tpu.memory_space<semaphore_mem>>)
        %dma_wait3A_74 = arith.constant 6400 : i32
        %dma_wait3A_75 = arith.constant 0 : i32
        %dma_wait3A_76 = tpu.memref_slice %arg4[%arg0, %dma_wait3A_74, %dma_wait3A_75] : memref<2x10240x16xf32, #tpu.memory_space<hbm>> -> memref<1x640x16xf32, #tpu.memory_space<hbm>>
        %dma_wait3A_77 = tpu.memref_squeeze %dma_wait3A_76 : memref<1x640x16xf32, #tpu.memory_space<hbm>> -> memref<640x16xf32, #tpu.memory_space<hbm>>
        %dma_wait3A_78 = arith.constant 6400 : i32
        %dma_wait3A_79 = arith.constant 0 : i32
        %dma_wait3A_80 = tpu.memref_slice %arg4[%arg0, %dma_wait3A_78, %dma_wait3A_79] : memref<2x10240x16xf32, #tpu.memory_space<hbm>> -> memref<1x640x16xf32, #tpu.memory_space<hbm>>
        %dma_wait3A_81 = tpu.memref_squeeze %dma_wait3A_80 : memref<1x640x16xf32, #tpu.memory_space<hbm>> -> memref<640x16xf32, #tpu.memory_space<hbm>>
        tpu.wait_dma2 semaphore(%run_scoped3A : memref<!tpu.dma_semaphore, #tpu.memory_space<semaphore_mem>>) src(%arg10 : memref<640x16xf32, #tpu.memory_space<vmem>>) dst(%dma_wait3A_81 : memref<640x16xf32, #tpu.memory_space<hbm>>)
        tpu.yield
      }) : () -> ()
      "tpu.region"() ({
        %run_scoped3A = tpu.sem_alloc : memref<!tpu.dma_semaphore, #tpu.memory_space<semaphore_mem>>
        %dma_start3A_66 = arith.constant 7040 : i32
        %dma_start3A_67 = arith.constant 0 : i32
        %dma_start3A_68 = tpu.memref_slice %arg11[%dma_start3A_66, %dma_start3A_67] : memref<10240x16xf32, #tpu.memory_space<vmem_shared>> -> memref<640x16xf32, #tpu.memory_space<vmem_shared>>
        %dma_start3A_69 = arith.constant 7040 : i32
        %dma_start3A_70 = arith.constant 0 : i32
        %dma_start3A_71 = tpu.memref_slice %arg11[%dma_start3A_69, %dma_start3A_70] : memref<10240x16xf32, #tpu.memory_space<vmem_shared>> -> memref<640x16xf32, #tpu.memory_space<vmem_shared>>
        tpu.enqueue_dma source(%dma_start3A_71 : memref<640x16xf32, #tpu.memory_space<vmem_shared>>) target(%arg10 : memref<640x16xf32, #tpu.memory_space<vmem>>) target_semaphore(%run_scoped3A : memref<!tpu.dma_semaphore, #tpu.memory_space<semaphore_mem>>)
        %dma_wait3A_72 = arith.constant 7040 : i32
        %dma_wait3A_73 = arith.constant 0 : i32
        %dma_wait3A_74 = tpu.memref_slice %arg11[%dma_wait3A_72, %dma_wait3A_73] : memref<10240x16xf32, #tpu.memory_space<vmem_shared>> -> memref<640x16xf32, #tpu.memory_space<vmem_shared>>
        %dma_wait3A_75 = arith.constant 7040 : i32
        %dma_wait3A_76 = arith.constant 0 : i32
        %dma_wait3A_77 = tpu.memref_slice %arg11[%dma_wait3A_75, %dma_wait3A_76] : memref<10240x16xf32, #tpu.memory_space<vmem_shared>> -> memref<640x16xf32, #tpu.memory_space<vmem_shared>>
        tpu.wait_dma2 semaphore(%run_scoped3A : memref<!tpu.dma_semaphore, #tpu.memory_space<semaphore_mem>>) src(%dma_wait3A_77 : memref<640x16xf32, #tpu.memory_space<vmem_shared>>) dst(%arg10 : memref<640x16xf32, #tpu.memory_space<vmem>>)
        tpu.yield
      }) : () -> ()
      "tpu.region"() ({
        %run_scoped3A = tpu.sem_alloc : memref<!tpu.dma_semaphore, #tpu.memory_space<semaphore_mem>>
        %dma_start3A_66 = arith.constant 7040 : i32
        %dma_start3A_67 = arith.constant 0 : i32
        %dma_start3A_68 = tpu.memref_slice %arg4[%arg0, %dma_start3A_66, %dma_start3A_67] : memref<2x10240x16xf32, #tpu.memory_space<hbm>> -> memref<1x640x16xf32, #tpu.memory_space<hbm>>
        %dma_start3A_69 = tpu.memref_squeeze %dma_start3A_68 : memref<1x640x16xf32, #tpu.memory_space<hbm>> -> memref<640x16xf32, #tpu.memory_space<hbm>>
        %dma_start3A_70 = arith.constant 7040 : i32
        %dma_start3A_71 = arith.constant 0 : i32
        %dma_start3A_72 = tpu.memref_slice %arg4[%arg0, %dma_start3A_70, %dma_start3A_71] : memref<2x10240x16xf32, #tpu.memory_space<hbm>> -> memref<1x640x16xf32, #tpu.memory_space<hbm>>
        %dma_start3A_73 = tpu.memref_squeeze %dma_start3A_72 : memref<1x640x16xf32, #tpu.memory_space<hbm>> -> memref<640x16xf32, #tpu.memory_space<hbm>>
        tpu.enqueue_dma source(%arg10 : memref<640x16xf32, #tpu.memory_space<vmem>>) target(%dma_start3A_73 : memref<640x16xf32, #tpu.memory_space<hbm>>) target_semaphore(%run_scoped3A : memref<!tpu.dma_semaphore, #tpu.memory_space<semaphore_mem>>)
        %dma_wait3A_74 = arith.constant 7040 : i32
        %dma_wait3A_75 = arith.constant 0 : i32
        %dma_wait3A_76 = tpu.memref_slice %arg4[%arg0, %dma_wait3A_74, %dma_wait3A_75] : memref<2x10240x16xf32, #tpu.memory_space<hbm>> -> memref<1x640x16xf32, #tpu.memory_space<hbm>>
        %dma_wait3A_77 = tpu.memref_squeeze %dma_wait3A_76 : memref<1x640x16xf32, #tpu.memory_space<hbm>> -> memref<640x16xf32, #tpu.memory_space<hbm>>
        %dma_wait3A_78 = arith.constant 7040 : i32
        %dma_wait3A_79 = arith.constant 0 : i32
        %dma_wait3A_80 = tpu.memref_slice %arg4[%arg0, %dma_wait3A_78, %dma_wait3A_79] : memref<2x10240x16xf32, #tpu.memory_space<hbm>> -> memref<1x640x16xf32, #tpu.memory_space<hbm>>
        %dma_wait3A_81 = tpu.memref_squeeze %dma_wait3A_80 : memref<1x640x16xf32, #tpu.memory_space<hbm>> -> memref<640x16xf32, #tpu.memory_space<hbm>>
        tpu.wait_dma2 semaphore(%run_scoped3A : memref<!tpu.dma_semaphore, #tpu.memory_space<semaphore_mem>>) src(%arg10 : memref<640x16xf32, #tpu.memory_space<vmem>>) dst(%dma_wait3A_81 : memref<640x16xf32, #tpu.memory_space<hbm>>)
        tpu.yield
      }) : () -> ()
      "tpu.region"() ({
        %run_scoped3A = tpu.sem_alloc : memref<!tpu.dma_semaphore, #tpu.memory_space<semaphore_mem>>
        %dma_start3A_66 = arith.constant 7680 : i32
        %dma_start3A_67 = arith.constant 0 : i32
        %dma_start3A_68 = tpu.memref_slice %arg11[%dma_start3A_66, %dma_start3A_67] : memref<10240x16xf32, #tpu.memory_space<vmem_shared>> -> memref<640x16xf32, #tpu.memory_space<vmem_shared>>
        %dma_start3A_69 = arith.constant 7680 : i32
        %dma_start3A_70 = arith.constant 0 : i32
        %dma_start3A_71 = tpu.memref_slice %arg11[%dma_start3A_69, %dma_start3A_70] : memref<10240x16xf32, #tpu.memory_space<vmem_shared>> -> memref<640x16xf32, #tpu.memory_space<vmem_shared>>
        tpu.enqueue_dma source(%dma_start3A_71 : memref<640x16xf32, #tpu.memory_space<vmem_shared>>) target(%arg10 : memref<640x16xf32, #tpu.memory_space<vmem>>) target_semaphore(%run_scoped3A : memref<!tpu.dma_semaphore, #tpu.memory_space<semaphore_mem>>)
        %dma_wait3A_72 = arith.constant 7680 : i32
        %dma_wait3A_73 = arith.constant 0 : i32
        %dma_wait3A_74 = tpu.memref_slice %arg11[%dma_wait3A_72, %dma_wait3A_73] : memref<10240x16xf32, #tpu.memory_space<vmem_shared>> -> memref<640x16xf32, #tpu.memory_space<vmem_shared>>
        %dma_wait3A_75 = arith.constant 7680 : i32
        %dma_wait3A_76 = arith.constant 0 : i32
        %dma_wait3A_77 = tpu.memref_slice %arg11[%dma_wait3A_75, %dma_wait3A_76] : memref<10240x16xf32, #tpu.memory_space<vmem_shared>> -> memref<640x16xf32, #tpu.memory_space<vmem_shared>>
        tpu.wait_dma2 semaphore(%run_scoped3A : memref<!tpu.dma_semaphore, #tpu.memory_space<semaphore_mem>>) src(%dma_wait3A_77 : memref<640x16xf32, #tpu.memory_space<vmem_shared>>) dst(%arg10 : memref<640x16xf32, #tpu.memory_space<vmem>>)
        tpu.yield
      }) : () -> ()
      "tpu.region"() ({
        %run_scoped3A = tpu.sem_alloc : memref<!tpu.dma_semaphore, #tpu.memory_space<semaphore_mem>>
        %dma_start3A_66 = arith.constant 7680 : i32
        %dma_start3A_67 = arith.constant 0 : i32
        %dma_start3A_68 = tpu.memref_slice %arg4[%arg0, %dma_start3A_66, %dma_start3A_67] : memref<2x10240x16xf32, #tpu.memory_space<hbm>> -> memref<1x640x16xf32, #tpu.memory_space<hbm>>
        %dma_start3A_69 = tpu.memref_squeeze %dma_start3A_68 : memref<1x640x16xf32, #tpu.memory_space<hbm>> -> memref<640x16xf32, #tpu.memory_space<hbm>>
        %dma_start3A_70 = arith.constant 7680 : i32
        %dma_start3A_71 = arith.constant 0 : i32
        %dma_start3A_72 = tpu.memref_slice %arg4[%arg0, %dma_start3A_70, %dma_start3A_71] : memref<2x10240x16xf32, #tpu.memory_space<hbm>> -> memref<1x640x16xf32, #tpu.memory_space<hbm>>
        %dma_start3A_73 = tpu.memref_squeeze %dma_start3A_72 : memref<1x640x16xf32, #tpu.memory_space<hbm>> -> memref<640x16xf32, #tpu.memory_space<hbm>>
        tpu.enqueue_dma source(%arg10 : memref<640x16xf32, #tpu.memory_space<vmem>>) target(%dma_start3A_73 : memref<640x16xf32, #tpu.memory_space<hbm>>) target_semaphore(%run_scoped3A : memref<!tpu.dma_semaphore, #tpu.memory_space<semaphore_mem>>)
        %dma_wait3A_74 = arith.constant 7680 : i32
        %dma_wait3A_75 = arith.constant 0 : i32
        %dma_wait3A_76 = tpu.memref_slice %arg4[%arg0, %dma_wait3A_74, %dma_wait3A_75] : memref<2x10240x16xf32, #tpu.memory_space<hbm>> -> memref<1x640x16xf32, #tpu.memory_space<hbm>>
        %dma_wait3A_77 = tpu.memref_squeeze %dma_wait3A_76 : memref<1x640x16xf32, #tpu.memory_space<hbm>> -> memref<640x16xf32, #tpu.memory_space<hbm>>
        %dma_wait3A_78 = arith.constant 7680 : i32
        %dma_wait3A_79 = arith.constant 0 : i32
        %dma_wait3A_80 = tpu.memref_slice %arg4[%arg0, %dma_wait3A_78, %dma_wait3A_79] : memref<2x10240x16xf32, #tpu.memory_space<hbm>> -> memref<1x640x16xf32, #tpu.memory_space<hbm>>
        %dma_wait3A_81 = tpu.memref_squeeze %dma_wait3A_80 : memref<1x640x16xf32, #tpu.memory_space<hbm>> -> memref<640x16xf32, #tpu.memory_space<hbm>>
        tpu.wait_dma2 semaphore(%run_scoped3A : memref<!tpu.dma_semaphore, #tpu.memory_space<semaphore_mem>>) src(%arg10 : memref<640x16xf32, #tpu.memory_space<vmem>>) dst(%dma_wait3A_81 : memref<640x16xf32, #tpu.memory_space<hbm>>)
        tpu.yield
      }) : () -> ()
      "tpu.region"() ({
        %run_scoped3A = tpu.sem_alloc : memref<!tpu.dma_semaphore, #tpu.memory_space<semaphore_mem>>
        %dma_start3A_66 = arith.constant 8320 : i32
        %dma_start3A_67 = arith.constant 0 : i32
        %dma_start3A_68 = tpu.memref_slice %arg11[%dma_start3A_66, %dma_start3A_67] : memref<10240x16xf32, #tpu.memory_space<vmem_shared>> -> memref<640x16xf32, #tpu.memory_space<vmem_shared>>
        %dma_start3A_69 = arith.constant 8320 : i32
        %dma_start3A_70 = arith.constant 0 : i32
        %dma_start3A_71 = tpu.memref_slice %arg11[%dma_start3A_69, %dma_start3A_70] : memref<10240x16xf32, #tpu.memory_space<vmem_shared>> -> memref<640x16xf32, #tpu.memory_space<vmem_shared>>
        tpu.enqueue_dma source(%dma_start3A_71 : memref<640x16xf32, #tpu.memory_space<vmem_shared>>) target(%arg10 : memref<640x16xf32, #tpu.memory_space<vmem>>) target_semaphore(%run_scoped3A : memref<!tpu.dma_semaphore, #tpu.memory_space<semaphore_mem>>)
        %dma_wait3A_72 = arith.constant 8320 : i32
        %dma_wait3A_73 = arith.constant 0 : i32
        %dma_wait3A_74 = tpu.memref_slice %arg11[%dma_wait3A_72, %dma_wait3A_73] : memref<10240x16xf32, #tpu.memory_space<vmem_shared>> -> memref<640x16xf32, #tpu.memory_space<vmem_shared>>
        %dma_wait3A_75 = arith.constant 8320 : i32
        %dma_wait3A_76 = arith.constant 0 : i32
        %dma_wait3A_77 = tpu.memref_slice %arg11[%dma_wait3A_75, %dma_wait3A_76] : memref<10240x16xf32, #tpu.memory_space<vmem_shared>> -> memref<640x16xf32, #tpu.memory_space<vmem_shared>>
        tpu.wait_dma2 semaphore(%run_scoped3A : memref<!tpu.dma_semaphore, #tpu.memory_space<semaphore_mem>>) src(%dma_wait3A_77 : memref<640x16xf32, #tpu.memory_space<vmem_shared>>) dst(%arg10 : memref<640x16xf32, #tpu.memory_space<vmem>>)
        tpu.yield
      }) : () -> ()
      "tpu.region"() ({
        %run_scoped3A = tpu.sem_alloc : memref<!tpu.dma_semaphore, #tpu.memory_space<semaphore_mem>>
        %dma_start3A_66 = arith.constant 8320 : i32
        %dma_start3A_67 = arith.constant 0 : i32
        %dma_start3A_68 = tpu.memref_slice %arg4[%arg0, %dma_start3A_66, %dma_start3A_67] : memref<2x10240x16xf32, #tpu.memory_space<hbm>> -> memref<1x640x16xf32, #tpu.memory_space<hbm>>
        %dma_start3A_69 = tpu.memref_squeeze %dma_start3A_68 : memref<1x640x16xf32, #tpu.memory_space<hbm>> -> memref<640x16xf32, #tpu.memory_space<hbm>>
        %dma_start3A_70 = arith.constant 8320 : i32
        %dma_start3A_71 = arith.constant 0 : i32
        %dma_start3A_72 = tpu.memref_slice %arg4[%arg0, %dma_start3A_70, %dma_start3A_71] : memref<2x10240x16xf32, #tpu.memory_space<hbm>> -> memref<1x640x16xf32, #tpu.memory_space<hbm>>
        %dma_start3A_73 = tpu.memref_squeeze %dma_start3A_72 : memref<1x640x16xf32, #tpu.memory_space<hbm>> -> memref<640x16xf32, #tpu.memory_space<hbm>>
        tpu.enqueue_dma source(%arg10 : memref<640x16xf32, #tpu.memory_space<vmem>>) target(%dma_start3A_73 : memref<640x16xf32, #tpu.memory_space<hbm>>) target_semaphore(%run_scoped3A : memref<!tpu.dma_semaphore, #tpu.memory_space<semaphore_mem>>)
        %dma_wait3A_74 = arith.constant 8320 : i32
        %dma_wait3A_75 = arith.constant 0 : i32
        %dma_wait3A_76 = tpu.memref_slice %arg4[%arg0, %dma_wait3A_74, %dma_wait3A_75] : memref<2x10240x16xf32, #tpu.memory_space<hbm>> -> memref<1x640x16xf32, #tpu.memory_space<hbm>>
        %dma_wait3A_77 = tpu.memref_squeeze %dma_wait3A_76 : memref<1x640x16xf32, #tpu.memory_space<hbm>> -> memref<640x16xf32, #tpu.memory_space<hbm>>
        %dma_wait3A_78 = arith.constant 8320 : i32
        %dma_wait3A_79 = arith.constant 0 : i32
        %dma_wait3A_80 = tpu.memref_slice %arg4[%arg0, %dma_wait3A_78, %dma_wait3A_79] : memref<2x10240x16xf32, #tpu.memory_space<hbm>> -> memref<1x640x16xf32, #tpu.memory_space<hbm>>
        %dma_wait3A_81 = tpu.memref_squeeze %dma_wait3A_80 : memref<1x640x16xf32, #tpu.memory_space<hbm>> -> memref<640x16xf32, #tpu.memory_space<hbm>>
        tpu.wait_dma2 semaphore(%run_scoped3A : memref<!tpu.dma_semaphore, #tpu.memory_space<semaphore_mem>>) src(%arg10 : memref<640x16xf32, #tpu.memory_space<vmem>>) dst(%dma_wait3A_81 : memref<640x16xf32, #tpu.memory_space<hbm>>)
        tpu.yield
      }) : () -> ()
      "tpu.region"() ({
        %run_scoped3A = tpu.sem_alloc : memref<!tpu.dma_semaphore, #tpu.memory_space<semaphore_mem>>
        %dma_start3A_66 = arith.constant 8960 : i32
        %dma_start3A_67 = arith.constant 0 : i32
        %dma_start3A_68 = tpu.memref_slice %arg11[%dma_start3A_66, %dma_start3A_67] : memref<10240x16xf32, #tpu.memory_space<vmem_shared>> -> memref<640x16xf32, #tpu.memory_space<vmem_shared>>
        %dma_start3A_69 = arith.constant 8960 : i32
        %dma_start3A_70 = arith.constant 0 : i32
        %dma_start3A_71 = tpu.memref_slice %arg11[%dma_start3A_69, %dma_start3A_70] : memref<10240x16xf32, #tpu.memory_space<vmem_shared>> -> memref<640x16xf32, #tpu.memory_space<vmem_shared>>
        tpu.enqueue_dma source(%dma_start3A_71 : memref<640x16xf32, #tpu.memory_space<vmem_shared>>) target(%arg10 : memref<640x16xf32, #tpu.memory_space<vmem>>) target_semaphore(%run_scoped3A : memref<!tpu.dma_semaphore, #tpu.memory_space<semaphore_mem>>)
        %dma_wait3A_72 = arith.constant 8960 : i32
        %dma_wait3A_73 = arith.constant 0 : i32
        %dma_wait3A_74 = tpu.memref_slice %arg11[%dma_wait3A_72, %dma_wait3A_73] : memref<10240x16xf32, #tpu.memory_space<vmem_shared>> -> memref<640x16xf32, #tpu.memory_space<vmem_shared>>
        %dma_wait3A_75 = arith.constant 8960 : i32
        %dma_wait3A_76 = arith.constant 0 : i32
        %dma_wait3A_77 = tpu.memref_slice %arg11[%dma_wait3A_75, %dma_wait3A_76] : memref<10240x16xf32, #tpu.memory_space<vmem_shared>> -> memref<640x16xf32, #tpu.memory_space<vmem_shared>>
        tpu.wait_dma2 semaphore(%run_scoped3A : memref<!tpu.dma_semaphore, #tpu.memory_space<semaphore_mem>>) src(%dma_wait3A_77 : memref<640x16xf32, #tpu.memory_space<vmem_shared>>) dst(%arg10 : memref<640x16xf32, #tpu.memory_space<vmem>>)
        tpu.yield
      }) : () -> ()
      "tpu.region"() ({
        %run_scoped3A = tpu.sem_alloc : memref<!tpu.dma_semaphore, #tpu.memory_space<semaphore_mem>>
        %dma_start3A_66 = arith.constant 8960 : i32
        %dma_start3A_67 = arith.constant 0 : i32
        %dma_start3A_68 = tpu.memref_slice %arg4[%arg0, %dma_start3A_66, %dma_start3A_67] : memref<2x10240x16xf32, #tpu.memory_space<hbm>> -> memref<1x640x16xf32, #tpu.memory_space<hbm>>
        %dma_start3A_69 = tpu.memref_squeeze %dma_start3A_68 : memref<1x640x16xf32, #tpu.memory_space<hbm>> -> memref<640x16xf32, #tpu.memory_space<hbm>>
        %dma_start3A_70 = arith.constant 8960 : i32
        %dma_start3A_71 = arith.constant 0 : i32
        %dma_start3A_72 = tpu.memref_slice %arg4[%arg0, %dma_start3A_70, %dma_start3A_71] : memref<2x10240x16xf32, #tpu.memory_space<hbm>> -> memref<1x640x16xf32, #tpu.memory_space<hbm>>
        %dma_start3A_73 = tpu.memref_squeeze %dma_start3A_72 : memref<1x640x16xf32, #tpu.memory_space<hbm>> -> memref<640x16xf32, #tpu.memory_space<hbm>>
        tpu.enqueue_dma source(%arg10 : memref<640x16xf32, #tpu.memory_space<vmem>>) target(%dma_start3A_73 : memref<640x16xf32, #tpu.memory_space<hbm>>) target_semaphore(%run_scoped3A : memref<!tpu.dma_semaphore, #tpu.memory_space<semaphore_mem>>)
        %dma_wait3A_74 = arith.constant 8960 : i32
        %dma_wait3A_75 = arith.constant 0 : i32
        %dma_wait3A_76 = tpu.memref_slice %arg4[%arg0, %dma_wait3A_74, %dma_wait3A_75] : memref<2x10240x16xf32, #tpu.memory_space<hbm>> -> memref<1x640x16xf32, #tpu.memory_space<hbm>>
        %dma_wait3A_77 = tpu.memref_squeeze %dma_wait3A_76 : memref<1x640x16xf32, #tpu.memory_space<hbm>> -> memref<640x16xf32, #tpu.memory_space<hbm>>
        %dma_wait3A_78 = arith.constant 8960 : i32
        %dma_wait3A_79 = arith.constant 0 : i32
        %dma_wait3A_80 = tpu.memref_slice %arg4[%arg0, %dma_wait3A_78, %dma_wait3A_79] : memref<2x10240x16xf32, #tpu.memory_space<hbm>> -> memref<1x640x16xf32, #tpu.memory_space<hbm>>
        %dma_wait3A_81 = tpu.memref_squeeze %dma_wait3A_80 : memref<1x640x16xf32, #tpu.memory_space<hbm>> -> memref<640x16xf32, #tpu.memory_space<hbm>>
        tpu.wait_dma2 semaphore(%run_scoped3A : memref<!tpu.dma_semaphore, #tpu.memory_space<semaphore_mem>>) src(%arg10 : memref<640x16xf32, #tpu.memory_space<vmem>>) dst(%dma_wait3A_81 : memref<640x16xf32, #tpu.memory_space<hbm>>)
        tpu.yield
      }) : () -> ()
      "tpu.region"() ({
        %run_scoped3A = tpu.sem_alloc : memref<!tpu.dma_semaphore, #tpu.memory_space<semaphore_mem>>
        %dma_start3A_66 = arith.constant 9600 : i32
        %dma_start3A_67 = arith.constant 0 : i32
        %dma_start3A_68 = tpu.memref_slice %arg11[%dma_start3A_66, %dma_start3A_67] : memref<10240x16xf32, #tpu.memory_space<vmem_shared>> -> memref<640x16xf32, #tpu.memory_space<vmem_shared>>
        %dma_start3A_69 = arith.constant 9600 : i32
        %dma_start3A_70 = arith.constant 0 : i32
        %dma_start3A_71 = tpu.memref_slice %arg11[%dma_start3A_69, %dma_start3A_70] : memref<10240x16xf32, #tpu.memory_space<vmem_shared>> -> memref<640x16xf32, #tpu.memory_space<vmem_shared>>
        tpu.enqueue_dma source(%dma_start3A_71 : memref<640x16xf32, #tpu.memory_space<vmem_shared>>) target(%arg10 : memref<640x16xf32, #tpu.memory_space<vmem>>) target_semaphore(%run_scoped3A : memref<!tpu.dma_semaphore, #tpu.memory_space<semaphore_mem>>)
        %dma_wait3A_72 = arith.constant 9600 : i32
        %dma_wait3A_73 = arith.constant 0 : i32
        %dma_wait3A_74 = tpu.memref_slice %arg11[%dma_wait3A_72, %dma_wait3A_73] : memref<10240x16xf32, #tpu.memory_space<vmem_shared>> -> memref<640x16xf32, #tpu.memory_space<vmem_shared>>
        %dma_wait3A_75 = arith.constant 9600 : i32
        %dma_wait3A_76 = arith.constant 0 : i32
        %dma_wait3A_77 = tpu.memref_slice %arg11[%dma_wait3A_75, %dma_wait3A_76] : memref<10240x16xf32, #tpu.memory_space<vmem_shared>> -> memref<640x16xf32, #tpu.memory_space<vmem_shared>>
        tpu.wait_dma2 semaphore(%run_scoped3A : memref<!tpu.dma_semaphore, #tpu.memory_space<semaphore_mem>>) src(%dma_wait3A_77 : memref<640x16xf32, #tpu.memory_space<vmem_shared>>) dst(%arg10 : memref<640x16xf32, #tpu.memory_space<vmem>>)
        tpu.yield
      }) : () -> ()
      "tpu.region"() ({
        %run_scoped3A = tpu.sem_alloc : memref<!tpu.dma_semaphore, #tpu.memory_space<semaphore_mem>>
        %dma_start3A_66 = arith.constant 9600 : i32
        %dma_start3A_67 = arith.constant 0 : i32
        %dma_start3A_68 = tpu.memref_slice %arg4[%arg0, %dma_start3A_66, %dma_start3A_67] : memref<2x10240x16xf32, #tpu.memory_space<hbm>> -> memref<1x640x16xf32, #tpu.memory_space<hbm>>
        %dma_start3A_69 = tpu.memref_squeeze %dma_start3A_68 : memref<1x640x16xf32, #tpu.memory_space<hbm>> -> memref<640x16xf32, #tpu.memory_space<hbm>>
        %dma_start3A_70 = arith.constant 9600 : i32
        %dma_start3A_71 = arith.constant 0 : i32
        %dma_start3A_72 = tpu.memref_slice %arg4[%arg0, %dma_start3A_70, %dma_start3A_71] : memref<2x10240x16xf32, #tpu.memory_space<hbm>> -> memref<1x640x16xf32, #tpu.memory_space<hbm>>
        %dma_start3A_73 = tpu.memref_squeeze %dma_start3A_72 : memref<1x640x16xf32, #tpu.memory_space<hbm>> -> memref<640x16xf32, #tpu.memory_space<hbm>>
        tpu.enqueue_dma source(%arg10 : memref<640x16xf32, #tpu.memory_space<vmem>>) target(%dma_start3A_73 : memref<640x16xf32, #tpu.memory_space<hbm>>) target_semaphore(%run_scoped3A : memref<!tpu.dma_semaphore, #tpu.memory_space<semaphore_mem>>)
        %dma_wait3A_74 = arith.constant 9600 : i32
        %dma_wait3A_75 = arith.constant 0 : i32
        %dma_wait3A_76 = tpu.memref_slice %arg4[%arg0, %dma_wait3A_74, %dma_wait3A_75] : memref<2x10240x16xf32, #tpu.memory_space<hbm>> -> memref<1x640x16xf32, #tpu.memory_space<hbm>>
        %dma_wait3A_77 = tpu.memref_squeeze %dma_wait3A_76 : memref<1x640x16xf32, #tpu.memory_space<hbm>> -> memref<640x16xf32, #tpu.memory_space<hbm>>
        %dma_wait3A_78 = arith.constant 9600 : i32
        %dma_wait3A_79 = arith.constant 0 : i32
        %dma_wait3A_80 = tpu.memref_slice %arg4[%arg0, %dma_wait3A_78, %dma_wait3A_79] : memref<2x10240x16xf32, #tpu.memory_space<hbm>> -> memref<1x640x16xf32, #tpu.memory_space<hbm>>
        %dma_wait3A_81 = tpu.memref_squeeze %dma_wait3A_80 : memref<1x640x16xf32, #tpu.memory_space<hbm>> -> memref<640x16xf32, #tpu.memory_space<hbm>>
        tpu.wait_dma2 semaphore(%run_scoped3A : memref<!tpu.dma_semaphore, #tpu.memory_space<semaphore_mem>>) src(%arg10 : memref<640x16xf32, #tpu.memory_space<vmem>>) dst(%dma_wait3A_81 : memref<640x16xf32, #tpu.memory_space<hbm>>)
        tpu.yield
      }) : () -> ()
    } else {
    }
    return
  }
}

#map = affine_map<(d0, d1) -> (0, 0)>
#map1 = affine_map<(d0, d1) -> (0, 0, 0)>
module attributes {stable_mosaic.version = 14 : i64} {
  func.func @_gather_k(%arg0: i32, %arg1: i32, %arg2: memref<10000x128xf32, #tpu.memory_space<hbm>>, %arg3: memref<10000x128xf32, #tpu.memory_space<hbm>>, %arg4: memref<32x125x80xi32, #tpu.memory_space<hbm>>, %arg5: memref<32x125x80xi32, #tpu.memory_space<hbm>>, %arg6: memref<320000x128xf32, #tpu.memory_space<hbm>>, %arg7: memref<125x80xi32, #tpu.memory_space<vmem>>, %arg8: memref<125x80xi32, #tpu.memory_space<vmem>>, %arg9: memref<80x128xf32, #tpu.memory_space<vmem>>, %arg10: memref<80x128xf32, #tpu.memory_space<vmem>>, %arg11: memref<80x128xf32, #tpu.memory_space<vmem>>, %arg12: memref<80x128xf32, #tpu.memory_space<vmem>>, %arg13: memref<80x128xf32, #tpu.memory_space<vmem>>, %arg14: memref<80x128xf32, #tpu.memory_space<vmem>>, %arg15: memref<!tpu.dma_semaphore, #tpu.memory_space<semaphore_mem>>, %arg16: memref<!tpu.dma_semaphore, #tpu.memory_space<semaphore_mem>>, %arg17: memref<!tpu.dma_semaphore, #tpu.memory_space<semaphore_mem>>, %arg18: memref<!tpu.dma_semaphore, #tpu.memory_space<semaphore_mem>>) attributes {dimension_semantics = [#tpu.dimension_semantics<core_parallel>, #tpu.dimension_semantics<subcore_parallel>], iteration_bounds = array<i64: 2, 16>, scalar_prefetch = 0 : i64, scratch_operands = 12 : i64, tpu.core_type = #tpu.core_type<sc_vector_subcore>, window_params = [{transform_indices = #map}, {transform_indices = #map}, {transform_indices = #map1}, {transform_indices = #map1}, {transform_indices = #map}]} {
    %mul3A = arith.constant 2 : i32
    %mul3A_0 = arith.muli %arg1, %mul3A : i32
    %add3A = arith.addi %mul3A_0, %arg0 : i32
    "tpu.region"() ({
      %run_scoped3A = tpu.sem_alloc : memref<!tpu.dma_semaphore, #tpu.memory_space<semaphore_mem>>
      %dma_start3A_86 = arith.constant 0 : i32
      %dma_start3A_87 = arith.constant 0 : i32
      %dma_start3A_88 = tpu.memref_slice %arg4[%add3A, %dma_start3A_86, %dma_start3A_87] : memref<32x125x80xi32, #tpu.memory_space<hbm>> -> memref<1x125x80xi32, #tpu.memory_space<hbm>>
      %dma_start3A_89 = tpu.memref_squeeze %dma_start3A_88 : memref<1x125x80xi32, #tpu.memory_space<hbm>> -> memref<125x80xi32, #tpu.memory_space<hbm>>
      %dma_start3A_90 = arith.constant 0 : i32
      %dma_start3A_91 = arith.constant 0 : i32
      %dma_start3A_92 = tpu.memref_slice %arg4[%add3A, %dma_start3A_90, %dma_start3A_91] : memref<32x125x80xi32, #tpu.memory_space<hbm>> -> memref<1x125x80xi32, #tpu.memory_space<hbm>>
      %dma_start3A_93 = tpu.memref_squeeze %dma_start3A_92 : memref<1x125x80xi32, #tpu.memory_space<hbm>> -> memref<125x80xi32, #tpu.memory_space<hbm>>
      tpu.enqueue_dma source(%dma_start3A_93 : memref<125x80xi32, #tpu.memory_space<hbm>>) target(%arg7 : memref<125x80xi32, #tpu.memory_space<vmem>>) target_semaphore(%run_scoped3A : memref<!tpu.dma_semaphore, #tpu.memory_space<semaphore_mem>>)
      %dma_wait3A_94 = arith.constant 0 : i32
      %dma_wait3A_95 = arith.constant 0 : i32
      %dma_wait3A_96 = tpu.memref_slice %arg4[%add3A, %dma_wait3A_94, %dma_wait3A_95] : memref<32x125x80xi32, #tpu.memory_space<hbm>> -> memref<1x125x80xi32, #tpu.memory_space<hbm>>
      %dma_wait3A_97 = tpu.memref_squeeze %dma_wait3A_96 : memref<1x125x80xi32, #tpu.memory_space<hbm>> -> memref<125x80xi32, #tpu.memory_space<hbm>>
      %dma_wait3A_98 = arith.constant 0 : i32
      %dma_wait3A_99 = arith.constant 0 : i32
      %dma_wait3A_100 = tpu.memref_slice %arg4[%add3A, %dma_wait3A_98, %dma_wait3A_99] : memref<32x125x80xi32, #tpu.memory_space<hbm>> -> memref<1x125x80xi32, #tpu.memory_space<hbm>>
      %dma_wait3A_101 = tpu.memref_squeeze %dma_wait3A_100 : memref<1x125x80xi32, #tpu.memory_space<hbm>> -> memref<125x80xi32, #tpu.memory_space<hbm>>
      tpu.wait_dma2 semaphore(%run_scoped3A : memref<!tpu.dma_semaphore, #tpu.memory_space<semaphore_mem>>) src(%dma_wait3A_101 : memref<125x80xi32, #tpu.memory_space<hbm>>) dst(%arg7 : memref<125x80xi32, #tpu.memory_space<vmem>>)
      tpu.yield
    }) : () -> ()
    "tpu.region"() ({
      %run_scoped3A = tpu.sem_alloc : memref<!tpu.dma_semaphore, #tpu.memory_space<semaphore_mem>>
      %dma_start3A_86 = arith.constant 0 : i32
      %dma_start3A_87 = arith.constant 0 : i32
      %dma_start3A_88 = tpu.memref_slice %arg5[%add3A, %dma_start3A_86, %dma_start3A_87] : memref<32x125x80xi32, #tpu.memory_space<hbm>> -> memref<1x125x80xi32, #tpu.memory_space<hbm>>
      %dma_start3A_89 = tpu.memref_squeeze %dma_start3A_88 : memref<1x125x80xi32, #tpu.memory_space<hbm>> -> memref<125x80xi32, #tpu.memory_space<hbm>>
      %dma_start3A_90 = arith.constant 0 : i32
      %dma_start3A_91 = arith.constant 0 : i32
      %dma_start3A_92 = tpu.memref_slice %arg5[%add3A, %dma_start3A_90, %dma_start3A_91] : memref<32x125x80xi32, #tpu.memory_space<hbm>> -> memref<1x125x80xi32, #tpu.memory_space<hbm>>
      %dma_start3A_93 = tpu.memref_squeeze %dma_start3A_92 : memref<1x125x80xi32, #tpu.memory_space<hbm>> -> memref<125x80xi32, #tpu.memory_space<hbm>>
      tpu.enqueue_dma source(%dma_start3A_93 : memref<125x80xi32, #tpu.memory_space<hbm>>) target(%arg8 : memref<125x80xi32, #tpu.memory_space<vmem>>) target_semaphore(%run_scoped3A : memref<!tpu.dma_semaphore, #tpu.memory_space<semaphore_mem>>)
      %dma_wait3A_94 = arith.constant 0 : i32
      %dma_wait3A_95 = arith.constant 0 : i32
      %dma_wait3A_96 = tpu.memref_slice %arg5[%add3A, %dma_wait3A_94, %dma_wait3A_95] : memref<32x125x80xi32, #tpu.memory_space<hbm>> -> memref<1x125x80xi32, #tpu.memory_space<hbm>>
      %dma_wait3A_97 = tpu.memref_squeeze %dma_wait3A_96 : memref<1x125x80xi32, #tpu.memory_space<hbm>> -> memref<125x80xi32, #tpu.memory_space<hbm>>
      %dma_wait3A_98 = arith.constant 0 : i32
      %dma_wait3A_99 = arith.constant 0 : i32
      %dma_wait3A_100 = tpu.memref_slice %arg5[%add3A, %dma_wait3A_98, %dma_wait3A_99] : memref<32x125x80xi32, #tpu.memory_space<hbm>> -> memref<1x125x80xi32, #tpu.memory_space<hbm>>
      %dma_wait3A_101 = tpu.memref_squeeze %dma_wait3A_100 : memref<1x125x80xi32, #tpu.memory_space<hbm>> -> memref<125x80xi32, #tpu.memory_space<hbm>>
      tpu.wait_dma2 semaphore(%run_scoped3A : memref<!tpu.dma_semaphore, #tpu.memory_space<semaphore_mem>>) src(%dma_wait3A_101 : memref<125x80xi32, #tpu.memory_space<hbm>>) dst(%arg8 : memref<125x80xi32, #tpu.memory_space<vmem>>)
      tpu.yield
    }) : () -> ()
    %dma_start3A = arith.constant 0 : i32
    %dma_start3A_1 = arith.constant 0 : i32
    %dma_start3A_2 = tpu.memref_slice %arg7[%dma_start3A, %dma_start3A_1] : memref<125x80xi32, #tpu.memory_space<vmem>> -> memref<1x80xi32, #tpu.memory_space<vmem>>
    %dma_start3A_3 = tpu.memref_squeeze %dma_start3A_2 : memref<1x80xi32, #tpu.memory_space<vmem>> -> memref<80xi32, #tpu.memory_space<vmem>>
    %dma_start3A_4 = arith.constant 0 : i32
    %dma_start3A_5 = arith.constant 0 : i32
    %dma_start3A_6 = tpu.memref_slice %arg2[%dma_start3A_4, %dma_start3A_5] : memref<10000x128xf32, #tpu.memory_space<hbm>> -> memref<10000x128xf32, #tpu.memory_space<hbm>>
    tpu.enqueue_indirect_dma source(%dma_start3A_6 : memref<10000x128xf32, #tpu.memory_space<hbm>>) target(%arg9 : memref<80x128xf32, #tpu.memory_space<vmem>>) offsets(%dma_start3A_3 : memref<80xi32, #tpu.memory_space<vmem>>) semaphore(%arg15 : memref<!tpu.dma_semaphore, #tpu.memory_space<semaphore_mem>>)
    %dma_start3A_7 = arith.constant 0 : i32
    %dma_start3A_8 = arith.constant 0 : i32
    %dma_start3A_9 = tpu.memref_slice %arg8[%dma_start3A_7, %dma_start3A_8] : memref<125x80xi32, #tpu.memory_space<vmem>> -> memref<1x80xi32, #tpu.memory_space<vmem>>
    %dma_start3A_10 = tpu.memref_squeeze %dma_start3A_9 : memref<1x80xi32, #tpu.memory_space<vmem>> -> memref<80xi32, #tpu.memory_space<vmem>>
    %dma_start3A_11 = arith.constant 0 : i32
    %dma_start3A_12 = arith.constant 0 : i32
    %dma_start3A_13 = tpu.memref_slice %arg3[%dma_start3A_11, %dma_start3A_12] : memref<10000x128xf32, #tpu.memory_space<hbm>> -> memref<10000x128xf32, #tpu.memory_space<hbm>>
    tpu.enqueue_indirect_dma source(%dma_start3A_13 : memref<10000x128xf32, #tpu.memory_space<hbm>>) target(%arg11 : memref<80x128xf32, #tpu.memory_space<vmem>>) offsets(%dma_start3A_10 : memref<80xi32, #tpu.memory_space<vmem>>) semaphore(%arg15 : memref<!tpu.dma_semaphore, #tpu.memory_space<semaphore_mem>>)
    %dma_start3A_14 = arith.constant 1 : i32
    %dma_start3A_15 = arith.constant 0 : i32
    %dma_start3A_16 = tpu.memref_slice %arg7[%dma_start3A_14, %dma_start3A_15] : memref<125x80xi32, #tpu.memory_space<vmem>> -> memref<1x80xi32, #tpu.memory_space<vmem>>
    %dma_start3A_17 = tpu.memref_squeeze %dma_start3A_16 : memref<1x80xi32, #tpu.memory_space<vmem>> -> memref<80xi32, #tpu.memory_space<vmem>>
    %dma_start3A_18 = arith.constant 0 : i32
    %dma_start3A_19 = arith.constant 0 : i32
    %dma_start3A_20 = tpu.memref_slice %arg2[%dma_start3A_18, %dma_start3A_19] : memref<10000x128xf32, #tpu.memory_space<hbm>> -> memref<10000x128xf32, #tpu.memory_space<hbm>>
    tpu.enqueue_indirect_dma source(%dma_start3A_20 : memref<10000x128xf32, #tpu.memory_space<hbm>>) target(%arg10 : memref<80x128xf32, #tpu.memory_space<vmem>>) offsets(%dma_start3A_17 : memref<80xi32, #tpu.memory_space<vmem>>) semaphore(%arg16 : memref<!tpu.dma_semaphore, #tpu.memory_space<semaphore_mem>>)
    %dma_start3A_21 = arith.constant 1 : i32
    %dma_start3A_22 = arith.constant 0 : i32
    %dma_start3A_23 = tpu.memref_slice %arg8[%dma_start3A_21, %dma_start3A_22] : memref<125x80xi32, #tpu.memory_space<vmem>> -> memref<1x80xi32, #tpu.memory_space<vmem>>
    %dma_start3A_24 = tpu.memref_squeeze %dma_start3A_23 : memref<1x80xi32, #tpu.memory_space<vmem>> -> memref<80xi32, #tpu.memory_space<vmem>>
    %dma_start3A_25 = arith.constant 0 : i32
    %dma_start3A_26 = arith.constant 0 : i32
    %dma_start3A_27 = tpu.memref_slice %arg3[%dma_start3A_25, %dma_start3A_26] : memref<10000x128xf32, #tpu.memory_space<hbm>> -> memref<10000x128xf32, #tpu.memory_space<hbm>>
    tpu.enqueue_indirect_dma source(%dma_start3A_27 : memref<10000x128xf32, #tpu.memory_space<hbm>>) target(%arg12 : memref<80x128xf32, #tpu.memory_space<vmem>>) offsets(%dma_start3A_24 : memref<80xi32, #tpu.memory_space<vmem>>) semaphore(%arg16 : memref<!tpu.dma_semaphore, #tpu.memory_space<semaphore_mem>>)
    %scan3A = arith.constant 0 : i32
    %scan3A_28 = arith.constant 0 : i32
    %scan3A_29 = arith.constant 62 : i32
    %scan3A_30 = arith.addi %scan3A_28, %scan3A_29 : i32
    %scan3A_31 = arith.constant 1 : i32
    %scan3A_32 = scf.for %scan3A_86 = %scan3A_28 to %scan3A_30 step %scan3A_31 iter_args(%scan3A_87 = %scan3A) -> (i32)  : i32 {
      %mul3A_88 = arith.constant 2 : i32
      %mul3A_89 = arith.muli %mul3A_88, %scan3A_86 : i32
      %dma_wait3A_90 = arith.constant 0 : i32
      %dma_wait3A_91 = tpu.memref_slice %arg7[%mul3A_89, %dma_wait3A_90] : memref<125x80xi32, #tpu.memory_space<vmem>> -> memref<1x80xi32, #tpu.memory_space<vmem>>
      %dma_wait3A_92 = tpu.memref_squeeze %dma_wait3A_91 : memref<1x80xi32, #tpu.memory_space<vmem>> -> memref<80xi32, #tpu.memory_space<vmem>>
      %dma_wait3A_93 = arith.constant 0 : i32
      %dma_wait3A_94 = arith.constant 0 : i32
      %dma_wait3A_95 = tpu.memref_slice %arg2[%dma_wait3A_93, %dma_wait3A_94] : memref<10000x128xf32, #tpu.memory_space<hbm>> -> memref<10000x128xf32, #tpu.memory_space<hbm>>
      tpu.wait_indirect_dma semaphore(%arg15 : memref<!tpu.dma_semaphore, #tpu.memory_space<semaphore_mem>>) src(%dma_wait3A_95 : memref<10000x128xf32, #tpu.memory_space<hbm>>) dst(%arg9 : memref<80x128xf32, #tpu.memory_space<vmem>>)
      %dma_wait3A_96 = arith.constant 0 : i32
      %dma_wait3A_97 = tpu.memref_slice %arg8[%mul3A_89, %dma_wait3A_96] : memref<125x80xi32, #tpu.memory_space<vmem>> -> memref<1x80xi32, #tpu.memory_space<vmem>>
      %dma_wait3A_98 = tpu.memref_squeeze %dma_wait3A_97 : memref<1x80xi32, #tpu.memory_space<vmem>> -> memref<80xi32, #tpu.memory_space<vmem>>
      %dma_wait3A_99 = arith.constant 0 : i32
      %dma_wait3A_100 = arith.constant 0 : i32
      %dma_wait3A_101 = tpu.memref_slice %arg3[%dma_wait3A_99, %dma_wait3A_100] : memref<10000x128xf32, #tpu.memory_space<hbm>> -> memref<10000x128xf32, #tpu.memory_space<hbm>>
      tpu.wait_indirect_dma semaphore(%arg15 : memref<!tpu.dma_semaphore, #tpu.memory_space<semaphore_mem>>) src(%dma_wait3A_101 : memref<10000x128xf32, #tpu.memory_space<hbm>>) dst(%arg11 : memref<80x128xf32, #tpu.memory_space<vmem>>)
      %ge3A = arith.constant 2 : i32
      %ge3A_102 = arith.cmpi sge, %mul3A_89, %ge3A : i32
      %convert_element_type3A = arith.extui %ge3A_102 : i1 to i32
      %cond3A = arith.constant 0 : i32
      %cond3A_103 = arith.cmpi ne, %convert_element_type3A, %cond3A : i32
      scf.if %cond3A_103 {
        %sub3A = arith.constant 2 : i32
        %sub3A_171 = arith.subi %mul3A_89, %sub3A : i32
        %mul3A_172 = arith.constant 10000 : i32
        %mul3A_173 = arith.muli %add3A, %mul3A_172 : i32
        %mul3A_174 = arith.constant 80 : i32
        %mul3A_175 = arith.muli %sub3A_171, %mul3A_174 : i32
        %add3A_176 = arith.addi %mul3A_173, %mul3A_175 : i32
        %dma_wait3A_177 = arith.constant 0 : i32
        %dma_wait3A_178 = tpu.memref_slice %arg6[%add3A_176, %dma_wait3A_177] : memref<320000x128xf32, #tpu.memory_space<hbm>> -> memref<80x128xf32, #tpu.memory_space<hbm>>
        %dma_wait3A_179 = arith.constant 0 : i32
        %dma_wait3A_180 = tpu.memref_slice %arg6[%add3A_176, %dma_wait3A_179] : memref<320000x128xf32, #tpu.memory_space<hbm>> -> memref<80x128xf32, #tpu.memory_space<hbm>>
        tpu.wait_dma2 semaphore(%arg17 : memref<!tpu.dma_semaphore, #tpu.memory_space<semaphore_mem>>) src(%arg13 : memref<80x128xf32, #tpu.memory_space<vmem>>) dst(%dma_wait3A_180 : memref<80x128xf32, #tpu.memory_space<hbm>>)
      } else {
      }
      %scan3A_104 = arith.constant 0 : i32
      %scan3A_105 = arith.constant 0 : i32
      %scan3A_106 = arith.constant 80 : i32
      %scan3A_107 = arith.addi %scan3A_105, %scan3A_106 : i32
      %scan3A_108 = arith.constant 1 : i32
      %scan3A_109 = scf.for %scan3A_171 = %scan3A_105 to %scan3A_107 step %scan3A_108 iter_args(%scan3A_172 = %scan3A_104) -> (i32)  : i32 {
        %get3A = arith.index_cast %scan3A_171 : i32 to index
        %get3A_173 = arith.constant 0 : index
        %get3A_174 = tpu.vector_load %arg9[%get3A, %get3A_173] {strides = array<i32>} : memref<80x128xf32, #tpu.memory_space<vmem>>, vector<1x16xf32>,
        %get3A_175 = vector.shape_cast %get3A_174 : vector<1x16xf32> to vector<16xf32>
        %get3A_176 = arith.index_cast %scan3A_171 : i32 to index
        %get3A_177 = arith.constant 0 : index
        %get3A_178 = tpu.vector_load %arg11[%get3A_176, %get3A_177] {strides = array<i32>} : memref<80x128xf32, #tpu.memory_space<vmem>>, vector<1x16xf32>,
        %get3A_179 = vector.shape_cast %get3A_178 : vector<1x16xf32> to vector<16xf32>
        %add3A_180 = arith.addf %get3A_175, %get3A_179 : vector<16xf32>
        %swap3A = arith.index_cast %scan3A_171 : i32 to index
        %swap3A_181 = arith.constant 0 : index
        %swap3A_182 = tpu.vector_load %arg13[%swap3A, %swap3A_181] {strides = array<i32>} : memref<80x128xf32, #tpu.memory_space<vmem>>, vector<1x16xf32>,
        %swap3A_183 = vector.shape_cast %swap3A_182 : vector<1x16xf32> to vector<16xf32>
        %swap3A_184 = vector.shape_cast %add3A_180 : vector<16xf32> to vector<1x16xf32>
        tpu.vector_store %arg13[%swap3A, %swap3A_181], %swap3A_184 {strides = array<i32>} : memref<80x128xf32, #tpu.memory_space<vmem>>, vector<1x16xf32>,
        %get3A_185 = arith.index_cast %scan3A_171 : i32 to index
        %get3A_186 = arith.constant 16 : index
        %get3A_187 = tpu.vector_load %arg9[%get3A_185, %get3A_186] {strides = array<i32>} : memref<80x128xf32, #tpu.memory_space<vmem>>, vector<1x16xf32>,
        %get3A_188 = vector.shape_cast %get3A_187 : vector<1x16xf32> to vector<16xf32>
        %get3A_189 = arith.index_cast %scan3A_171 : i32 to index
        %get3A_190 = arith.constant 16 : index
        %get3A_191 = tpu.vector_load %arg11[%get3A_189, %get3A_190] {strides = array<i32>} : memref<80x128xf32, #tpu.memory_space<vmem>>, vector<1x16xf32>,
        %get3A_192 = vector.shape_cast %get3A_191 : vector<1x16xf32> to vector<16xf32>
        %add3A_193 = arith.addf %get3A_188, %get3A_192 : vector<16xf32>
        %swap3A_194 = arith.index_cast %scan3A_171 : i32 to index
        %swap3A_195 = arith.constant 16 : index
        %swap3A_196 = tpu.vector_load %arg13[%swap3A_194, %swap3A_195] {strides = array<i32>} : memref<80x128xf32, #tpu.memory_space<vmem>>, vector<1x16xf32>,
        %swap3A_197 = vector.shape_cast %swap3A_196 : vector<1x16xf32> to vector<16xf32>
        %swap3A_198 = vector.shape_cast %add3A_193 : vector<16xf32> to vector<1x16xf32>
        tpu.vector_store %arg13[%swap3A_194, %swap3A_195], %swap3A_198 {strides = array<i32>} : memref<80x128xf32, #tpu.memory_space<vmem>>, vector<1x16xf32>,
        %get3A_199 = arith.index_cast %scan3A_171 : i32 to index
        %get3A_200 = arith.constant 32 : index
        %get3A_201 = tpu.vector_load %arg9[%get3A_199, %get3A_200] {strides = array<i32>} : memref<80x128xf32, #tpu.memory_space<vmem>>, vector<1x16xf32>,
        %get3A_202 = vector.shape_cast %get3A_201 : vector<1x16xf32> to vector<16xf32>
        %get3A_203 = arith.index_cast %scan3A_171 : i32 to index
        %get3A_204 = arith.constant 32 : index
        %get3A_205 = tpu.vector_load %arg11[%get3A_203, %get3A_204] {strides = array<i32>} : memref<80x128xf32, #tpu.memory_space<vmem>>, vector<1x16xf32>,
        %get3A_206 = vector.shape_cast %get3A_205 : vector<1x16xf32> to vector<16xf32>
        %add3A_207 = arith.addf %get3A_202, %get3A_206 : vector<16xf32>
        %swap3A_208 = arith.index_cast %scan3A_171 : i32 to index
        %swap3A_209 = arith.constant 32 : index
        %swap3A_210 = tpu.vector_load %arg13[%swap3A_208, %swap3A_209] {strides = array<i32>} : memref<80x128xf32, #tpu.memory_space<vmem>>, vector<1x16xf32>,
        %swap3A_211 = vector.shape_cast %swap3A_210 : vector<1x16xf32> to vector<16xf32>
        %swap3A_212 = vector.shape_cast %add3A_207 : vector<16xf32> to vector<1x16xf32>
        tpu.vector_store %arg13[%swap3A_208, %swap3A_209], %swap3A_212 {strides = array<i32>} : memref<80x128xf32, #tpu.memory_space<vmem>>, vector<1x16xf32>,
        %get3A_213 = arith.index_cast %scan3A_171 : i32 to index
        %get3A_214 = arith.constant 48 : index
        %get3A_215 = tpu.vector_load %arg9[%get3A_213, %get3A_214] {strides = array<i32>} : memref<80x128xf32, #tpu.memory_space<vmem>>, vector<1x16xf32>,
        %get3A_216 = vector.shape_cast %get3A_215 : vector<1x16xf32> to vector<16xf32>
        %get3A_217 = arith.index_cast %scan3A_171 : i32 to index
        %get3A_218 = arith.constant 48 : index
        %get3A_219 = tpu.vector_load %arg11[%get3A_217, %get3A_218] {strides = array<i32>} : memref<80x128xf32, #tpu.memory_space<vmem>>, vector<1x16xf32>,
        %get3A_220 = vector.shape_cast %get3A_219 : vector<1x16xf32> to vector<16xf32>
        %add3A_221 = arith.addf %get3A_216, %get3A_220 : vector<16xf32>
        %swap3A_222 = arith.index_cast %scan3A_171 : i32 to index
        %swap3A_223 = arith.constant 48 : index
        %swap3A_224 = tpu.vector_load %arg13[%swap3A_222, %swap3A_223] {strides = array<i32>} : memref<80x128xf32, #tpu.memory_space<vmem>>, vector<1x16xf32>,
        %swap3A_225 = vector.shape_cast %swap3A_224 : vector<1x16xf32> to vector<16xf32>
        %swap3A_226 = vector.shape_cast %add3A_221 : vector<16xf32> to vector<1x16xf32>
        tpu.vector_store %arg13[%swap3A_222, %swap3A_223], %swap3A_226 {strides = array<i32>} : memref<80x128xf32, #tpu.memory_space<vmem>>, vector<1x16xf32>,
        %get3A_227 = arith.index_cast %scan3A_171 : i32 to index
        %get3A_228 = arith.constant 64 : index
        %get3A_229 = tpu.vector_load %arg9[%get3A_227, %get3A_228] {strides = array<i32>} : memref<80x128xf32, #tpu.memory_space<vmem>>, vector<1x16xf32>,
        %get3A_230 = vector.shape_cast %get3A_229 : vector<1x16xf32> to vector<16xf32>
        %get3A_231 = arith.index_cast %scan3A_171 : i32 to index
        %get3A_232 = arith.constant 64 : index
        %get3A_233 = tpu.vector_load %arg11[%get3A_231, %get3A_232] {strides = array<i32>} : memref<80x128xf32, #tpu.memory_space<vmem>>, vector<1x16xf32>,
        %get3A_234 = vector.shape_cast %get3A_233 : vector<1x16xf32> to vector<16xf32>
        %add3A_235 = arith.addf %get3A_230, %get3A_234 : vector<16xf32>
        %swap3A_236 = arith.index_cast %scan3A_171 : i32 to index
        %swap3A_237 = arith.constant 64 : index
        %swap3A_238 = tpu.vector_load %arg13[%swap3A_236, %swap3A_237] {strides = array<i32>} : memref<80x128xf32, #tpu.memory_space<vmem>>, vector<1x16xf32>,
        %swap3A_239 = vector.shape_cast %swap3A_238 : vector<1x16xf32> to vector<16xf32>
        %swap3A_240 = vector.shape_cast %add3A_235 : vector<16xf32> to vector<1x16xf32>
        tpu.vector_store %arg13[%swap3A_236, %swap3A_237], %swap3A_240 {strides = array<i32>} : memref<80x128xf32, #tpu.memory_space<vmem>>, vector<1x16xf32>,
        %get3A_241 = arith.index_cast %scan3A_171 : i32 to index
        %get3A_242 = arith.constant 80 : index
        %get3A_243 = tpu.vector_load %arg9[%get3A_241, %get3A_242] {strides = array<i32>} : memref<80x128xf32, #tpu.memory_space<vmem>>, vector<1x16xf32>,
        %get3A_244 = vector.shape_cast %get3A_243 : vector<1x16xf32> to vector<16xf32>
        %get3A_245 = arith.index_cast %scan3A_171 : i32 to index
        %get3A_246 = arith.constant 80 : index
        %get3A_247 = tpu.vector_load %arg11[%get3A_245, %get3A_246] {strides = array<i32>} : memref<80x128xf32, #tpu.memory_space<vmem>>, vector<1x16xf32>,
        %get3A_248 = vector.shape_cast %get3A_247 : vector<1x16xf32> to vector<16xf32>
        %add3A_249 = arith.addf %get3A_244, %get3A_248 : vector<16xf32>
        %swap3A_250 = arith.index_cast %scan3A_171 : i32 to index
        %swap3A_251 = arith.constant 80 : index
        %swap3A_252 = tpu.vector_load %arg13[%swap3A_250, %swap3A_251] {strides = array<i32>} : memref<80x128xf32, #tpu.memory_space<vmem>>, vector<1x16xf32>,
        %swap3A_253 = vector.shape_cast %swap3A_252 : vector<1x16xf32> to vector<16xf32>
        %swap3A_254 = vector.shape_cast %add3A_249 : vector<16xf32> to vector<1x16xf32>
        tpu.vector_store %arg13[%swap3A_250, %swap3A_251], %swap3A_254 {strides = array<i32>} : memref<80x128xf32, #tpu.memory_space<vmem>>, vector<1x16xf32>,
        %get3A_255 = arith.index_cast %scan3A_171 : i32 to index
        %get3A_256 = arith.constant 96 : index
        %get3A_257 = tpu.vector_load %arg9[%get3A_255, %get3A_256] {strides = array<i32>} : memref<80x128xf32, #tpu.memory_space<vmem>>, vector<1x16xf32>,
        %get3A_258 = vector.shape_cast %get3A_257 : vector<1x16xf32> to vector<16xf32>
        %get3A_259 = arith.index_cast %scan3A_171 : i32 to index
        %get3A_260 = arith.constant 96 : index
        %get3A_261 = tpu.vector_load %arg11[%get3A_259, %get3A_260] {strides = array<i32>} : memref<80x128xf32, #tpu.memory_space<vmem>>, vector<1x16xf32>,
        %get3A_262 = vector.shape_cast %get3A_261 : vector<1x16xf32> to vector<16xf32>
        %add3A_263 = arith.addf %get3A_258, %get3A_262 : vector<16xf32>
        %swap3A_264 = arith.index_cast %scan3A_171 : i32 to index
        %swap3A_265 = arith.constant 96 : index
        %swap3A_266 = tpu.vector_load %arg13[%swap3A_264, %swap3A_265] {strides = array<i32>} : memref<80x128xf32, #tpu.memory_space<vmem>>, vector<1x16xf32>,
        %swap3A_267 = vector.shape_cast %swap3A_266 : vector<1x16xf32> to vector<16xf32>
        %swap3A_268 = vector.shape_cast %add3A_263 : vector<16xf32> to vector<1x16xf32>
        tpu.vector_store %arg13[%swap3A_264, %swap3A_265], %swap3A_268 {strides = array<i32>} : memref<80x128xf32, #tpu.memory_space<vmem>>, vector<1x16xf32>,
        %get3A_269 = arith.index_cast %scan3A_171 : i32 to index
        %get3A_270 = arith.constant 112 : index
        %get3A_271 = tpu.vector_load %arg9[%get3A_269, %get3A_270] {strides = array<i32>} : memref<80x128xf32, #tpu.memory_space<vmem>>, vector<1x16xf32>,
        %get3A_272 = vector.shape_cast %get3A_271 : vector<1x16xf32> to vector<16xf32>
        %get3A_273 = arith.index_cast %scan3A_171 : i32 to index
        %get3A_274 = arith.constant 112 : index
        %get3A_275 = tpu.vector_load %arg11[%get3A_273, %get3A_274] {strides = array<i32>} : memref<80x128xf32, #tpu.memory_space<vmem>>, vector<1x16xf32>,
        %get3A_276 = vector.shape_cast %get3A_275 : vector<1x16xf32> to vector<16xf32>
        %add3A_277 = arith.addf %get3A_272, %get3A_276 : vector<16xf32>
        %swap3A_278 = arith.index_cast %scan3A_171 : i32 to index
        %swap3A_279 = arith.constant 112 : index
        %swap3A_280 = tpu.vector_load %arg13[%swap3A_278, %swap3A_279] {strides = array<i32>} : memref<80x128xf32, #tpu.memory_space<vmem>>, vector<1x16xf32>,
        %swap3A_281 = vector.shape_cast %swap3A_280 : vector<1x16xf32> to vector<16xf32>
        %swap3A_282 = vector.shape_cast %add3A_277 : vector<16xf32> to vector<1x16xf32>
        tpu.vector_store %arg13[%swap3A_278, %swap3A_279], %swap3A_282 {strides = array<i32>} : memref<80x128xf32, #tpu.memory_space<vmem>>, vector<1x16xf32>,
        %scan3A_283 = arith.constant 0 : i32
        scf.yield %scan3A_283 : i32
      }
      %scan3A_110 = arith.constant 80 : i32
      %add3A_111 = arith.constant 2 : i32
      %add3A_112 = arith.addi %mul3A_89, %add3A_111 : i32
      %lt3A = arith.constant 125 : i32
      %lt3A_113 = arith.cmpi slt, %add3A_112, %lt3A : i32
      %convert_element_type3A_114 = arith.extui %lt3A_113 : i1 to i32
      %cond3A_115 = arith.constant 0 : i32
      %cond3A_116 = arith.cmpi ne, %convert_element_type3A_114, %cond3A_115 : i32
      scf.if %cond3A_116 {
        %add3A_171 = arith.constant 2 : i32
        %add3A_172 = arith.addi %mul3A_89, %add3A_171 : i32
        %dma_start3A_173 = arith.constant 0 : i32
        %dma_start3A_174 = tpu.memref_slice %arg7[%add3A_172, %dma_start3A_173] : memref<125x80xi32, #tpu.memory_space<vmem>> -> memref<1x80xi32, #tpu.memory_space<vmem>>
        %dma_start3A_175 = tpu.memref_squeeze %dma_start3A_174 : memref<1x80xi32, #tpu.memory_space<vmem>> -> memref<80xi32, #tpu.memory_space<vmem>>
        %dma_start3A_176 = arith.constant 0 : i32
        %dma_start3A_177 = arith.constant 0 : i32
        %dma_start3A_178 = tpu.memref_slice %arg2[%dma_start3A_176, %dma_start3A_177] : memref<10000x128xf32, #tpu.memory_space<hbm>> -> memref<10000x128xf32, #tpu.memory_space<hbm>>
        tpu.enqueue_indirect_dma source(%dma_start3A_178 : memref<10000x128xf32, #tpu.memory_space<hbm>>) target(%arg9 : memref<80x128xf32, #tpu.memory_space<vmem>>) offsets(%dma_start3A_175 : memref<80xi32, #tpu.memory_space<vmem>>) semaphore(%arg15 : memref<!tpu.dma_semaphore, #tpu.memory_space<semaphore_mem>>)
        %dma_start3A_179 = arith.constant 0 : i32
        %dma_start3A_180 = tpu.memref_slice %arg8[%add3A_172, %dma_start3A_179] : memref<125x80xi32, #tpu.memory_space<vmem>> -> memref<1x80xi32, #tpu.memory_space<vmem>>
        %dma_start3A_181 = tpu.memref_squeeze %dma_start3A_180 : memref<1x80xi32, #tpu.memory_space<vmem>> -> memref<80xi32, #tpu.memory_space<vmem>>
        %dma_start3A_182 = arith.constant 0 : i32
        %dma_start3A_183 = arith.constant 0 : i32
        %dma_start3A_184 = tpu.memref_slice %arg3[%dma_start3A_182, %dma_start3A_183] : memref<10000x128xf32, #tpu.memory_space<hbm>> -> memref<10000x128xf32, #tpu.memory_space<hbm>>
        tpu.enqueue_indirect_dma source(%dma_start3A_184 : memref<10000x128xf32, #tpu.memory_space<hbm>>) target(%arg11 : memref<80x128xf32, #tpu.memory_space<vmem>>) offsets(%dma_start3A_181 : memref<80xi32, #tpu.memory_space<vmem>>) semaphore(%arg15 : memref<!tpu.dma_semaphore, #tpu.memory_space<semaphore_mem>>)
      } else {
      }
      %mul3A_117 = arith.constant 10000 : i32
      %mul3A_118 = arith.muli %add3A, %mul3A_117 : i32
      %mul3A_119 = arith.constant 80 : i32
      %mul3A_120 = arith.muli %mul3A_89, %mul3A_119 : i32
      %add3A_121 = arith.addi %mul3A_118, %mul3A_120 : i32
      %dma_start3A_122 = arith.constant 0 : i32
      %dma_start3A_123 = tpu.memref_slice %arg6[%add3A_121, %dma_start3A_122] : memref<320000x128xf32, #tpu.memory_space<hbm>> -> memref<80x128xf32, #tpu.memory_space<hbm>>
      %dma_start3A_124 = arith.constant 0 : i32
      %dma_start3A_125 = tpu.memref_slice %arg6[%add3A_121, %dma_start3A_124] : memref<320000x128xf32, #tpu.memory_space<hbm>> -> memref<80x128xf32, #tpu.memory_space<hbm>>
      tpu.enqueue_dma source(%arg13 : memref<80x128xf32, #tpu.memory_space<vmem>>) target(%dma_start3A_125 : memref<80x128xf32, #tpu.memory_space<hbm>>) target_semaphore(%arg17 : memref<!tpu.dma_semaphore, #tpu.memory_space<semaphore_mem>>)
      %mul3A_126 = arith.constant 2 : i32
      %mul3A_127 = arith.muli %mul3A_126, %scan3A_86 : i32
      %add3A_128 = arith.constant 1 : i32
      %add3A_129 = arith.addi %mul3A_127, %add3A_128 : i32
      %dma_wait3A_130 = arith.constant 0 : i32
      %dma_wait3A_131 = tpu.memref_slice %arg7[%add3A_129, %dma_wait3A_130] : memref<125x80xi32, #tpu.memory_space<vmem>> -> memref<1x80xi32, #tpu.memory_space<vmem>>
      %dma_wait3A_132 = tpu.memref_squeeze %dma_wait3A_131 : memref<1x80xi32, #tpu.memory_space<vmem>> -> memref<80xi32, #tpu.memory_space<vmem>>
      %dma_wait3A_133 = arith.constant 0 : i32
      %dma_wait3A_134 = arith.constant 0 : i32
      %dma_wait3A_135 = tpu.memref_slice %arg2[%dma_wait3A_133, %dma_wait3A_134] : memref<10000x128xf32, #tpu.memory_space<hbm>> -> memref<10000x128xf32, #tpu.memory_space<hbm>>
      tpu.wait_indirect_dma semaphore(%arg16 : memref<!tpu.dma_semaphore, #tpu.memory_space<semaphore_mem>>) src(%dma_wait3A_135 : memref<10000x128xf32, #tpu.memory_space<hbm>>) dst(%arg10 : memref<80x128xf32, #tpu.memory_space<vmem>>)
      %dma_wait3A_136 = arith.constant 0 : i32
      %dma_wait3A_137 = tpu.memref_slice %arg8[%add3A_129, %dma_wait3A_136] : memref<125x80xi32, #tpu.memory_space<vmem>> -> memref<1x80xi32, #tpu.memory_space<vmem>>
      %dma_wait3A_138 = tpu.memref_squeeze %dma_wait3A_137 : memref<1x80xi32, #tpu.memory_space<vmem>> -> memref<80xi32, #tpu.memory_space<vmem>>
      %dma_wait3A_139 = arith.constant 0 : i32
      %dma_wait3A_140 = arith.constant 0 : i32
      %dma_wait3A_141 = tpu.memref_slice %arg3[%dma_wait3A_139, %dma_wait3A_140] : memref<10000x128xf32, #tpu.memory_space<hbm>> -> memref<10000x128xf32, #tpu.memory_space<hbm>>
      tpu.wait_indirect_dma semaphore(%arg16 : memref<!tpu.dma_semaphore, #tpu.memory_space<semaphore_mem>>) src(%dma_wait3A_141 : memref<10000x128xf32, #tpu.memory_space<hbm>>) dst(%arg12 : memref<80x128xf32, #tpu.memory_space<vmem>>)
      %ge3A_142 = arith.constant 2 : i32
      %ge3A_143 = arith.cmpi sge, %add3A_129, %ge3A_142 : i32
      %convert_element_type3A_144 = arith.extui %ge3A_143 : i1 to i32
      %cond3A_145 = arith.constant 0 : i32
      %cond3A_146 = arith.cmpi ne, %convert_element_type3A_144, %cond3A_145 : i32
      scf.if %cond3A_146 {
        %sub3A = arith.constant 2 : i32
        %sub3A_171 = arith.subi %add3A_129, %sub3A : i32
        %mul3A_172 = arith.constant 10000 : i32
        %mul3A_173 = arith.muli %add3A, %mul3A_172 : i32
        %mul3A_174 = arith.constant 80 : i32
        %mul3A_175 = arith.muli %sub3A_171, %mul3A_174 : i32
        %add3A_176 = arith.addi %mul3A_173, %mul3A_175 : i32
        %dma_wait3A_177 = arith.constant 0 : i32
        %dma_wait3A_178 = tpu.memref_slice %arg6[%add3A_176, %dma_wait3A_177] : memref<320000x128xf32, #tpu.memory_space<hbm>> -> memref<80x128xf32, #tpu.memory_space<hbm>>
        %dma_wait3A_179 = arith.constant 0 : i32
        %dma_wait3A_180 = tpu.memref_slice %arg6[%add3A_176, %dma_wait3A_179] : memref<320000x128xf32, #tpu.memory_space<hbm>> -> memref<80x128xf32, #tpu.memory_space<hbm>>
        tpu.wait_dma2 semaphore(%arg18 : memref<!tpu.dma_semaphore, #tpu.memory_space<semaphore_mem>>) src(%arg14 : memref<80x128xf32, #tpu.memory_space<vmem>>) dst(%dma_wait3A_180 : memref<80x128xf32, #tpu.memory_space<hbm>>)
      } else {
      }
      %scan3A_147 = arith.constant 0 : i32
      %scan3A_148 = arith.constant 0 : i32
      %scan3A_149 = arith.constant 80 : i32
      %scan3A_150 = arith.addi %scan3A_148, %scan3A_149 : i32
      %scan3A_151 = arith.constant 1 : i32
      %scan3A_152 = scf.for %scan3A_171 = %scan3A_148 to %scan3A_150 step %scan3A_151 iter_args(%scan3A_172 = %scan3A_147) -> (i32)  : i32 {
        %get3A = arith.index_cast %scan3A_171 : i32 to index
        %get3A_173 = arith.constant 0 : index
        %get3A_174 = tpu.vector_load %arg10[%get3A, %get3A_173] {strides = array<i32>} : memref<80x128xf32, #tpu.memory_space<vmem>>, vector<1x16xf32>,
        %get3A_175 = vector.shape_cast %get3A_174 : vector<1x16xf32> to vector<16xf32>
        %get3A_176 = arith.index_cast %scan3A_171 : i32 to index
        %get3A_177 = arith.constant 0 : index
        %get3A_178 = tpu.vector_load %arg12[%get3A_176, %get3A_177] {strides = array<i32>} : memref<80x128xf32, #tpu.memory_space<vmem>>, vector<1x16xf32>,
        %get3A_179 = vector.shape_cast %get3A_178 : vector<1x16xf32> to vector<16xf32>
        %add3A_180 = arith.addf %get3A_175, %get3A_179 : vector<16xf32>
        %swap3A = arith.index_cast %scan3A_171 : i32 to index
        %swap3A_181 = arith.constant 0 : index
        %swap3A_182 = tpu.vector_load %arg14[%swap3A, %swap3A_181] {strides = array<i32>} : memref<80x128xf32, #tpu.memory_space<vmem>>, vector<1x16xf32>,
        %swap3A_183 = vector.shape_cast %swap3A_182 : vector<1x16xf32> to vector<16xf32>
        %swap3A_184 = vector.shape_cast %add3A_180 : vector<16xf32> to vector<1x16xf32>
        tpu.vector_store %arg14[%swap3A, %swap3A_181], %swap3A_184 {strides = array<i32>} : memref<80x128xf32, #tpu.memory_space<vmem>>, vector<1x16xf32>,
        %get3A_185 = arith.index_cast %scan3A_171 : i32 to index
        %get3A_186 = arith.constant 16 : index
        %get3A_187 = tpu.vector_load %arg10[%get3A_185, %get3A_186] {strides = array<i32>} : memref<80x128xf32, #tpu.memory_space<vmem>>, vector<1x16xf32>,
        %get3A_188 = vector.shape_cast %get3A_187 : vector<1x16xf32> to vector<16xf32>
        %get3A_189 = arith.index_cast %scan3A_171 : i32 to index
        %get3A_190 = arith.constant 16 : index
        %get3A_191 = tpu.vector_load %arg12[%get3A_189, %get3A_190] {strides = array<i32>} : memref<80x128xf32, #tpu.memory_space<vmem>>, vector<1x16xf32>,
        %get3A_192 = vector.shape_cast %get3A_191 : vector<1x16xf32> to vector<16xf32>
        %add3A_193 = arith.addf %get3A_188, %get3A_192 : vector<16xf32>
        %swap3A_194 = arith.index_cast %scan3A_171 : i32 to index
        %swap3A_195 = arith.constant 16 : index
        %swap3A_196 = tpu.vector_load %arg14[%swap3A_194, %swap3A_195] {strides = array<i32>} : memref<80x128xf32, #tpu.memory_space<vmem>>, vector<1x16xf32>,
        %swap3A_197 = vector.shape_cast %swap3A_196 : vector<1x16xf32> to vector<16xf32>
        %swap3A_198 = vector.shape_cast %add3A_193 : vector<16xf32> to vector<1x16xf32>
        tpu.vector_store %arg14[%swap3A_194, %swap3A_195], %swap3A_198 {strides = array<i32>} : memref<80x128xf32, #tpu.memory_space<vmem>>, vector<1x16xf32>,
        %get3A_199 = arith.index_cast %scan3A_171 : i32 to index
        %get3A_200 = arith.constant 32 : index
        %get3A_201 = tpu.vector_load %arg10[%get3A_199, %get3A_200] {strides = array<i32>} : memref<80x128xf32, #tpu.memory_space<vmem>>, vector<1x16xf32>,
        %get3A_202 = vector.shape_cast %get3A_201 : vector<1x16xf32> to vector<16xf32>
        %get3A_203 = arith.index_cast %scan3A_171 : i32 to index
        %get3A_204 = arith.constant 32 : index
        %get3A_205 = tpu.vector_load %arg12[%get3A_203, %get3A_204] {strides = array<i32>} : memref<80x128xf32, #tpu.memory_space<vmem>>, vector<1x16xf32>,
        %get3A_206 = vector.shape_cast %get3A_205 : vector<1x16xf32> to vector<16xf32>
        %add3A_207 = arith.addf %get3A_202, %get3A_206 : vector<16xf32>
        %swap3A_208 = arith.index_cast %scan3A_171 : i32 to index
        %swap3A_209 = arith.constant 32 : index
        %swap3A_210 = tpu.vector_load %arg14[%swap3A_208, %swap3A_209] {strides = array<i32>} : memref<80x128xf32, #tpu.memory_space<vmem>>, vector<1x16xf32>,
        %swap3A_211 = vector.shape_cast %swap3A_210 : vector<1x16xf32> to vector<16xf32>
        %swap3A_212 = vector.shape_cast %add3A_207 : vector<16xf32> to vector<1x16xf32>
        tpu.vector_store %arg14[%swap3A_208, %swap3A_209], %swap3A_212 {strides = array<i32>} : memref<80x128xf32, #tpu.memory_space<vmem>>, vector<1x16xf32>,
        %get3A_213 = arith.index_cast %scan3A_171 : i32 to index
        %get3A_214 = arith.constant 48 : index
        %get3A_215 = tpu.vector_load %arg10[%get3A_213, %get3A_214] {strides = array<i32>} : memref<80x128xf32, #tpu.memory_space<vmem>>, vector<1x16xf32>,
        %get3A_216 = vector.shape_cast %get3A_215 : vector<1x16xf32> to vector<16xf32>
        %get3A_217 = arith.index_cast %scan3A_171 : i32 to index
        %get3A_218 = arith.constant 48 : index
        %get3A_219 = tpu.vector_load %arg12[%get3A_217, %get3A_218] {strides = array<i32>} : memref<80x128xf32, #tpu.memory_space<vmem>>, vector<1x16xf32>,
        %get3A_220 = vector.shape_cast %get3A_219 : vector<1x16xf32> to vector<16xf32>
        %add3A_221 = arith.addf %get3A_216, %get3A_220 : vector<16xf32>
        %swap3A_222 = arith.index_cast %scan3A_171 : i32 to index
        %swap3A_223 = arith.constant 48 : index
        %swap3A_224 = tpu.vector_load %arg14[%swap3A_222, %swap3A_223] {strides = array<i32>} : memref<80x128xf32, #tpu.memory_space<vmem>>, vector<1x16xf32>,
        %swap3A_225 = vector.shape_cast %swap3A_224 : vector<1x16xf32> to vector<16xf32>
        %swap3A_226 = vector.shape_cast %add3A_221 : vector<16xf32> to vector<1x16xf32>
        tpu.vector_store %arg14[%swap3A_222, %swap3A_223], %swap3A_226 {strides = array<i32>} : memref<80x128xf32, #tpu.memory_space<vmem>>, vector<1x16xf32>,
        %get3A_227 = arith.index_cast %scan3A_171 : i32 to index
        %get3A_228 = arith.constant 64 : index
        %get3A_229 = tpu.vector_load %arg10[%get3A_227, %get3A_228] {strides = array<i32>} : memref<80x128xf32, #tpu.memory_space<vmem>>, vector<1x16xf32>,
        %get3A_230 = vector.shape_cast %get3A_229 : vector<1x16xf32> to vector<16xf32>
        %get3A_231 = arith.index_cast %scan3A_171 : i32 to index
        %get3A_232 = arith.constant 64 : index
        %get3A_233 = tpu.vector_load %arg12[%get3A_231, %get3A_232] {strides = array<i32>} : memref<80x128xf32, #tpu.memory_space<vmem>>, vector<1x16xf32>,
        %get3A_234 = vector.shape_cast %get3A_233 : vector<1x16xf32> to vector<16xf32>
        %add3A_235 = arith.addf %get3A_230, %get3A_234 : vector<16xf32>
        %swap3A_236 = arith.index_cast %scan3A_171 : i32 to index
        %swap3A_237 = arith.constant 64 : index
        %swap3A_238 = tpu.vector_load %arg14[%swap3A_236, %swap3A_237] {strides = array<i32>} : memref<80x128xf32, #tpu.memory_space<vmem>>, vector<1x16xf32>,
        %swap3A_239 = vector.shape_cast %swap3A_238 : vector<1x16xf32> to vector<16xf32>
        %swap3A_240 = vector.shape_cast %add3A_235 : vector<16xf32> to vector<1x16xf32>
        tpu.vector_store %arg14[%swap3A_236, %swap3A_237], %swap3A_240 {strides = array<i32>} : memref<80x128xf32, #tpu.memory_space<vmem>>, vector<1x16xf32>,
        %get3A_241 = arith.index_cast %scan3A_171 : i32 to index
        %get3A_242 = arith.constant 80 : index
        %get3A_243 = tpu.vector_load %arg10[%get3A_241, %get3A_242] {strides = array<i32>} : memref<80x128xf32, #tpu.memory_space<vmem>>, vector<1x16xf32>,
        %get3A_244 = vector.shape_cast %get3A_243 : vector<1x16xf32> to vector<16xf32>
        %get3A_245 = arith.index_cast %scan3A_171 : i32 to index
        %get3A_246 = arith.constant 80 : index
        %get3A_247 = tpu.vector_load %arg12[%get3A_245, %get3A_246] {strides = array<i32>} : memref<80x128xf32, #tpu.memory_space<vmem>>, vector<1x16xf32>,
        %get3A_248 = vector.shape_cast %get3A_247 : vector<1x16xf32> to vector<16xf32>
        %add3A_249 = arith.addf %get3A_244, %get3A_248 : vector<16xf32>
        %swap3A_250 = arith.index_cast %scan3A_171 : i32 to index
        %swap3A_251 = arith.constant 80 : index
        %swap3A_252 = tpu.vector_load %arg14[%swap3A_250, %swap3A_251] {strides = array<i32>} : memref<80x128xf32, #tpu.memory_space<vmem>>, vector<1x16xf32>,
        %swap3A_253 = vector.shape_cast %swap3A_252 : vector<1x16xf32> to vector<16xf32>
        %swap3A_254 = vector.shape_cast %add3A_249 : vector<16xf32> to vector<1x16xf32>
        tpu.vector_store %arg14[%swap3A_250, %swap3A_251], %swap3A_254 {strides = array<i32>} : memref<80x128xf32, #tpu.memory_space<vmem>>, vector<1x16xf32>,
        %get3A_255 = arith.index_cast %scan3A_171 : i32 to index
        %get3A_256 = arith.constant 96 : index
        %get3A_257 = tpu.vector_load %arg10[%get3A_255, %get3A_256] {strides = array<i32>} : memref<80x128xf32, #tpu.memory_space<vmem>>, vector<1x16xf32>,
        %get3A_258 = vector.shape_cast %get3A_257 : vector<1x16xf32> to vector<16xf32>
        %get3A_259 = arith.index_cast %scan3A_171 : i32 to index
        %get3A_260 = arith.constant 96 : index
        %get3A_261 = tpu.vector_load %arg12[%get3A_259, %get3A_260] {strides = array<i32>} : memref<80x128xf32, #tpu.memory_space<vmem>>, vector<1x16xf32>,
        %get3A_262 = vector.shape_cast %get3A_261 : vector<1x16xf32> to vector<16xf32>
        %add3A_263 = arith.addf %get3A_258, %get3A_262 : vector<16xf32>
        %swap3A_264 = arith.index_cast %scan3A_171 : i32 to index
        %swap3A_265 = arith.constant 96 : index
        %swap3A_266 = tpu.vector_load %arg14[%swap3A_264, %swap3A_265] {strides = array<i32>} : memref<80x128xf32, #tpu.memory_space<vmem>>, vector<1x16xf32>,
        %swap3A_267 = vector.shape_cast %swap3A_266 : vector<1x16xf32> to vector<16xf32>
        %swap3A_268 = vector.shape_cast %add3A_263 : vector<16xf32> to vector<1x16xf32>
        tpu.vector_store %arg14[%swap3A_264, %swap3A_265], %swap3A_268 {strides = array<i32>} : memref<80x128xf32, #tpu.memory_space<vmem>>, vector<1x16xf32>,
        %get3A_269 = arith.index_cast %scan3A_171 : i32 to index
        %get3A_270 = arith.constant 112 : index
        %get3A_271 = tpu.vector_load %arg10[%get3A_269, %get3A_270] {strides = array<i32>} : memref<80x128xf32, #tpu.memory_space<vmem>>, vector<1x16xf32>,
        %get3A_272 = vector.shape_cast %get3A_271 : vector<1x16xf32> to vector<16xf32>
        %get3A_273 = arith.index_cast %scan3A_171 : i32 to index
        %get3A_274 = arith.constant 112 : index
        %get3A_275 = tpu.vector_load %arg12[%get3A_273, %get3A_274] {strides = array<i32>} : memref<80x128xf32, #tpu.memory_space<vmem>>, vector<1x16xf32>,
        %get3A_276 = vector.shape_cast %get3A_275 : vector<1x16xf32> to vector<16xf32>
        %add3A_277 = arith.addf %get3A_272, %get3A_276 : vector<16xf32>
        %swap3A_278 = arith.index_cast %scan3A_171 : i32 to index
        %swap3A_279 = arith.constant 112 : index
        %swap3A_280 = tpu.vector_load %arg14[%swap3A_278, %swap3A_279] {strides = array<i32>} : memref<80x128xf32, #tpu.memory_space<vmem>>, vector<1x16xf32>,
        %swap3A_281 = vector.shape_cast %swap3A_280 : vector<1x16xf32> to vector<16xf32>
        %swap3A_282 = vector.shape_cast %add3A_277 : vector<16xf32> to vector<1x16xf32>
        tpu.vector_store %arg14[%swap3A_278, %swap3A_279], %swap3A_282 {strides = array<i32>} : memref<80x128xf32, #tpu.memory_space<vmem>>, vector<1x16xf32>,
        %scan3A_283 = arith.constant 0 : i32
        scf.yield %scan3A_283 : i32
      }
      %scan3A_153 = arith.constant 80 : i32
      %add3A_154 = arith.constant 2 : i32
      %add3A_155 = arith.addi %add3A_129, %add3A_154 : i32
      %lt3A_156 = arith.constant 125 : i32
      %lt3A_157 = arith.cmpi slt, %add3A_155, %lt3A_156 : i32
      %convert_element_type3A_158 = arith.extui %lt3A_157 : i1 to i32
      %cond3A_159 = arith.constant 0 : i32
      %cond3A_160 = arith.cmpi ne, %convert_element_type3A_158, %cond3A_159 : i32
      scf.if %cond3A_160 {
        %add3A_171 = arith.constant 2 : i32
        %add3A_172 = arith.addi %add3A_129, %add3A_171 : i32
        %dma_start3A_173 = arith.constant 0 : i32
        %dma_start3A_174 = tpu.memref_slice %arg7[%add3A_172, %dma_start3A_173] : memref<125x80xi32, #tpu.memory_space<vmem>> -> memref<1x80xi32, #tpu.memory_space<vmem>>
        %dma_start3A_175 = tpu.memref_squeeze %dma_start3A_174 : memref<1x80xi32, #tpu.memory_space<vmem>> -> memref<80xi32, #tpu.memory_space<vmem>>
        %dma_start3A_176 = arith.constant 0 : i32
        %dma_start3A_177 = arith.constant 0 : i32
        %dma_start3A_178 = tpu.memref_slice %arg2[%dma_start3A_176, %dma_start3A_177] : memref<10000x128xf32, #tpu.memory_space<hbm>> -> memref<10000x128xf32, #tpu.memory_space<hbm>>
        tpu.enqueue_indirect_dma source(%dma_start3A_178 : memref<10000x128xf32, #tpu.memory_space<hbm>>) target(%arg10 : memref<80x128xf32, #tpu.memory_space<vmem>>) offsets(%dma_start3A_175 : memref<80xi32, #tpu.memory_space<vmem>>) semaphore(%arg16 : memref<!tpu.dma_semaphore, #tpu.memory_space<semaphore_mem>>)
        %dma_start3A_179 = arith.constant 0 : i32
        %dma_start3A_180 = tpu.memref_slice %arg8[%add3A_172, %dma_start3A_179] : memref<125x80xi32, #tpu.memory_space<vmem>> -> memref<1x80xi32, #tpu.memory_space<vmem>>
        %dma_start3A_181 = tpu.memref_squeeze %dma_start3A_180 : memref<1x80xi32, #tpu.memory_space<vmem>> -> memref<80xi32, #tpu.memory_space<vmem>>
        %dma_start3A_182 = arith.constant 0 : i32
        %dma_start3A_183 = arith.constant 0 : i32
        %dma_start3A_184 = tpu.memref_slice %arg3[%dma_start3A_182, %dma_start3A_183] : memref<10000x128xf32, #tpu.memory_space<hbm>> -> memref<10000x128xf32, #tpu.memory_space<hbm>>
        tpu.enqueue_indirect_dma source(%dma_start3A_184 : memref<10000x128xf32, #tpu.memory_space<hbm>>) target(%arg12 : memref<80x128xf32, #tpu.memory_space<vmem>>) offsets(%dma_start3A_181 : memref<80xi32, #tpu.memory_space<vmem>>) semaphore(%arg16 : memref<!tpu.dma_semaphore, #tpu.memory_space<semaphore_mem>>)
      } else {
      }
      %mul3A_161 = arith.constant 10000 : i32
      %mul3A_162 = arith.muli %add3A, %mul3A_161 : i32
      %mul3A_163 = arith.constant 80 : i32
      %mul3A_164 = arith.muli %add3A_129, %mul3A_163 : i32
      %add3A_165 = arith.addi %mul3A_162, %mul3A_164 : i32
      %dma_start3A_166 = arith.constant 0 : i32
      %dma_start3A_167 = tpu.memref_slice %arg6[%add3A_165, %dma_start3A_166] : memref<320000x128xf32, #tpu.memory_space<hbm>> -> memref<80x128xf32, #tpu.memory_space<hbm>>
      %dma_start3A_168 = arith.constant 0 : i32
      %dma_start3A_169 = tpu.memref_slice %arg6[%add3A_165, %dma_start3A_168] : memref<320000x128xf32, #tpu.memory_space<hbm>> -> memref<80x128xf32, #tpu.memory_space<hbm>>
      tpu.enqueue_dma source(%arg14 : memref<80x128xf32, #tpu.memory_space<vmem>>) target(%dma_start3A_169 : memref<80x128xf32, #tpu.memory_space<hbm>>) target_semaphore(%arg18 : memref<!tpu.dma_semaphore, #tpu.memory_space<semaphore_mem>>)
      %scan3A_170 = arith.constant 0 : i32
      scf.yield %scan3A_170 : i32
    }
    %scan3A_33 = arith.constant 62 : i32
    %dma_wait3A = arith.constant 124 : i32
    %dma_wait3A_34 = arith.constant 0 : i32
    %dma_wait3A_35 = tpu.memref_slice %arg7[%dma_wait3A, %dma_wait3A_34] : memref<125x80xi32, #tpu.memory_space<vmem>> -> memref<1x80xi32, #tpu.memory_space<vmem>>
    %dma_wait3A_36 = tpu.memref_squeeze %dma_wait3A_35 : memref<1x80xi32, #tpu.memory_space<vmem>> -> memref<80xi32, #tpu.memory_space<vmem>>
    %dma_wait3A_37 = arith.constant 0 : i32
    %dma_wait3A_38 = arith.constant 0 : i32
    %dma_wait3A_39 = tpu.memref_slice %arg2[%dma_wait3A_37, %dma_wait3A_38] : memref<10000x128xf32, #tpu.memory_space<hbm>> -> memref<10000x128xf32, #tpu.memory_space<hbm>>
    tpu.wait_indirect_dma semaphore(%arg15 : memref<!tpu.dma_semaphore, #tpu.memory_space<semaphore_mem>>) src(%dma_wait3A_39 : memref<10000x128xf32, #tpu.memory_space<hbm>>) dst(%arg9 : memref<80x128xf32, #tpu.memory_space<vmem>>)
    %dma_wait3A_40 = arith.constant 124 : i32
    %dma_wait3A_41 = arith.constant 0 : i32
    %dma_wait3A_42 = tpu.memref_slice %arg8[%dma_wait3A_40, %dma_wait3A_41] : memref<125x80xi32, #tpu.memory_space<vmem>> -> memref<1x80xi32, #tpu.memory_space<vmem>>
    %dma_wait3A_43 = tpu.memref_squeeze %dma_wait3A_42 : memref<1x80xi32, #tpu.memory_space<vmem>> -> memref<80xi32, #tpu.memory_space<vmem>>
    %dma_wait3A_44 = arith.constant 0 : i32
    %dma_wait3A_45 = arith.constant 0 : i32
    %dma_wait3A_46 = tpu.memref_slice %arg3[%dma_wait3A_44, %dma_wait3A_45] : memref<10000x128xf32, #tpu.memory_space<hbm>> -> memref<10000x128xf32, #tpu.memory_space<hbm>>
    tpu.wait_indirect_dma semaphore(%arg15 : memref<!tpu.dma_semaphore, #tpu.memory_space<semaphore_mem>>) src(%dma_wait3A_46 : memref<10000x128xf32, #tpu.memory_space<hbm>>) dst(%arg11 : memref<80x128xf32, #tpu.memory_space<vmem>>)
    %mul3A_47 = arith.constant 10000 : i32
    %mul3A_48 = arith.muli %add3A, %mul3A_47 : i32
    %add3A_49 = arith.constant 9760 : i32
    %add3A_50 = arith.addi %mul3A_48, %add3A_49 : i32
    %dma_wait3A_51 = arith.constant 0 : i32
    %dma_wait3A_52 = tpu.memref_slice %arg6[%add3A_50, %dma_wait3A_51] : memref<320000x128xf32, #tpu.memory_space<hbm>> -> memref<80x128xf32, #tpu.memory_space<hbm>>
    %dma_wait3A_53 = arith.constant 0 : i32
    %dma_wait3A_54 = tpu.memref_slice %arg6[%add3A_50, %dma_wait3A_53] : memref<320000x128xf32, #tpu.memory_space<hbm>> -> memref<80x128xf32, #tpu.memory_space<hbm>>
    tpu.wait_dma2 semaphore(%arg17 : memref<!tpu.dma_semaphore, #tpu.memory_space<semaphore_mem>>) src(%arg13 : memref<80x128xf32, #tpu.memory_space<vmem>>) dst(%dma_wait3A_54 : memref<80x128xf32, #tpu.memory_space<hbm>>)
    %scan3A_55 = arith.constant 0 : i32
    %scan3A_56 = arith.constant 0 : i32
    %scan3A_57 = arith.constant 80 : i32
    %scan3A_58 = arith.addi %scan3A_56, %scan3A_57 : i32
    %scan3A_59 = arith.constant 1 : i32
    %scan3A_60 = scf.for %scan3A_86 = %scan3A_56 to %scan3A_58 step %scan3A_59 iter_args(%scan3A_87 = %scan3A_55) -> (i32)  : i32 {
      %get3A = arith.index_cast %scan3A_86 : i32 to index
      %get3A_88 = arith.constant 0 : index
      %get3A_89 = tpu.vector_load %arg9[%get3A, %get3A_88] {strides = array<i32>} : memref<80x128xf32, #tpu.memory_space<vmem>>, vector<1x16xf32>,
      %get3A_90 = vector.shape_cast %get3A_89 : vector<1x16xf32> to vector<16xf32>
      %get3A_91 = arith.index_cast %scan3A_86 : i32 to index
      %get3A_92 = arith.constant 0 : index
      %get3A_93 = tpu.vector_load %arg11[%get3A_91, %get3A_92] {strides = array<i32>} : memref<80x128xf32, #tpu.memory_space<vmem>>, vector<1x16xf32>,
      %get3A_94 = vector.shape_cast %get3A_93 : vector<1x16xf32> to vector<16xf32>
      %add3A_95 = arith.addf %get3A_90, %get3A_94 : vector<16xf32>
      %swap3A = arith.index_cast %scan3A_86 : i32 to index
      %swap3A_96 = arith.constant 0 : index
      %swap3A_97 = tpu.vector_load %arg13[%swap3A, %swap3A_96] {strides = array<i32>} : memref<80x128xf32, #tpu.memory_space<vmem>>, vector<1x16xf32>,
      %swap3A_98 = vector.shape_cast %swap3A_97 : vector<1x16xf32> to vector<16xf32>
      %swap3A_99 = vector.shape_cast %add3A_95 : vector<16xf32> to vector<1x16xf32>
      tpu.vector_store %arg13[%swap3A, %swap3A_96], %swap3A_99 {strides = array<i32>} : memref<80x128xf32, #tpu.memory_space<vmem>>, vector<1x16xf32>,
      %get3A_100 = arith.index_cast %scan3A_86 : i32 to index
      %get3A_101 = arith.constant 16 : index
      %get3A_102 = tpu.vector_load %arg9[%get3A_100, %get3A_101] {strides = array<i32>} : memref<80x128xf32, #tpu.memory_space<vmem>>, vector<1x16xf32>,
      %get3A_103 = vector.shape_cast %get3A_102 : vector<1x16xf32> to vector<16xf32>
      %get3A_104 = arith.index_cast %scan3A_86 : i32 to index
      %get3A_105 = arith.constant 16 : index
      %get3A_106 = tpu.vector_load %arg11[%get3A_104, %get3A_105] {strides = array<i32>} : memref<80x128xf32, #tpu.memory_space<vmem>>, vector<1x16xf32>,
      %get3A_107 = vector.shape_cast %get3A_106 : vector<1x16xf32> to vector<16xf32>
      %add3A_108 = arith.addf %get3A_103, %get3A_107 : vector<16xf32>
      %swap3A_109 = arith.index_cast %scan3A_86 : i32 to index
      %swap3A_110 = arith.constant 16 : index
      %swap3A_111 = tpu.vector_load %arg13[%swap3A_109, %swap3A_110] {strides = array<i32>} : memref<80x128xf32, #tpu.memory_space<vmem>>, vector<1x16xf32>,
      %swap3A_112 = vector.shape_cast %swap3A_111 : vector<1x16xf32> to vector<16xf32>
      %swap3A_113 = vector.shape_cast %add3A_108 : vector<16xf32> to vector<1x16xf32>
      tpu.vector_store %arg13[%swap3A_109, %swap3A_110], %swap3A_113 {strides = array<i32>} : memref<80x128xf32, #tpu.memory_space<vmem>>, vector<1x16xf32>,
      %get3A_114 = arith.index_cast %scan3A_86 : i32 to index
      %get3A_115 = arith.constant 32 : index
      %get3A_116 = tpu.vector_load %arg9[%get3A_114, %get3A_115] {strides = array<i32>} : memref<80x128xf32, #tpu.memory_space<vmem>>, vector<1x16xf32>,
      %get3A_117 = vector.shape_cast %get3A_116 : vector<1x16xf32> to vector<16xf32>
      %get3A_118 = arith.index_cast %scan3A_86 : i32 to index
      %get3A_119 = arith.constant 32 : index
      %get3A_120 = tpu.vector_load %arg11[%get3A_118, %get3A_119] {strides = array<i32>} : memref<80x128xf32, #tpu.memory_space<vmem>>, vector<1x16xf32>,
      %get3A_121 = vector.shape_cast %get3A_120 : vector<1x16xf32> to vector<16xf32>
      %add3A_122 = arith.addf %get3A_117, %get3A_121 : vector<16xf32>
      %swap3A_123 = arith.index_cast %scan3A_86 : i32 to index
      %swap3A_124 = arith.constant 32 : index
      %swap3A_125 = tpu.vector_load %arg13[%swap3A_123, %swap3A_124] {strides = array<i32>} : memref<80x128xf32, #tpu.memory_space<vmem>>, vector<1x16xf32>,
      %swap3A_126 = vector.shape_cast %swap3A_125 : vector<1x16xf32> to vector<16xf32>
      %swap3A_127 = vector.shape_cast %add3A_122 : vector<16xf32> to vector<1x16xf32>
      tpu.vector_store %arg13[%swap3A_123, %swap3A_124], %swap3A_127 {strides = array<i32>} : memref<80x128xf32, #tpu.memory_space<vmem>>, vector<1x16xf32>,
      %get3A_128 = arith.index_cast %scan3A_86 : i32 to index
      %get3A_129 = arith.constant 48 : index
      %get3A_130 = tpu.vector_load %arg9[%get3A_128, %get3A_129] {strides = array<i32>} : memref<80x128xf32, #tpu.memory_space<vmem>>, vector<1x16xf32>,
      %get3A_131 = vector.shape_cast %get3A_130 : vector<1x16xf32> to vector<16xf32>
      %get3A_132 = arith.index_cast %scan3A_86 : i32 to index
      %get3A_133 = arith.constant 48 : index
      %get3A_134 = tpu.vector_load %arg11[%get3A_132, %get3A_133] {strides = array<i32>} : memref<80x128xf32, #tpu.memory_space<vmem>>, vector<1x16xf32>,
      %get3A_135 = vector.shape_cast %get3A_134 : vector<1x16xf32> to vector<16xf32>
      %add3A_136 = arith.addf %get3A_131, %get3A_135 : vector<16xf32>
      %swap3A_137 = arith.index_cast %scan3A_86 : i32 to index
      %swap3A_138 = arith.constant 48 : index
      %swap3A_139 = tpu.vector_load %arg13[%swap3A_137, %swap3A_138] {strides = array<i32>} : memref<80x128xf32, #tpu.memory_space<vmem>>, vector<1x16xf32>,
      %swap3A_140 = vector.shape_cast %swap3A_139 : vector<1x16xf32> to vector<16xf32>
      %swap3A_141 = vector.shape_cast %add3A_136 : vector<16xf32> to vector<1x16xf32>
      tpu.vector_store %arg13[%swap3A_137, %swap3A_138], %swap3A_141 {strides = array<i32>} : memref<80x128xf32, #tpu.memory_space<vmem>>, vector<1x16xf32>,
      %get3A_142 = arith.index_cast %scan3A_86 : i32 to index
      %get3A_143 = arith.constant 64 : index
      %get3A_144 = tpu.vector_load %arg9[%get3A_142, %get3A_143] {strides = array<i32>} : memref<80x128xf32, #tpu.memory_space<vmem>>, vector<1x16xf32>,
      %get3A_145 = vector.shape_cast %get3A_144 : vector<1x16xf32> to vector<16xf32>
      %get3A_146 = arith.index_cast %scan3A_86 : i32 to index
      %get3A_147 = arith.constant 64 : index
      %get3A_148 = tpu.vector_load %arg11[%get3A_146, %get3A_147] {strides = array<i32>} : memref<80x128xf32, #tpu.memory_space<vmem>>, vector<1x16xf32>,
      %get3A_149 = vector.shape_cast %get3A_148 : vector<1x16xf32> to vector<16xf32>
      %add3A_150 = arith.addf %get3A_145, %get3A_149 : vector<16xf32>
      %swap3A_151 = arith.index_cast %scan3A_86 : i32 to index
      %swap3A_152 = arith.constant 64 : index
      %swap3A_153 = tpu.vector_load %arg13[%swap3A_151, %swap3A_152] {strides = array<i32>} : memref<80x128xf32, #tpu.memory_space<vmem>>, vector<1x16xf32>,
      %swap3A_154 = vector.shape_cast %swap3A_153 : vector<1x16xf32> to vector<16xf32>
      %swap3A_155 = vector.shape_cast %add3A_150 : vector<16xf32> to vector<1x16xf32>
      tpu.vector_store %arg13[%swap3A_151, %swap3A_152], %swap3A_155 {strides = array<i32>} : memref<80x128xf32, #tpu.memory_space<vmem>>, vector<1x16xf32>,
      %get3A_156 = arith.index_cast %scan3A_86 : i32 to index
      %get3A_157 = arith.constant 80 : index
      %get3A_158 = tpu.vector_load %arg9[%get3A_156, %get3A_157] {strides = array<i32>} : memref<80x128xf32, #tpu.memory_space<vmem>>, vector<1x16xf32>,
      %get3A_159 = vector.shape_cast %get3A_158 : vector<1x16xf32> to vector<16xf32>
      %get3A_160 = arith.index_cast %scan3A_86 : i32 to index
      %get3A_161 = arith.constant 80 : index
      %get3A_162 = tpu.vector_load %arg11[%get3A_160, %get3A_161] {strides = array<i32>} : memref<80x128xf32, #tpu.memory_space<vmem>>, vector<1x16xf32>,
      %get3A_163 = vector.shape_cast %get3A_162 : vector<1x16xf32> to vector<16xf32>
      %add3A_164 = arith.addf %get3A_159, %get3A_163 : vector<16xf32>
      %swap3A_165 = arith.index_cast %scan3A_86 : i32 to index
      %swap3A_166 = arith.constant 80 : index
      %swap3A_167 = tpu.vector_load %arg13[%swap3A_165, %swap3A_166] {strides = array<i32>} : memref<80x128xf32, #tpu.memory_space<vmem>>, vector<1x16xf32>,
      %swap3A_168 = vector.shape_cast %swap3A_167 : vector<1x16xf32> to vector<16xf32>
      %swap3A_169 = vector.shape_cast %add3A_164 : vector<16xf32> to vector<1x16xf32>
      tpu.vector_store %arg13[%swap3A_165, %swap3A_166], %swap3A_169 {strides = array<i32>} : memref<80x128xf32, #tpu.memory_space<vmem>>, vector<1x16xf32>,
      %get3A_170 = arith.index_cast %scan3A_86 : i32 to index
      %get3A_171 = arith.constant 96 : index
      %get3A_172 = tpu.vector_load %arg9[%get3A_170, %get3A_171] {strides = array<i32>} : memref<80x128xf32, #tpu.memory_space<vmem>>, vector<1x16xf32>,
      %get3A_173 = vector.shape_cast %get3A_172 : vector<1x16xf32> to vector<16xf32>
      %get3A_174 = arith.index_cast %scan3A_86 : i32 to index
      %get3A_175 = arith.constant 96 : index
      %get3A_176 = tpu.vector_load %arg11[%get3A_174, %get3A_175] {strides = array<i32>} : memref<80x128xf32, #tpu.memory_space<vmem>>, vector<1x16xf32>,
      %get3A_177 = vector.shape_cast %get3A_176 : vector<1x16xf32> to vector<16xf32>
      %add3A_178 = arith.addf %get3A_173, %get3A_177 : vector<16xf32>
      %swap3A_179 = arith.index_cast %scan3A_86 : i32 to index
      %swap3A_180 = arith.constant 96 : index
      %swap3A_181 = tpu.vector_load %arg13[%swap3A_179, %swap3A_180] {strides = array<i32>} : memref<80x128xf32, #tpu.memory_space<vmem>>, vector<1x16xf32>,
      %swap3A_182 = vector.shape_cast %swap3A_181 : vector<1x16xf32> to vector<16xf32>
      %swap3A_183 = vector.shape_cast %add3A_178 : vector<16xf32> to vector<1x16xf32>
      tpu.vector_store %arg13[%swap3A_179, %swap3A_180], %swap3A_183 {strides = array<i32>} : memref<80x128xf32, #tpu.memory_space<vmem>>, vector<1x16xf32>,
      %get3A_184 = arith.index_cast %scan3A_86 : i32 to index
      %get3A_185 = arith.constant 112 : index
      %get3A_186 = tpu.vector_load %arg9[%get3A_184, %get3A_185] {strides = array<i32>} : memref<80x128xf32, #tpu.memory_space<vmem>>, vector<1x16xf32>,
      %get3A_187 = vector.shape_cast %get3A_186 : vector<1x16xf32> to vector<16xf32>
      %get3A_188 = arith.index_cast %scan3A_86 : i32 to index
      %get3A_189 = arith.constant 112 : index
      %get3A_190 = tpu.vector_load %arg11[%get3A_188, %get3A_189] {strides = array<i32>} : memref<80x128xf32, #tpu.memory_space<vmem>>, vector<1x16xf32>,
      %get3A_191 = vector.shape_cast %get3A_190 : vector<1x16xf32> to vector<16xf32>
      %add3A_192 = arith.addf %get3A_187, %get3A_191 : vector<16xf32>
      %swap3A_193 = arith.index_cast %scan3A_86 : i32 to index
      %swap3A_194 = arith.constant 112 : index
      %swap3A_195 = tpu.vector_load %arg13[%swap3A_193, %swap3A_194] {strides = array<i32>} : memref<80x128xf32, #tpu.memory_space<vmem>>, vector<1x16xf32>,
      %swap3A_196 = vector.shape_cast %swap3A_195 : vector<1x16xf32> to vector<16xf32>
      %swap3A_197 = vector.shape_cast %add3A_192 : vector<16xf32> to vector<1x16xf32>
      tpu.vector_store %arg13[%swap3A_193, %swap3A_194], %swap3A_197 {strides = array<i32>} : memref<80x128xf32, #tpu.memory_space<vmem>>, vector<1x16xf32>,
      %scan3A_198 = arith.constant 0 : i32
      scf.yield %scan3A_198 : i32
    }
    %scan3A_61 = arith.constant 80 : i32
    %mul3A_62 = arith.constant 10000 : i32
    %mul3A_63 = arith.muli %add3A, %mul3A_62 : i32
    %add3A_64 = arith.constant 9920 : i32
    %add3A_65 = arith.addi %mul3A_63, %add3A_64 : i32
    %dma_start3A_66 = arith.constant 0 : i32
    %dma_start3A_67 = tpu.memref_slice %arg6[%add3A_65, %dma_start3A_66] : memref<320000x128xf32, #tpu.memory_space<hbm>> -> memref<80x128xf32, #tpu.memory_space<hbm>>
    %dma_start3A_68 = arith.constant 0 : i32
    %dma_start3A_69 = tpu.memref_slice %arg6[%add3A_65, %dma_start3A_68] : memref<320000x128xf32, #tpu.memory_space<hbm>> -> memref<80x128xf32, #tpu.memory_space<hbm>>
    tpu.enqueue_dma source(%arg13 : memref<80x128xf32, #tpu.memory_space<vmem>>) target(%dma_start3A_69 : memref<80x128xf32, #tpu.memory_space<hbm>>) target_semaphore(%arg17 : memref<!tpu.dma_semaphore, #tpu.memory_space<semaphore_mem>>)
    %mul3A_70 = arith.constant 10000 : i32
    %mul3A_71 = arith.muli %add3A, %mul3A_70 : i32
    %add3A_72 = arith.constant 9920 : i32
    %add3A_73 = arith.addi %mul3A_71, %add3A_72 : i32
    %dma_wait3A_74 = arith.constant 0 : i32
    %dma_wait3A_75 = tpu.memref_slice %arg6[%add3A_73, %dma_wait3A_74] : memref<320000x128xf32, #tpu.memory_space<hbm>> -> memref<80x128xf32, #tpu.memory_space<hbm>>
    %dma_wait3A_76 = arith.constant 0 : i32
    %dma_wait3A_77 = tpu.memref_slice %arg6[%add3A_73, %dma_wait3A_76] : memref<320000x128xf32, #tpu.memory_space<hbm>> -> memref<80x128xf32, #tpu.memory_space<hbm>>
    tpu.wait_dma2 semaphore(%arg17 : memref<!tpu.dma_semaphore, #tpu.memory_space<semaphore_mem>>) src(%arg13 : memref<80x128xf32, #tpu.memory_space<vmem>>) dst(%dma_wait3A_77 : memref<80x128xf32, #tpu.memory_space<hbm>>)
    %mul3A_78 = arith.constant 10000 : i32
    %mul3A_79 = arith.muli %add3A, %mul3A_78 : i32
    %add3A_80 = arith.constant 9840 : i32
    %add3A_81 = arith.addi %mul3A_79, %add3A_80 : i32
    %dma_wait3A_82 = arith.constant 0 : i32
    %dma_wait3A_83 = tpu.memref_slice %arg6[%add3A_81, %dma_wait3A_82] : memref<320000x128xf32, #tpu.memory_space<hbm>> -> memref<80x128xf32, #tpu.memory_space<hbm>>
    %dma_wait3A_84 = arith.constant 0 : i32
    %dma_wait3A_85 = tpu.memref_slice %arg6[%add3A_81, %dma_wait3A_84] : memref<320000x128xf32, #tpu.memory_space<hbm>> -> memref<80x128xf32, #tpu.memory_space<hbm>>
    tpu.wait_dma2 semaphore(%arg18 : memref<!tpu.dma_semaphore, #tpu.memory_space<semaphore_mem>>) src(%arg14 : memref<80x128xf32, #tpu.memory_space<vmem>>) dst(%dma_wait3A_85 : memref<80x128xf32, #tpu.memory_space<hbm>>)
    return
  }
}

module attributes {stable_mosaic.version = 14 : i64} {
  func.func @_proj_body(%arg0: i32, %arg1: memref<1000x128xf32, #tpu.memory_space<vmem>>, %arg2: memref<128x128xf32, #tpu.memory_space<vmem>>, %arg3: memref<128x128xf32, #tpu.memory_space<vmem>>, %arg4: memref<1000x128xf32, #tpu.memory_space<vmem>>, %arg5: memref<1000x128xf32, #tpu.memory_space<vmem>>) attributes {dimension_semantics = [#tpu.dimension_semantics<arbitrary>], iteration_bounds = array<i64: 10>, scalar_prefetch = 0 : i64, scratch_operands = 0 : i64, tpu.core_type = #tpu.core_type<tc>, window_params = [{transform_indices = @transform_0, window_bounds = array<i64: 1000, 128>}, {pipeline_mode = #tpu.pipeline_mode<synchronous>, transform_indices = @transform_1, window_bounds = array<i64: 128, 128>}, {pipeline_mode = #tpu.pipeline_mode<synchronous>, transform_indices = @transform_2, window_bounds = array<i64: 128, 128>}, {transform_indices = @transform_3, window_bounds = array<i64: 1000, 128>}, {transform_indices = @transform_4, window_bounds = array<i64: 1000, 128>}]} {
    %get3A = arith.constant 0 : index
    %get3A_0 = arith.constant 0 : index
    %get3A_1 = vector.load %arg1[%get3A, %get3A_0] : memref<1000x128xf32, #tpu.memory_space<vmem>>, vector<1000x128xf32>
    %get3A_2 = arith.constant 0 : index
    %get3A_3 = arith.constant 0 : index
    %get3A_4 = vector.load %arg2[%get3A_2, %get3A_3] : memref<128x128xf32, #tpu.memory_space<vmem>>, vector<128x128xf32>
    %dot_general3A = arith.constant dense<0.000000e+00> : vector<1000x128xf32>
    %dot_general3A_5 = tpu.matmul %get3A_1, %get3A_4, %dot_general3A {dimension_numbers = #tpu.dot_dimension_numbers<[1], [0], [0], [1], [0, 0, 1, 1], [], []>, transpose_lhs_hint = false} : vector<1000x128xf32>, vector<128x128xf32>, vector<1000x128xf32> -> vector<1000x128xf32>
    %swap3A = arith.constant 0 : index
    %swap3A_6 = arith.constant 0 : index
    %swap3A_7 = vector.load %arg4[%swap3A, %swap3A_6] : memref<1000x128xf32, #tpu.memory_space<vmem>>, vector<1000x128xf32>
    tpu.vector_store %arg4[%swap3A, %swap3A_6], %dot_general3A_5 {strides = array<i32>} : memref<1000x128xf32, #tpu.memory_space<vmem>>, vector<1000x128xf32>,
    %get3A_8 = arith.constant 0 : index
    %get3A_9 = arith.constant 0 : index
    %get3A_10 = vector.load %arg3[%get3A_8, %get3A_9] : memref<128x128xf32, #tpu.memory_space<vmem>>, vector<128x128xf32>
    %dot_general3A_11 = arith.constant dense<0.000000e+00> : vector<1000x128xf32>
    %dot_general3A_12 = tpu.matmul %get3A_1, %get3A_10, %dot_general3A_11 {dimension_numbers = #tpu.dot_dimension_numbers<[1], [0], [0], [1], [0, 0, 1, 1], [], []>, transpose_lhs_hint = false} : vector<1000x128xf32>, vector<128x128xf32>, vector<1000x128xf32> -> vector<1000x128xf32>
    %swap3A_13 = arith.constant 0 : index
    %swap3A_14 = arith.constant 0 : index
    %swap3A_15 = vector.load %arg5[%swap3A_13, %swap3A_14] : memref<1000x128xf32, #tpu.memory_space<vmem>>, vector<1000x128xf32>
    tpu.vector_store %arg5[%swap3A_13, %swap3A_14], %dot_general3A_12 {strides = array<i32>} : memref<1000x128xf32, #tpu.memory_space<vmem>>, vector<1000x128xf32>,
    return
  }
  func.func @transform_0(%arg0: i32) -> (i32, i32) {
    %c0_i32 = arith.constant 0 : i32
    %c0_i32_0 = arith.constant 0 : i32
    return %arg0, %c0_i32 : i32, i32
  }
  func.func @transform_1(%arg0: i32) -> (i32, i32) {
    %c0_i32 = arith.constant 0 : i32
    %c0_i32_0 = arith.constant 0 : i32
    %c0_i32_1 = arith.constant 0 : i32
    return %c0_i32, %c0_i32_0 : i32, i32
  }
  func.func @transform_2(%arg0: i32) -> (i32, i32) {
    %c0_i32 = arith.constant 0 : i32
    %c0_i32_0 = arith.constant 0 : i32
    %c0_i32_1 = arith.constant 0 : i32
    return %c0_i32, %c0_i32_0 : i32, i32
  }
  func.func @transform_3(%arg0: i32) -> (i32, i32) {
    %c0_i32 = arith.constant 0 : i32
    %c0_i32_0 = arith.constant 0 : i32
    return %arg0, %c0_i32 : i32, i32
  }
  func.func @transform_4(%arg0: i32) -> (i32, i32) {
    %c0_i32 = arith.constant 0 : i32
    %c0_i32_0 = arith.constant 0 : i32
    return %arg0, %c0_i32 : i32, i32
  }
}

module attributes {stable_mosaic.version = 14 : i64} {
  func.func @_edge_body(%arg0: i32, %arg1: memref<2000x128xf32, #tpu.memory_space<vmem>>, %arg2: memref<2000x16xf32, #tpu.memory_space<vmem>>, %arg3: memref<16x128xf32, #tpu.memory_space<vmem>>, %arg4: memref<1x128xf32, #tpu.memory_space<vmem>>, %arg5: memref<128x16xf32, #tpu.memory_space<vmem>>, %arg6: memref<1x16xf32, #tpu.memory_space<vmem>>, %arg7: memref<2000x16xf32, #tpu.memory_space<vmem>>) attributes {dimension_semantics = [#tpu.dimension_semantics<arbitrary>], iteration_bounds = array<i64: 160>, scalar_prefetch = 0 : i64, scratch_operands = 0 : i64, tpu.core_type = #tpu.core_type<tc>, window_params = [{transform_indices = @transform_0, window_bounds = array<i64: 2000, 128>}, {transform_indices = @transform_1, window_bounds = array<i64: 2000, 16>}, {pipeline_mode = #tpu.pipeline_mode<synchronous>, transform_indices = @transform_2, window_bounds = array<i64: 16, 128>}, {pipeline_mode = #tpu.pipeline_mode<synchronous>, transform_indices = @transform_3, window_bounds = array<i64: 1, 128>}, {pipeline_mode = #tpu.pipeline_mode<synchronous>, transform_indices = @transform_4, window_bounds = array<i64: 128, 16>}, {pipeline_mode = #tpu.pipeline_mode<synchronous>, transform_indices = @transform_5, window_bounds = array<i64: 1, 16>}, {transform_indices = @transform_6, window_bounds = array<i64: 2000, 16>}]} {
    %get3A = arith.constant 0 : index
    %get3A_0 = arith.constant 0 : index
    %get3A_1 = vector.load %arg1[%get3A, %get3A_0] : memref<2000x128xf32, #tpu.memory_space<vmem>>, vector<2000x128xf32>
    %get3A_2 = arith.constant 0 : index
    %get3A_3 = arith.constant 0 : index
    %get3A_4 = vector.load %arg2[%get3A_2, %get3A_3] : memref<2000x16xf32, #tpu.memory_space<vmem>>, vector<2000x16xf32>
    %get3A_5 = arith.constant 0 : index
    %get3A_6 = arith.constant 0 : index
    %get3A_7 = vector.load %arg3[%get3A_5, %get3A_6] : memref<16x128xf32, #tpu.memory_space<vmem>>, vector<16x128xf32>
    %dot_general3A = arith.constant dense<0.000000e+00> : vector<2000x128xf32>
    %dot_general3A_8 = tpu.matmul %get3A_4, %get3A_7, %dot_general3A {dimension_numbers = #tpu.dot_dimension_numbers<[1], [0], [0], [1], [0, 0, 1, 1], [], []>, transpose_lhs_hint = false} : vector<2000x16xf32>, vector<16x128xf32>, vector<2000x128xf32> -> vector<2000x128xf32>
    %add3A = arith.addf %get3A_1, %dot_general3A_8 : vector<2000x128xf32>
    %get3A_9 = arith.constant 0 : index
    %get3A_10 = arith.constant 0 : index
    %get3A_11 = vector.load %arg4[%get3A_9, %get3A_10] : memref<1x128xf32, #tpu.memory_space<vmem>>, vector<1x128xf32>
    %add3A_12 = vector.broadcast %get3A_11 : vector<1x128xf32> to vector<2000x128xf32>
    %add3A_13 = arith.addf %add3A, %add3A_12 : vector<2000x128xf32>
    %max3A = arith.constant 0.000000e+00 : f32
    %max3A_14 = vector.broadcast %max3A : f32 to vector<2000x128xf32>
    %max3A_15 = arith.maximumf %add3A_13, %max3A_14 : vector<2000x128xf32>
    %get3A_16 = arith.constant 0 : index
    %get3A_17 = arith.constant 0 : index
    %get3A_18 = vector.load %arg5[%get3A_16, %get3A_17] : memref<128x16xf32, #tpu.memory_space<vmem>>, vector<128x16xf32>
    %dot_general3A_19 = arith.constant dense<0.000000e+00> : vector<2000x16xf32>
    %dot_general3A_20 = tpu.matmul %max3A_15, %get3A_18, %dot_general3A_19 {dimension_numbers = #tpu.dot_dimension_numbers<[1], [0], [0], [1], [0, 0, 1, 1], [], []>, transpose_lhs_hint = false} : vector<2000x128xf32>, vector<128x16xf32>, vector<2000x16xf32> -> vector<2000x16xf32>
    %get3A_21 = arith.constant 0 : index
    %get3A_22 = arith.constant 0 : index
    %get3A_23 = vector.load %arg6[%get3A_21, %get3A_22] : memref<1x16xf32, #tpu.memory_space<vmem>>, vector<1x16xf32>
    %add3A_24 = vector.broadcast %get3A_23 : vector<1x16xf32> to vector<2000x16xf32>
    %add3A_25 = arith.addf %dot_general3A_20, %add3A_24 : vector<2000x16xf32>
    %swap3A = arith.constant 0 : index
    %swap3A_26 = arith.constant 0 : index
    %swap3A_27 = vector.load %arg7[%swap3A, %swap3A_26] : memref<2000x16xf32, #tpu.memory_space<vmem>>, vector<2000x16xf32>
    tpu.vector_store %arg7[%swap3A, %swap3A_26], %add3A_25 {strides = array<i32>} : memref<2000x16xf32, #tpu.memory_space<vmem>>, vector<2000x16xf32>,
    return
  }
  func.func @transform_0(%arg0: i32) -> (i32, i32) {
    %c0_i32 = arith.constant 0 : i32
    %c0_i32_0 = arith.constant 0 : i32
    return %arg0, %c0_i32 : i32, i32
  }
  func.func @transform_1(%arg0: i32) -> (i32, i32) {
    %c0_i32 = arith.constant 0 : i32
    %c0_i32_0 = arith.constant 0 : i32
    return %arg0, %c0_i32 : i32, i32
  }
  func.func @transform_2(%arg0: i32) -> (i32, i32) {
    %c0_i32 = arith.constant 0 : i32
    %c0_i32_0 = arith.constant 0 : i32
    %c0_i32_1 = arith.constant 0 : i32
    return %c0_i32, %c0_i32_0 : i32, i32
  }
  func.func @transform_3(%arg0: i32) -> (i32, i32) {
    %c0_i32 = arith.constant 0 : i32
    %c0_i32_0 = arith.constant 0 : i32
    %c0_i32_1 = arith.constant 0 : i32
    return %c0_i32, %c0_i32_0 : i32, i32
  }
  func.func @transform_4(%arg0: i32) -> (i32, i32) {
    %c0_i32 = arith.constant 0 : i32
    %c0_i32_0 = arith.constant 0 : i32
    %c0_i32_1 = arith.constant 0 : i32
    return %c0_i32, %c0_i32_0 : i32, i32
  }
  func.func @transform_5(%arg0: i32) -> (i32, i32) {
    %c0_i32 = arith.constant 0 : i32
    %c0_i32_0 = arith.constant 0 : i32
    %c0_i32_1 = arith.constant 0 : i32
    return %c0_i32, %c0_i32_0 : i32, i32
  }
  func.func @transform_6(%arg0: i32) -> (i32, i32) {
    %c0_i32 = arith.constant 0 : i32
    %c0_i32_0 = arith.constant 0 : i32
    return %arg0, %c0_i32 : i32, i32
  }
}

module attributes {stable_mosaic.version = 14 : i64} {
  func.func @_node_body(%arg0: i32, %arg1: memref<1000x128xf32, #tpu.memory_space<vmem>>, %arg2: memref<1000x16xf32, #tpu.memory_space<vmem>>, %arg3: memref<1000x16xf32, #tpu.memory_space<vmem>>, %arg4: memref<128x128xf32, #tpu.memory_space<vmem>>, %arg5: memref<16x128xf32, #tpu.memory_space<vmem>>, %arg6: memref<1x128xf32, #tpu.memory_space<vmem>>, %arg7: memref<1000x128xf32, #tpu.memory_space<vmem>>) attributes {dimension_semantics = [#tpu.dimension_semantics<arbitrary>], iteration_bounds = array<i64: 10>, scalar_prefetch = 0 : i64, scratch_operands = 0 : i64, tpu.core_type = #tpu.core_type<tc>, window_params = [{transform_indices = @transform_0, window_bounds = array<i64: 1000, 128>}, {transform_indices = @transform_1, window_bounds = array<i64: 1000, 16>}, {transform_indices = @transform_2, window_bounds = array<i64: 1000, 16>}, {pipeline_mode = #tpu.pipeline_mode<synchronous>, transform_indices = @transform_3, window_bounds = array<i64: 128, 128>}, {pipeline_mode = #tpu.pipeline_mode<synchronous>, transform_indices = @transform_4, window_bounds = array<i64: 16, 128>}, {pipeline_mode = #tpu.pipeline_mode<synchronous>, transform_indices = @transform_5, window_bounds = array<i64: 1, 128>}, {transform_indices = @transform_6, window_bounds = array<i64: 1000, 128>}]} {
    %get3A = arith.constant 0 : index
    %get3A_0 = arith.constant 0 : index
    %get3A_1 = vector.load %arg2[%get3A, %get3A_0] : memref<1000x16xf32, #tpu.memory_space<vmem>>, vector<1000x16xf32>
    %get3A_2 = arith.constant 0 : index
    %get3A_3 = arith.constant 0 : index
    %get3A_4 = vector.load %arg3[%get3A_2, %get3A_3] : memref<1000x16xf32, #tpu.memory_space<vmem>>, vector<1000x16xf32>
    %add3A = arith.addf %get3A_1, %get3A_4 : vector<1000x16xf32>
    %get3A_5 = arith.constant 0 : index
    %get3A_6 = arith.constant 0 : index
    %get3A_7 = vector.load %arg1[%get3A_5, %get3A_6] : memref<1000x128xf32, #tpu.memory_space<vmem>>, vector<1000x128xf32>
    %get3A_8 = arith.constant 0 : index
    %get3A_9 = arith.constant 0 : index
    %get3A_10 = vector.load %arg4[%get3A_8, %get3A_9] : memref<128x128xf32, #tpu.memory_space<vmem>>, vector<128x128xf32>
    %dot_general3A = arith.constant dense<0.000000e+00> : vector<1000x128xf32>
    %dot_general3A_11 = tpu.matmul %get3A_7, %get3A_10, %dot_general3A {dimension_numbers = #tpu.dot_dimension_numbers<[1], [0], [0], [1], [0, 0, 1, 1], [], []>, transpose_lhs_hint = false} : vector<1000x128xf32>, vector<128x128xf32>, vector<1000x128xf32> -> vector<1000x128xf32>
    %get3A_12 = arith.constant 0 : index
    %get3A_13 = arith.constant 0 : index
    %get3A_14 = vector.load %arg5[%get3A_12, %get3A_13] : memref<16x128xf32, #tpu.memory_space<vmem>>, vector<16x128xf32>
    %dot_general3A_15 = arith.constant dense<0.000000e+00> : vector<1000x128xf32>
    %dot_general3A_16 = tpu.matmul %add3A, %get3A_14, %dot_general3A_15 {dimension_numbers = #tpu.dot_dimension_numbers<[1], [0], [0], [1], [0, 0, 1, 1], [], []>, transpose_lhs_hint = false} : vector<1000x16xf32>, vector<16x128xf32>, vector<1000x128xf32> -> vector<1000x128xf32>
    %add3A_17 = arith.addf %dot_general3A_11, %dot_general3A_16 : vector<1000x128xf32>
    %get3A_18 = arith.constant 0 : index
    %get3A_19 = arith.constant 0 : index
    %get3A_20 = vector.load %arg6[%get3A_18, %get3A_19] : memref<1x128xf32, #tpu.memory_space<vmem>>, vector<1x128xf32>
    %add3A_21 = vector.broadcast %get3A_20 : vector<1x128xf32> to vector<1000x128xf32>
    %add3A_22 = arith.addf %add3A_17, %add3A_21 : vector<1000x128xf32>
    %max3A = arith.constant 0.000000e+00 : f32
    %max3A_23 = vector.broadcast %max3A : f32 to vector<1000x128xf32>
    %max3A_24 = arith.maximumf %add3A_22, %max3A_23 : vector<1000x128xf32>
    %swap3A = arith.constant 0 : index
    %swap3A_25 = arith.constant 0 : index
    %swap3A_26 = vector.load %arg7[%swap3A, %swap3A_25] : memref<1000x128xf32, #tpu.memory_space<vmem>>, vector<1000x128xf32>
    tpu.vector_store %arg7[%swap3A, %swap3A_25], %max3A_24 {strides = array<i32>} : memref<1000x128xf32, #tpu.memory_space<vmem>>, vector<1000x128xf32>,
    return
  }
  func.func @transform_0(%arg0: i32) -> (i32, i32) {
    %c0_i32 = arith.constant 0 : i32
    %c0_i32_0 = arith.constant 0 : i32
    return %arg0, %c0_i32 : i32, i32
  }
  func.func @transform_1(%arg0: i32) -> (i32, i32) {
    %c0_i32 = arith.constant 0 : i32
    %c0_i32_0 = arith.constant 0 : i32
    return %arg0, %c0_i32 : i32, i32
  }
  func.func @transform_2(%arg0: i32) -> (i32, i32) {
    %c0_i32 = arith.constant 0 : i32
    %c0_i32_0 = arith.constant 0 : i32
    return %arg0, %c0_i32 : i32, i32
  }
  func.func @transform_3(%arg0: i32) -> (i32, i32) {
    %c0_i32 = arith.constant 0 : i32
    %c0_i32_0 = arith.constant 0 : i32
    %c0_i32_1 = arith.constant 0 : i32
    return %c0_i32, %c0_i32_0 : i32, i32
  }
  func.func @transform_4(%arg0: i32) -> (i32, i32) {
    %c0_i32 = arith.constant 0 : i32
    %c0_i32_0 = arith.constant 0 : i32
    %c0_i32_1 = arith.constant 0 : i32
    return %c0_i32, %c0_i32_0 : i32, i32
  }
  func.func @transform_5(%arg0: i32) -> (i32, i32) {
    %c0_i32 = arith.constant 0 : i32
    %c0_i32_0 = arith.constant 0 : i32
    %c0_i32_1 = arith.constant 0 : i32
    return %c0_i32, %c0_i32_0 : i32, i32
  }
  func.func @transform_6(%arg0: i32) -> (i32, i32) {
    %c0_i32 = arith.constant 0 : i32
    %c0_i32_0 = arith.constant 0 : i32
    return %arg0, %c0_i32 : i32, i32
  }
}

</mosaic_0001>

<sc_bundles>
// kernel: kernel.10.cloned.1.call-start
scs
__scs_entry_jumppad:
0x0: {  	(pc) =	sbr.rel $0x88, $3  }
0x1: {  	(tag) =	ssettag $0x0;
	lr =	simm.s32 $0x1  }
0x2: {  	[smem:$0x3F98] =	sst lr;
	_ =	strace $0xD0000000  }
0x3: {  	_ = 	snop  }
0x4: {  	_ = 	snop  }
0x5: {  	_ = 	snop  }
0x6: {  	_ = 	snop  }
0x7: {  	_ = 	snop  }
__scs_overlays_trampoline_lowered:
0x8: {  	[smem:$0x3FA7] =	sst s0  }
0x9: {  	[smem:$0x3FA8] =	sst s1  }
0xa: {  	[smem:$0x3FA9] =	sst s2  }
0xb: {  	[smem:$0x3FAA] =	sst s3  }
0xc: {  	[smem:$0x3FAB] =	sst s4  }
0xd: {  	[smem:$0x3FAC] =	sst s5  }
0xe: {  	[smem:$0x3FAD] =	sst s6  }
0xf: {  	[smem:$0x3FAE] =	sst s7  }
0x10: {  	[smem:$0x3FAF] =	sst s8  }
0x11: {  	[smem:$0x3FB0] =	sst s9;
	s0 =	simm.s32 @!p0 $0x0  }
0x12: {  	s1 =	sld [smem:$0x3F96];
	s0 =	simm.s32 @p0 $0x1  }
0x13: {  	[smem:$0x3FB1] =	sst s0;
	s0 =	simm.s32 @!p1 $0x0  }
0x14: {  	s2 =	sld [smem:$0x3F95];
	s0 =	simm.s32 @p1 $0x1  }
0x15: {  	[smem:$0x3FB2] =	sst s0;
	s0 =	simm.s32 @!p2 $0x0  }
0x16: {  	s3 =	sld [smem:$0x3FDB];
	s0 =	simm.s32 @p2 $0x1  }
0x17: {  	s4 =	simm.s32 $0x1BF5;
	[smem:$0x3FB4] =	sst s0  }
0x18: {  	s0 =	sld [smem:$0x3F97];
	_ =	swait.ge [sflag:s4], $0x0  }
0x19: {  	s7 =	sld [smem:$0x3F98]  }
0x1a: {  	s8 =	sadd.s32 $0xFFFFE003, lr  }
0x1b: {  	s9 =	sadd.s32 $0xFFFFFEF7, lr;
	s5 =	simm.s32 $0xFFFFFFFF;
	p2 =	slt.u32 s8, $0xFFFFF086  }
0x1c: {  	p1 =	slt.u32 s9, $0xF7A;
	s5 =	simm.s32 @!p2 $0x0  }
0x1d: {  	s5 =	simm.s32 @p1 $0x1;
	p0 =	seq.s32 s7, s2  }
0x1e: {  	s7 =	smul.u32 @!p0 $0xF7A, s2;
	p2 =	seq.s32 @!p0 s5, $0x0  }
0x1f: {  	s9 =	smul.u32 $0xF7A, s1;
	s8 =	simm.s32 @!p0 $0x1BF5;
	p2 =	por !p2, p0  }
0x20: {  	[sflag:s8] =	ssyncset.s32 @!p0 $0xFFFFF086;
	s6 =	sadd.s32 @!p0 s3, s7;
	s7 =	simm.s32 @!p0 $0x108  }
0x21: {  	s3 =	sadd.s32 s3, s9;
	s6 =	sadd.s32 @!p0 $0x88, s6;
	s7 =	simm.s32 @p2 $0x1082  }
0x22: {  	[simem:s7], [sflag:s8] =	dma.local @!p0 [hbm:s6], $0xF7A  }
0x23: {  	s9 =	sor.u32 $0xD0000000, s2;
	s6 =	simm.s32 $0x108;
	_ =	swait.ge @!p0 [sflag:s8], $0x0  }
0x24: {  	s3 =	sadd.s32 $0x88, s3;
	s6 =	simm.s32 @!p1 $0x1082;
	[sflag:s4] =	ssyncset.s32 $0xFFFFF086  }
0x25: {  	[simem:s6], [sflag:s4] =	dma.local [hbm:s3], $0xF7A  }
0x26: {  	[smem:$0x3F98] =	sst s1;
	(tag) =	ssettag s2;
	_ =	strace s9  }
0x27: {  	s1 =	sld [smem:$0x3FA8]  }
0x28: {  	s2 =	sld [smem:$0x3FA9]  }
0x29: {  	s4 =	sld [smem:$0x3FAB]  }
0x2a: {  	p0 =	seq.s32 s5, $0x0;
	s5 =	sld [smem:$0x3FAC]  }
0x2b: {  	s6 =	sld [smem:$0x3FAD]  }
0x2c: {  	s7 =	sld [smem:$0x3FAE]  }
0x2d: {  	s3 =	simm.s32 $0x108;
	s8 =	sld [smem:$0x3FAF]  }
0x2e: {  	s3 =	simm.s32 @!p0 $0x1082;
	s9 =	sld [smem:$0x3FB0]  }
0x2f: {  	lr =	sadd.s32 s0, s3;
	s0 =	sld [smem:$0x3FA7]  }
0x30: {  	s3 =	sld [smem:$0x3FAA]  }
0x31: {  	[smem:$0x3FB3] =	sst s10  }
0x32: {  	s10 =	sld [smem:$0x3FB1];
	_ =	sdelay $0x3  }
0x33: {  	p0 =	seq.s32 s10, $0x1;
	s10 =	sld [smem:$0x3FB3];
	_ =	sdelay $0x3  }
0x34: {  	[smem:$0x3FB3] =	sst s10  }
0x35: {  	s10 =	sld [smem:$0x3FB2];
	_ =	sdelay $0x3  }
0x36: {  	p1 =	seq.s32 s10, $0x1;
	s10 =	sld [smem:$0x3FB3];
	_ =	sdelay $0x3  }
0x37: {  	[smem:$0x3FB3] =	sst s10  }
0x38: {  	s10 =	sld [smem:$0x3FB4]  }
0x39: {  	_ = 	snop;
	(pc) =	sbr.ind lr, $3  }
0x3a: {  	_ = 	snop  }
0x3b: {  	_ = 	snop  }
0x3c: {  	p2 =	seq.s32 s10, $0x1;
	s10 =	sld [smem:$0x3FB3]  }
0x3d: {  	_ =	shalt  }
0x3e: {  	_ =	shalt  }
0x3f: {  	_ =	shalt  }
0x40: {  	_ =	shalt  }
0x41: {  	_ =	shalt  }
0x42: {  	_ =	shalt  }
0x43: {  	_ =	shalt  }
0x44: {  	_ =	shalt  }
0x45: {  	_ =	shalt  }
0x46: {  	_ =	shalt  }
0x47: {  	_ =	shalt  }
0x48: {  	_ =	shalt  }
0x49: {  	_ =	shalt  }
0x4a: {  	_ =	shalt  }
0x4b: {  	_ =	shalt  }
0x4c: {  	_ =	shalt  }
0x4d: {  	_ =	shalt  }
0x4e: {  	_ =	shalt  }
0x4f: {  	_ =	shalt  }
0x50: {  	_ =	shalt  }
0x51: {  	_ =	shalt  }
0x52: {  	_ =	shalt  }
0x53: {  	_ =	shalt  }
0x54: {  	_ =	shalt  }
0x55: {  	_ =	shalt  }
0x56: {  	_ =	shalt  }
0x57: {  	_ =	shalt  }
0x58: {  	_ =	shalt  }
0x59: {  	_ =	shalt  }
0x5a: {  	_ =	shalt  }
0x5b: {  	_ =	shalt  }
0x5c: {  	_ =	shalt  }
0x5d: {  	_ =	shalt  }
0x5e: {  	_ =	shalt  }
0x5f: {  	_ =	shalt  }
0x60: {  	_ =	shalt  }
0x61: {  	_ =	shalt  }
0x62: {  	_ =	shalt  }
0x63: {  	_ =	shalt  }
0x64: {  	_ =	shalt  }
0x65: {  	_ =	shalt  }
0x66: {  	_ =	shalt  }
0x67: {  	_ =	shalt  }
0x68: {  	_ =	shalt  }
0x69: {  	_ =	shalt  }
0x6a: {  	_ =	shalt  }
0x6b: {  	_ =	shalt  }
0x6c: {  	_ =	shalt  }
0x6d: {  	_ =	shalt  }
0x6e: {  	_ =	shalt  }
0x6f: {  	_ =	shalt  }
0x70: {  	_ =	shalt  }
0x71: {  	_ =	shalt  }
0x72: {  	_ =	shalt  }
0x73: {  	_ =	shalt  }
0x74: {  	_ =	shalt  }
0x75: {  	_ =	shalt  }
0x76: {  	_ =	shalt  }
0x77: {  	_ =	shalt  }
0x78: {  	_ =	shalt  }
0x79: {  	_ =	shalt  }
0x7a: {  	_ =	shalt  }
0x7b: {  	_ =	shalt  }
0x7c: {  	_ =	shalt  }
0x7d: {  	_ =	shalt  }
0x7e: {  	_ =	shalt  }
0x7f: {  	_ =	shalt  }
0x80: {  	_ =	shalt  }
0x81: {  	_ =	shalt  }
0x82: {  	_ =	shalt  }
0x83: {  	_ =	shalt  }
0x84: {  	_ =	shalt  }
0x85: {  	_ =	shalt  }
0x86: {  	_ =	shalt  }
0x87: {  	_ =	shalt  }
.Lfunc_end0:
.L_simem_size_0:
called_computation.1_lowered:
.L_overlay_start_0:
0x88: {  	s2 =	sld [smem:$0x3FD9]  }
0x89: {  	s3 =	sld [smem:$0x3FFE];
	_ =	sdelay $0x1  }
0x8a: {  	s1 =	srdreg.scid  }
0x8b: {  	s0 =	sand.u32 $0x1, s1  }
0x8c: {  	s14 =	sshll.u32 s0, $0xA;
	s2 =	sadd.s32 s3, s2  }
0x8d: {  	s2 =	sadd.s32 s2, s14  }
0x8e: {  	[smem:$0x3FBF] =	sst s2  }
0x8f: {  	_ = 	snop  }
0x90: {  	s2 =	sld [smem:$0x3FD0];
	_ =	sdelay $0x2  }
0x91: {  	s15 =	simm.s32 $0xA;
	s4 =	simm.s32 $0x10  }
0x92: {  	[smem:s4], [sflag:s15] =	dma.local [hbm:s2], $0x1  }
0x93: {  	_ =	swait.eq [sflag:s15], $0x1  }
0x94: {  	[sflag:s15] =	ssyncset.done $0x0  }
0x95: {  	[sflag:s15] =	ssyncadd.s32 $0xFFFFFFFF  }
0x96: {  	s16 =	sld [smem:$0x10];
	(tm) =	ssettm $0x1  }
0x97: {  	s17 =	sld [smem:$0x3FFB];
	_ =	sdelay $0x3  }
0x98: {  	_ =	strace s17  }
0x99: {  	s3 =	sld [smem:$0x3FFC];
	_ =	sdelay $0x3  }
0x9a: {  	_ =	strace s3  }
0x9b: {  	s3 =	sld [smem:$0x3FFD];
	_ =	sdelay $0x3  }
0x9c: {  	_ =	strace s3  }
0x9d: {  	_ =	strace $0x8FFFFFFF  }
0x9e: {  	s18 =	sld [smem:$0x3FDB];
	_ =	sdelay $0x1  }
0x9f: {  	s19 =	simm.s32 $_scs_section_size  }
0xa0: {  	s5 =	simm.s32 $_size__tile_overlayer_lowered;
	s6 =	simm.s32 $_tile_overlayer_lowered  }
0xa1: {  	s22 =	simm.s32 $0x1BFF;
	s21 =	sshll.u32 s6, $0x1;
	s3 =	sadd.s32 s19, s18  }
0xa2: {  	s7 =	simm.s32 $0x0;
	s20 =	sshll.u32 s5, $0x1;
	s5 =	sadd.s32 s21, s3  }
0xa3: {  	[timem:s7], [sflag:s22] =	dma.local [hbm:s5], s20  }
0xa4: {  	_ =	swait.ge [sflag:s22], s20  }
0xa5: {  	s4 =	ssub.s32 $0x0, s20;
	[sflag:s22] =	ssyncset.done $0x0  }
0xa6: {  	[sflag:s22] =	ssyncadd.s32 s4;
	_ =	sdelay $0x1  }
0xa7: {  	s23 =	simm.s32 $0x1B8B  }
0xa8: {  	_ =	swait.ge [sflag:s23], $0x1  }
0xa9: {  	[sflag:s23] =	ssyncset.done $0x0  }
0xaa: {  	s25 =	simm.s32 $0x1B8E;
	s24 =	sld [smem:$0x3FFE];
	[sflag:s23] =	ssyncadd.s32 $0xFFFFFFFF  }
0xab: {  	s26 =	simm.s32 $execute0_lowered;
	[smem:$0x3FD2] =	sst s25  }
0xac: {  	s5 =	sshll.u32 s26, $0x1;
	_ =	strace $0x80000049;
	[dreg:$0x1] =	wrdreg $0xFFFFFFFF  }
0xad: {  	s28 =	simm.s32 $_size_execute0_lowered;
	s3 =	sadd.s32 s3, s5;
	[dreg:$0x0] =	wrdreg $0x0  }
0xae: {  	s5 =	sshll.u32 s28, $0x1;
	[dreg:$0x2] =	wrdreg s3  }
0xaf: {  	[dreg:$0x3] =	wrdreg s5  }
0xb0: {  	[dreg:$0x4] =	wrdreg $0xC0  }
0xb1: {  	_ =	task [dreg:s7], $0x5FFFF  }
0xb2: {  	[dreg:$0x1] =	wrdreg $0xFFFFFFFF  }
0xb3: {  	[dreg:$0x0] =	wrdreg $0x60  }
0xb4: {  	[dreg:$0x2] =	wrdreg s24  }
0xb5: {  	[dreg:$0x3] =	wrdreg s16  }
0xb6: {  	[dreg:$0x4] =	wrdreg $0x63100  }
0xb7: {  	[dreg:$0x5] =	wrdreg $0x9  }
0xb8: {  	_ =	task.clear_ibuf [dreg:s7], $0x6FFFF;
	_ =	strace $0x90000049  }
0xb9: {  	s29 =	simm.s32 $0x9;
	_ =	strace $0x8000004B  }
0xba: {  	_ =	swait.ge [sflag:s29], $0x1  }
0xbb: {  	[sflag:s29] =	ssyncadd.s32 $0xFFFFFFFF  }
0xbc: {  	_ =	strace $0x9000004B  }
0xbd: {  	_ =	sfence  }
0xbe: {  	s30 =	sld [smem:$0x0];
	_ =	sdelay $0x2  }
0xbf: {  	s31 =	sshll.u32 s1, $0xD;
	s1 =	sshrl.u32 s1, $0x2  }
0xc0: {  	s3 =	sand.u32 $0x4000, s31;
	s1 =	sadd.s32 s1, s30  }
0xc1: {  	s0 =	sor.u32 s3, s0;
	s1 =	sshll.u32 s1, $0x11  }
0xc2: {  	s0 =	sor.u32 s1, s0  }
0xc3: {  	s0 =	sadd.s32 $0x8F2B, s0  }
0xc4: {  	[sflag:s0] =	ssyncadd.remote.s32 $0x1  }
0xc5: {  	_ =	sfence.sel $0xFFFF  }
0xc6: {  	[dreg:$0x0] =	wrdreg $0xFFFFFFFF;
	(pc) =	sbr.abs _section_cstart, $3  }
0xc7: {  	[dreg:$0x1] =	wrdreg $0xFFFFFFFF  }
0xc8: {  	_ =	task.clear_ibuf [dreg:s7], $0x2FFFF;
	_ =	strace $0x9FFFFFFF  }
0xc9: {  	(tm) =	ssettm $0x7FFFFFFF  }
tec
execute0_lowered:
.L_overlay_start_1:
0x0: {  	(tag) =	ssettag $0x1  }
0x1: {  	s0 =	rddreg [dreg:$0x0]  }
0x2: {  	s1 =	srdreg.scid;
	s3 =	stileid.u32  }
0x3: {  	s4 =	rddreg [dreg:$0x1];
	s5 =	sand.u32 $0x1, s1;
	s2 =	sshll.u32 s3, $0x1  }
0x4: {  	s1 =	rddreg [dreg:$0x2];
	s6 =	sor.u32 s5, s2;
	s2 =	simm.s32 $0x0  }
0x5: {  	s12 =	sadd.s32 $0x2800, s1;
	[smem:$0x7FF] =	sst s2  }
0x6: {  	s13 =	sadd.s32 $0x5000, s1;
	_ =	strace $0x8000004A;
	[dreg:$0x4] =	wrdreg s12  }
0x7: {  	s14 =	sadd.s32 $0x7800, s1;
	[dreg:$0x5] =	wrdreg s13  }
0x8: {  	s10 =	sadd.s32 $0xBE00, s0;
	s15 =	sadd.s32 $0xA000, s1;
	[dreg:$0x6] =	wrdreg s14  }
0x9: {  	s24 =	smul.u32 $0x4E20, s3;
	s16 =	sadd.s32 $0xC800, s1;
	[dreg:$0x7] =	wrdreg s15  }
0xa: {  	p0 =	sne.s32 s3, $0x0;
	s17 =	sadd.s32 $0xF000, s1;
	[dreg:$0x8] =	wrdreg s16  }
0xb: {  	s9 =	ssub.s32 $0x2, s5;
	s18 =	sadd.s32 $0x11800, s1;
	[dreg:$0x9] =	wrdreg s17  }
0xc: {  	s20 =	sadd.s32 $0x16800, s1;
	s22 =	smul.u32 $0x28000, s5;
	[dreg:$0xa] =	wrdreg s18  }
0xd: {  	s21 =	sadd.s32 $0x19000, s1;
	s5 =	smul.u32 $0x2710, s5;
	[dreg:$0xc] =	wrdreg s20  }
0xe: {  	s7 =	smul.u32 $0x2710, s6;
	[dreg:$0xd] =	wrdreg s21;
	s12 =	sadd.s32 $0x1B800, s1  }
0xf: {  	s11 =	sshrl.u32 s9, $0x1;
	s13 =	sadd.s32 $0x1E000, s1;
	[dreg:$0x12] =	wrdreg s12  }
0x10: {  	s19 =	smul.u32 $0x27100, s6;
	s15 =	sadd.s32 $0x20800, s1;
	[dreg:$0x13] =	wrdreg s13  }
0x11: {  	s6 =	smul.u32 $0x4E20, s6;
	s16 =	sadd.s32 $0x23000, s1;
	[dreg:$0x14] =	wrdreg s15  }
0x12: {  	s17 =	sadd.s32 $0x25800, s1;
	s8 =	sshrl.u32 s7, $0x3;
	[dreg:$0x15] =	wrdreg s16  }
0x13: {  	s26 =	sshll.u32 s7, $0x1;
	s7 =	sshrl.u32 s22, $0x3;
	[dreg:$0x16] =	wrdreg s17  }
0x14: {  	s0 =	sadd.s32 s8, s0;
	s8 =	ssub.s32 s9, s11;
	s11 =	sadd.s32 $0x14000, s1  }
0x15: {  	s14 =	sadd.s32 s10, s6;
	s6 =	sadd.s32 s4, s7;
	[dreg:$0xb] =	wrdreg s11  }
0x16: {  	s9 =	sshrl.u32 s19, $0x3;
	s0 =	sadd.s32 $0x2000, s0;
	[dreg:$0x11] =	wrdreg s6  }
0x17: {  	s23 =	sadd.s32 s10, s9;
	s3 =	sadd.s32 $0xA00, s6;
	[dreg:$0xe] =	wrdreg s0  }
0x18: {  	s9 =	sadd.s32 s5, s24;
	s5 =	sadd.s32 $0x1400, s6;
	[dreg:$0x18] =	wrdreg s3  }
0x19: {  	s28 =	simm.s32 $0x6;
	s7 =	sadd.s32 $0x1900, s6;
	[dreg:$0x1a] =	wrdreg s5  }
0x1a: {  	s18 =	smax.u32 s8, $0x1;
	s8 =	sadd.s32 $0x1E00, s6;
	[dreg:$0x1b] =	wrdreg s7  }
0x1b: {  	s29 =	simm.s32 $0x4;
	s12 =	sadd.s32 $0x3200, s6;
	[dreg:$0x1c] =	wrdreg s8  }
0x1c: {  	s30 =	simm.s32 $0x7;
	s13 =	sadd.s32 $0x3700, s6;
	[smem:$0x7F8] =	sst s12  }
0x1d: {  	s31 =	simm.s32 $0x8;
	s15 =	sadd.s32 $0x3C00, s6;
	[smem:$0x7F9] =	sst s13  }
0x1e: {  	s16 =	sadd.s32 $0x4100, s6;
	s17 =	sadd.s32 $0x4600, s6;
	[smem:$0x7FA] =	sst s15  }
0x1f: {  	s25 =	sadd.s32 $0xA0, s23;
	s0 =	sadd.s32 $0x140, s23;
	[smem:$0x7FB] =	sst s16  }
0x20: {  	s4 =	sshll.u32 s9, $0x1;
	s9 =	sadd.s32 $0x2300, s6;
	[smem:$0x7FC] =	sst s17  }
0x21: {  	s3 =	simm.s32 $0x3B10;
	s5 =	simm.s32 $0x2710;
	s7 =	simm.s32 $0x3110  }
0x22: {  	s8 =	simm.s32 $0x1;
	s12 =	simm.s32 $0x5;
	[dreg:$0xf] =	wrdreg s25  }
0x23: {  	s17 =	simm.s32 $0x0;
	[dreg:$0x10] =	wrdreg s0;
	s0 =	sadd.s32 s10, s26  }
0x24: {  	s11 =	sadd.s32 s10, s4;
	s26 =	sadd.s32 $0x500, s6;
	s4 =	sadd.s32 $0xF00, s6  }
0x25: {  	[dreg:$0x1d] =	wrdreg s9;
	s10 =	sadd.s32 $0x2800, s6;
	s9 =	simm.s32 $0x50  }
0x26: {  	s19 =	sadd.s32 $0x280, s0;
	s20 =	sadd.s32 $0x320, s0;
	s21 =	sadd.s32 $0x3C0, s0  }
0x27: {  	s22 =	sadd.s32 $0x460, s11;
	s23 =	sadd.s32 $0x640, s11;
	[dreg:$0x17] =	wrdreg s26  }
.Ltmp0:
0x28: {  	s24 =	sadd.s32 $0x5A0, s11;
	[dreg:$0x19] =	wrdreg s4;
	(pc) =	sbr.rel .LBB2_1-.Ltmp0, $4  }
0x29: {  	s25 =	sadd.s32 $0x500, s11;
	[dreg:$0x1e] =	wrdreg s10;
	s11 =	sadd.s32 $0x2D00, s6  }
0x2a: {  	s26 =	sadd.s32 $0x4B00, s6;
	s0 =	sadd.s32 $0x1E0, s14;
	s4 =	simm.s32 $0x9  }
0x2b: {  	s6 =	simm.s32 $0x2C10;
	s10 =	simm.s32 $0x3610;
	[dreg:$0x1f] =	wrdreg s11  }
0x2c: {  	v0 =	vimm.f32 $0.0e+00;
	[smem:$0x7FD] =	sst s26;
	s11 =	simm.s32 $0x2;
	s26 =	simm.s32 $0x3  }
.LBB2_8:
0x2d: {  	_ =	swait.ge [sflag:s29], $0x500  }
0x2e: {  	[sflag:s29] =	ssyncset.done $0x0  }
0x2f: {  	[sflag:s29] =	ssyncadd.s32 $0xFFFFFB00  }
0x30: {  	_ =	swait.ge [sflag:s30], $0x500  }
0x31: {  	[sflag:s30] =	ssyncset.done $0x0  }
0x32: {  	[sflag:s30] =	ssyncadd.s32 $0xFFFFFB00  }
0x33: {  	[spmem:s1] =	stream.indirect.scatter.add.f32 [tilespmem:s10], [sflag:$0x8], $0x10, s15, s9, $0xb8;
	[tilespmem:$0x8B10] =	vst v63  }
0x34: {  	_ =	swait.ge [sflag:s8], $0x500  }
0x35: {  	[sflag:s8] =	ssyncset.done $0x0  }
0x36: {  	[sflag:s8] =	ssyncadd.s32 $0xFFFFFB00  }
0x37: {  	_ =	swait.ge [sflag:s31], $0x500  }
0x38: {  	[sflag:s31] =	ssyncset.done $0x0  }
0x39: {  	s13 =	simm.s32 $0x26C0;
	[sflag:s31] =	ssyncadd.s32 $0xFFFFFB00  }
0x3a: {  	[spmem:s1] =	stream.indirect.scatter.add.f32 [tilespmem:s5], [sflag:$0x5], $0x10, s13, s9, $0xb8;
	[tilespmem:$0x8B10] =	vst v63  }
.Ltmp1:
0x3b: {  	_ =	swait.ge [sflag:s12], $0x500;
	(pc) =	sbr.rel @!p0 .LBB2_9-.Ltmp1, $3  }
0x3c: {  	[sflag:s12] =	ssyncset.done $0x0  }
0x3d: {  	[sflag:s12] =	ssyncadd.s32 $0xFFFFFB00  }
0x3e: {  	[bflag:$0x0] =	sbarrier.arrive $0xFFFF;
	_ =	sdelay $0x1  }
.LBB2_10:
0x3f: {  	s17 =	sadd.s32 $0x1, s17  }
0x40: {  	p1 =	sne.s32 s17, s18  }
.Ltmp2:
0x41: {  	_ = 	snop;
	(pc) =	sbr.rel @!p1 .LBB2_11-.Ltmp2, $1  }
0x42: {  	_ =	sdelay $0x3  }
.LBB2_1:
.Ltmp3:
0x43: {  	(pc) =	sbr.rel @p0 .LBB2_5-.Ltmp3, $1  }
0x44: {  	_ =	sdelay $0x3  }
0x45: {  	s13 =	simm.s32 $0x40;
	s15 =	simm.s32 $0x0  }
.LBB2_3:
0x46: {  	p1 =	sne.s32 s13, $0x9FC0;
	[tilespmem:s15+$0x3B10] =	vst v0;
	s15 =	smov.u32 s13;
	s13 =	sadd.s32 $0x40, s13  }
.Ltmp4:
0x47: {  	(pc) =	sbr.rel @p1 .LBB2_3-.Ltmp4, $2  }
0x48: {  	_ =	sdelay $0x2  }
0x49: {  	s15 =	sshra.s32 s15, $0x2  }
0x4a: {  	[tilespmem:s15+$0x3B10] =	vst v0  }
0x4b: {  	[spmem:s1] =	stream.linear.scatter [tilespmem:s3], [sflag:$0x9], $0x2800, $0x38;
	[tilespmem:$0x8B10] =	vst v63  }
0x4c: {  	_ =	swait.ge [sflag:s4], $0x2800  }
0x4d: {  	[sflag:s4] =	ssyncset.done $0x0  }
0x4e: {  	s13 =	rddreg [dreg:$0x4];
	[sflag:s4] =	ssyncadd.s32 $0xFFFFD800  }
0x4f: {  	[spmem:s13] =	stream.linear.scatter [tilespmem:s3], [sflag:$0x9], $0x2800, $0x38;
	[tilespmem:$0x8B10] =	vst v63  }
0x50: {  	_ =	swait.ge [sflag:s4], $0x2800  }
0x51: {  	[sflag:s4] =	ssyncset.done $0x0  }
0x52: {  	s15 =	rddreg [dreg:$0x5];
	[sflag:s4] =	ssyncadd.s32 $0xFFFFD800  }
0x53: {  	[spmem:s15] =	stream.linear.scatter [tilespmem:s3], [sflag:$0x9], $0x2800, $0x38;
	[tilespmem:$0x8B10] =	vst v63  }
0x54: {  	_ =	swait.ge [sflag:s4], $0x2800  }
0x55: {  	[sflag:s4] =	ssyncset.done $0x0  }
0x56: {  	s16 =	rddreg [dreg:$0x6];
	[sflag:s4] =	ssyncadd.s32 $0xFFFFD800  }
0x57: {  	[spmem:s16] =	stream.linear.scatter [tilespmem:s3], [sflag:$0x9], $0x2800, $0x38;
	[tilespmem:$0x8B10] =	vst v63  }
0x58: {  	_ =	swait.ge [sflag:s4], $0x2800  }
0x59: {  	[sflag:s4] =	ssyncset.done $0x0  }
0x5a: {  	s15 =	rddreg [dreg:$0x7];
	[sflag:s4] =	ssyncadd.s32 $0xFFFFD800  }
0x5b: {  	[spmem:s15] =	stream.linear.scatter [tilespmem:s3], [sflag:$0x9], $0x2800, $0x38;
	[tilespmem:$0x8B10] =	vst v63  }
0x5c: {  	_ =	swait.ge [sflag:s4], $0x2800  }
0x5d: {  	[sflag:s4] =	ssyncset.done $0x0  }
0x5e: {  	s16 =	rddreg [dreg:$0x8];
	[sflag:s4] =	ssyncadd.s32 $0xFFFFD800  }
0x5f: {  	[spmem:s16] =	stream.linear.scatter [tilespmem:s3], [sflag:$0x9], $0x2800, $0x38;
	[tilespmem:$0x8B10] =	vst v63  }
0x60: {  	_ =	swait.ge [sflag:s4], $0x2800  }
0x61: {  	[sflag:s4] =	ssyncset.done $0x0  }
0x62: {  	s15 =	rddreg [dreg:$0x9];
	[sflag:s4] =	ssyncadd.s32 $0xFFFFD800  }
0x63: {  	[spmem:s15] =	stream.linear.scatter [tilespmem:s3], [sflag:$0x9], $0x2800, $0x38;
	[tilespmem:$0x8B10] =	vst v63  }
0x64: {  	_ =	swait.ge [sflag:s4], $0x2800  }
0x65: {  	[sflag:s4] =	ssyncset.done $0x0  }
0x66: {  	s16 =	rddreg [dreg:$0xa];
	[sflag:s4] =	ssyncadd.s32 $0xFFFFD800  }
0x67: {  	[spmem:s16] =	stream.linear.scatter [tilespmem:s3], [sflag:$0x9], $0x2800, $0x38;
	[tilespmem:$0x8B10] =	vst v63  }
0x68: {  	_ =	swait.ge [sflag:s4], $0x2800  }
0x69: {  	[sflag:s4] =	ssyncset.done $0x0  }
0x6a: {  	s15 =	rddreg [dreg:$0xb];
	[sflag:s4] =	ssyncadd.s32 $0xFFFFD800  }
0x6b: {  	[spmem:s15] =	stream.linear.scatter [tilespmem:s3], [sflag:$0x9], $0x2800, $0x38;
	[tilespmem:$0x8B10] =	vst v63  }
0x6c: {  	_ =	swait.ge [sflag:s4], $0x2800  }
0x6d: {  	[sflag:s4] =	ssyncset.done $0x0  }
0x6e: {  	s16 =	rddreg [dreg:$0xc];
	[sflag:s4] =	ssyncadd.s32 $0xFFFFD800  }
0x6f: {  	[spmem:s16] =	stream.linear.scatter [tilespmem:s3], [sflag:$0x9], $0x2800, $0x38;
	[tilespmem:$0x8B10] =	vst v63  }
0x70: {  	_ =	swait.ge [sflag:s4], $0x2800  }
0x71: {  	[sflag:s4] =	ssyncset.done $0x0  }
0x72: {  	s15 =	rddreg [dreg:$0xd];
	[sflag:s4] =	ssyncadd.s32 $0xFFFFD800  }
0x73: {  	[spmem:s15] =	stream.linear.scatter [tilespmem:s3], [sflag:$0x9], $0x2800, $0x38;
	[tilespmem:$0x8B10] =	vst v63  }
0x74: {  	_ =	swait.ge [sflag:s4], $0x2800  }
0x75: {  	[sflag:s4] =	ssyncset.done $0x0  }
0x76: {  	s16 =	rddreg [dreg:$0x12];
	[sflag:s4] =	ssyncadd.s32 $0xFFFFD800  }
0x77: {  	[spmem:s16] =	stream.linear.scatter [tilespmem:s3], [sflag:$0x9], $0x2800, $0x38;
	[tilespmem:$0x8B10] =	vst v63  }
0x78: {  	_ =	swait.ge [sflag:s4], $0x2800  }
0x79: {  	[sflag:s4] =	ssyncset.done $0x0  }
0x7a: {  	s15 =	rddreg [dreg:$0x13];
	[sflag:s4] =	ssyncadd.s32 $0xFFFFD800  }
0x7b: {  	[spmem:s15] =	stream.linear.scatter [tilespmem:s3], [sflag:$0x9], $0x2800, $0x38;
	[tilespmem:$0x8B10] =	vst v63  }
0x7c: {  	_ =	swait.ge [sflag:s4], $0x2800  }
0x7d: {  	[sflag:s4] =	ssyncset.done $0x0  }
0x7e: {  	s16 =	rddreg [dreg:$0x14];
	[sflag:s4] =	ssyncadd.s32 $0xFFFFD800  }
0x7f: {  	[spmem:s16] =	stream.linear.scatter [tilespmem:s3], [sflag:$0x9], $0x2800, $0x38;
	[tilespmem:$0x8B10] =	vst v63  }
0x80: {  	_ =	swait.ge [sflag:s4], $0x2800  }
0x81: {  	[sflag:s4] =	ssyncset.done $0x0  }
0x82: {  	s15 =	rddreg [dreg:$0x15];
	[sflag:s4] =	ssyncadd.s32 $0xFFFFD800  }
0x83: {  	[spmem:s15] =	stream.linear.scatter [tilespmem:s3], [sflag:$0x9], $0x2800, $0x38;
	[tilespmem:$0x8B10] =	vst v63  }
0x84: {  	_ =	swait.ge [sflag:s4], $0x2800  }
0x85: {  	[sflag:s4] =	ssyncset.done $0x0  }
0x86: {  	s16 =	rddreg [dreg:$0x16];
	[sflag:s4] =	ssyncadd.s32 $0xFFFFD800  }
0x87: {  	[spmem:s16] =	stream.linear.scatter [tilespmem:s3], [sflag:$0x9], $0x2800, $0x38;
	[tilespmem:$0x8B10] =	vst v63  }
0x88: {  	_ =	swait.ge [sflag:s4], $0x2800  }
0x89: {  	[sflag:s4] =	ssyncset.done $0x0  }
0x8a: {  	[sflag:s4] =	ssyncadd.s32 $0xFFFFD800  }
.LBB2_5:
0x8b: {  	s13 =	simm.s32 $0x0;
	s15 =	rddreg [dreg:$0xe]  }
0x8c: {  	[tilespmem:s13], [sflag:$0x9] =	stream.linear.gather [hbm4b:s15+s13], $0x2710, $0x38;
	[tilespmem:$0x8B10] =	vst v63  }
0x8d: {  	_ =	swait.ge [sflag:s4], $0x2710  }
0x8e: {  	[sflag:s4] =	ssyncset.done $0x0  }
0x8f: {  	[sflag:s4] =	ssyncadd.s32 $0xFFFFD8F0  }
0x90: {  	[bflag:$0x0] =	sbarrier.arrive $0xFFFF  }
0x91: {  	[tilespmem:s5], [sflag:$0x1] =	stream.linear.gather [hbm4b:s14+s13], $0x500, $0x38;
	[tilespmem:$0x8B10] =	vst v63  }
0x92: {  	s16 =	rddreg [dreg:$0xf]  }
0x93: {  	[tilespmem:s6], [sflag:$0x2] =	stream.linear.gather [hbm4b:s16+s13], $0x500, $0x38;
	[tilespmem:$0x8B10] =	vst v63  }
0x94: {  	s16 =	rddreg [dreg:$0x10]  }
0x95: {  	[tilespmem:s7], [sflag:$0x3] =	stream.linear.gather [hbm4b:s16+s13], $0x500, $0x38;
	[tilespmem:$0x8B10] =	vst v63  }
0x96: {  	_ =	swait.ge [sflag:s8], $0x500  }
0x97: {  	[sflag:s8] =	ssyncset.done $0x0  }
0x98: {  	[sflag:s8] =	ssyncadd.s32 $0xFFFFFB00  }
0x99: {  	[spmem:s1] =	stream.indirect.scatter.add.f32 [tilespmem:s5], [sflag:$0x5], $0x10, s13, s9, $0xb8;
	[tilespmem:$0x8B10] =	vst v63  }
0x9a: {  	_ = 	snop  }
0x9b: {  	[tilespmem:s10], [sflag:$0x4] =	stream.linear.gather [hbm4b:s0+s13], $0x500, $0x38;
	[tilespmem:$0x8B10] =	vst v63  }
0x9c: {  	_ =	swait.ge [sflag:s11], $0x500  }
0x9d: {  	[sflag:s11] =	ssyncset.done $0x0  }
0x9e: {  	[sflag:s11] =	ssyncadd.s32 $0xFFFFFB00  }
0x9f: {  	_ =	swait.ge [sflag:s12], $0x500  }
0xa0: {  	[sflag:s12] =	ssyncset.done $0x0  }
0xa1: {  	[sflag:s12] =	ssyncadd.s32 $0xFFFFFB00  }
0xa2: {  	[spmem:s1] =	stream.indirect.scatter.add.f32 [tilespmem:s6], [sflag:$0x6], $0x10, s9, s9, $0xb8;
	[tilespmem:$0x8B10] =	vst v63  }
0xa3: {  	_ = 	snop  }
0xa4: {  	[tilespmem:s5], [sflag:$0x1] =	stream.linear.gather [hbm4b:s19+s13], $0x500, $0x38;
	[tilespmem:$0x8B10] =	vst v63  }
0xa5: {  	_ =	swait.ge [sflag:s26], $0x500  }
0xa6: {  	[sflag:s26] =	ssyncset.done $0x0  }
0xa7: {  	[sflag:s26] =	ssyncadd.s32 $0xFFFFFB00  }
0xa8: {  	_ =	swait.ge [sflag:s28], $0x500  }
0xa9: {  	[sflag:s28] =	ssyncset.done $0x0  }
0xaa: {  	s16 =	simm.s32 $0xA0;
	[sflag:s28] =	ssyncadd.s32 $0xFFFFFB00  }
0xab: {  	[spmem:s1] =	stream.indirect.scatter.add.f32 [tilespmem:s7], [sflag:$0x7], $0x10, s16, s9, $0xb8;
	[tilespmem:$0x8B10] =	vst v63  }
0xac: {  	_ = 	snop  }
0xad: {  	[tilespmem:s6], [sflag:$0x2] =	stream.linear.gather [hbm4b:s20+s13], $0x500, $0x38;
	[tilespmem:$0x8B10] =	vst v63  }
0xae: {  	_ =	swait.ge [sflag:s29], $0x500  }
0xaf: {  	[sflag:s29] =	ssyncset.done $0x0  }
0xb0: {  	[sflag:s29] =	ssyncadd.s32 $0xFFFFFB00  }
0xb1: {  	_ =	swait.ge [sflag:s30], $0x500  }
0xb2: {  	[sflag:s30] =	ssyncset.done $0x0  }
0xb3: {  	s16 =	simm.s32 $0xF0;
	[sflag:s30] =	ssyncadd.s32 $0xFFFFFB00  }
0xb4: {  	[spmem:s1] =	stream.indirect.scatter.add.f32 [tilespmem:s10], [sflag:$0x8], $0x10, s16, s9, $0xb8;
	[tilespmem:$0x8B10] =	vst v63  }
0xb5: {  	s15 =	simm.s32 $0x230  }
0xb6: {  	[tilespmem:s7], [sflag:$0x3] =	stream.linear.gather [hbm4b:s21+s13], $0x500, $0x38;
	[tilespmem:$0x8B10] =	vst v63  }
.LBB2_6:
0xb7: {  	_ =	swait.ge [sflag:s8], $0x500  }
0xb8: {  	[sflag:s8] =	ssyncset.done $0x0  }
0xb9: {  	[sflag:s8] =	ssyncadd.s32 $0xFFFFFB00  }
0xba: {  	_ =	swait.ge [sflag:s31], $0x500  }
0xbb: {  	[sflag:s31] =	ssyncset.done $0x0  }
0xbc: {  	s16 =	sadd.s32 $0xFFFFFF10, s15;
	[sflag:s31] =	ssyncadd.s32 $0xFFFFFB00  }
0xbd: {  	[spmem:s1] =	stream.indirect.scatter.add.f32 [tilespmem:s5], [sflag:$0x5], $0x10, s16, s9, $0xb8;
	[tilespmem:$0x8B10] =	vst v63  }
0xbe: {  	s16 =	sadd.s32 s13, s22  }
0xbf: {  	[tilespmem:s10], [sflag:$0x4] =	stream.linear.gather [hbm4b:s16+s2], $0x500, $0x38;
	[tilespmem:$0x8B10] =	vst v63  }
0xc0: {  	_ =	swait.ge [sflag:s11], $0x500  }
0xc1: {  	[sflag:s11] =	ssyncset.done $0x0  }
0xc2: {  	[sflag:s11] =	ssyncadd.s32 $0xFFFFFB00  }
0xc3: {  	_ =	swait.ge [sflag:s12], $0x500  }
0xc4: {  	[sflag:s12] =	ssyncset.done $0x0  }
0xc5: {  	s16 =	sadd.s32 $0xFFFFFF60, s15;
	[sflag:s12] =	ssyncadd.s32 $0xFFFFFB00  }
0xc6: {  	[spmem:s1] =	stream.indirect.scatter.add.f32 [tilespmem:s6], [sflag:$0x6], $0x10, s16, s9, $0xb8;
	[tilespmem:$0x8B10] =	vst v63  }
0xc7: {  	s16 =	sadd.s32 s13, s25  }
0xc8: {  	[tilespmem:s5], [sflag:$0x1] =	stream.linear.gather [hbm4b:s16+s2], $0x500, $0x38;
	[tilespmem:$0x8B10] =	vst v63  }
0xc9: {  	_ =	swait.ge [sflag:s26], $0x500  }
0xca: {  	p1 =	seq.s32 s13, $0x4880;
	[sflag:s26] =	ssyncset.done $0x0  }
.Ltmp5:
0xcb: {  	[sflag:s26] =	ssyncadd.s32 $0xFFFFFB00;
	(pc) =	sbr.rel @p1 .LBB2_8-.Ltmp5, $4  }
0xcc: {  	_ =	swait.ge [sflag:s28], $0x500  }
0xcd: {  	[sflag:s28] =	ssyncset.done $0x0  }
0xce: {  	s16 =	sadd.s32 $0xFFFFFFB0, s15;
	[sflag:s28] =	ssyncadd.s32 $0xFFFFFB00  }
0xcf: {  	[spmem:s1] =	stream.indirect.scatter.add.f32 [tilespmem:s7], [sflag:$0x7], $0x10, s16, s9, $0xb8;
	[tilespmem:$0x8B10] =	vst v63  }
0xd0: {  	s16 =	sadd.s32 s13, s24  }
0xd1: {  	[tilespmem:s6], [sflag:$0x2] =	stream.linear.gather [hbm4b:s16+s2], $0x500, $0x38;
	[tilespmem:$0x8B10] =	vst v63  }
0xd2: {  	_ =	swait.ge [sflag:s29], $0x500  }
0xd3: {  	[sflag:s29] =	ssyncset.done $0x0  }
0xd4: {  	[sflag:s29] =	ssyncadd.s32 $0xFFFFFB00  }
0xd5: {  	_ =	swait.ge [sflag:s30], $0x500  }
.Ltmp6:
0xd6: {  	[sflag:s30] =	ssyncset.done $0x0;
	(pc) =	sbr.rel .LBB2_6-.Ltmp6, $4  }
0xd7: {  	[sflag:s30] =	ssyncadd.s32 $0xFFFFFB00  }
0xd8: {  	[spmem:s1] =	stream.indirect.scatter.add.f32 [tilespmem:s10], [sflag:$0x8], $0x10, s15, s9, $0xb8;
	[tilespmem:$0x8B10] =	vst v63  }
0xd9: {  	s16 =	sadd.s32 s13, s23;
	s13 =	sadd.s32 $0x280, s13;
	s15 =	sadd.s32 $0x140, s15  }
0xda: {  	[tilespmem:s7], [sflag:$0x3] =	stream.linear.gather [hbm4b:s16+s2], $0x500, $0x38;
	[tilespmem:$0x8B10] =	vst v63  }
.LBB2_9:
0xdb: {  	[tilespmem:s3], [sflag:$0x9] =	stream.linear.gather [spmem:s1], $0x2800, $0x38;
	[tilespmem:$0x8B10] =	vst v63  }
0xdc: {  	_ =	swait.ge [sflag:s4], $0x2800  }
0xdd: {  	[sflag:s4] =	ssyncset.done $0x0  }
0xde: {  	s13 =	rddreg [dreg:$0x11];
	[sflag:s4] =	ssyncadd.s32 $0xFFFFD800  }
0xdf: {  	[hbm4b:s13+s2] =	stream.linear.scatter [tilespmem:s3], [sflag:$0x9], $0x2800, $0x38;
	[tilespmem:$0x8B10] =	vst v63  }
0xe0: {  	_ =	swait.ge [sflag:s4], $0x2800  }
0xe1: {  	[sflag:s4] =	ssyncset.done $0x0  }
0xe2: {  	s15 =	rddreg [dreg:$0x4];
	[sflag:s4] =	ssyncadd.s32 $0xFFFFD800  }
0xe3: {  	[tilespmem:s3], [sflag:$0x9] =	stream.linear.gather [spmem:s15], $0x2800, $0x38;
	[tilespmem:$0x8B10] =	vst v63  }
0xe4: {  	_ =	swait.ge [sflag:s4], $0x2800  }
0xe5: {  	[sflag:s4] =	ssyncset.done $0x0  }
0xe6: {  	s16 =	rddreg [dreg:$0x17];
	[sflag:s4] =	ssyncadd.s32 $0xFFFFD800  }
0xe7: {  	[hbm4b:s16+s2] =	stream.linear.scatter [tilespmem:s3], [sflag:$0x9], $0x2800, $0x38;
	[tilespmem:$0x8B10] =	vst v63  }
0xe8: {  	_ =	swait.ge [sflag:s4], $0x2800  }
0xe9: {  	[sflag:s4] =	ssyncset.done $0x0  }
0xea: {  	s15 =	rddreg [dreg:$0x5];
	[sflag:s4] =	ssyncadd.s32 $0xFFFFD800  }
0xeb: {  	[tilespmem:s3], [sflag:$0x9] =	stream.linear.gather [spmem:s15], $0x2800, $0x38;
	[tilespmem:$0x8B10] =	vst v63  }
0xec: {  	_ =	swait.ge [sflag:s4], $0x2800  }
0xed: {  	[sflag:s4] =	ssyncset.done $0x0  }
0xee: {  	s16 =	rddreg [dreg:$0x18];
	[sflag:s4] =	ssyncadd.s32 $0xFFFFD800  }
0xef: {  	[hbm4b:s16+s2] =	stream.linear.scatter [tilespmem:s3], [sflag:$0x9], $0x2800, $0x38;
	[tilespmem:$0x8B10] =	vst v63  }
0xf0: {  	_ =	swait.ge [sflag:s4], $0x2800  }
0xf1: {  	[sflag:s4] =	ssyncset.done $0x0  }
0xf2: {  	s15 =	rddreg [dreg:$0x6];
	[sflag:s4] =	ssyncadd.s32 $0xFFFFD800  }
0xf3: {  	[tilespmem:s3], [sflag:$0x9] =	stream.linear.gather [spmem:s15], $0x2800, $0x38;
	[tilespmem:$0x8B10] =	vst v63  }
0xf4: {  	_ =	swait.ge [sflag:s4], $0x2800  }
0xf5: {  	[sflag:s4] =	ssyncset.done $0x0  }
0xf6: {  	s16 =	rddreg [dreg:$0x19];
	[sflag:s4] =	ssyncadd.s32 $0xFFFFD800  }
0xf7: {  	[hbm4b:s16+s2] =	stream.linear.scatter [tilespmem:s3], [sflag:$0x9], $0x2800, $0x38;
	[tilespmem:$0x8B10] =	vst v63  }
0xf8: {  	_ =	swait.ge [sflag:s4], $0x2800  }
0xf9: {  	[sflag:s4] =	ssyncset.done $0x0  }
0xfa: {  	s15 =	rddreg [dreg:$0x7];
	[sflag:s4] =	ssyncadd.s32 $0xFFFFD800  }
0xfb: {  	[tilespmem:s3], [sflag:$0x9] =	stream.linear.gather [spmem:s15], $0x2800, $0x38;
	[tilespmem:$0x8B10] =	vst v63  }
0xfc: {  	_ =	swait.ge [sflag:s4], $0x2800  }
0xfd: {  	[sflag:s4] =	ssyncset.done $0x0  }
0xfe: {  	s16 =	rddreg [dreg:$0x1a];
	[sflag:s4] =	ssyncadd.s32 $0xFFFFD800  }
0xff: {  	[hbm4b:s16+s2] =	stream.linear.scatter [tilespmem:s3], [sflag:$0x9], $0x2800, $0x38;
	[tilespmem:$0x8B10] =	vst v63  }
0x100: {  	_ =	swait.ge [sflag:s4], $0x2800  }
0x101: {  	[sflag:s4] =	ssyncset.done $0x0  }
0x102: {  	s15 =	rddreg [dreg:$0x8];
	[sflag:s4] =	ssyncadd.s32 $0xFFFFD800  }
0x103: {  	[tilespmem:s3], [sflag:$0x9] =	stream.linear.gather [spmem:s15], $0x2800, $0x38;
	[tilespmem:$0x8B10] =	vst v63  }
0x104: {  	_ =	swait.ge [sflag:s4], $0x2800  }
0x105: {  	[sflag:s4] =	ssyncset.done $0x0  }
0x106: {  	s16 =	rddreg [dreg:$0x1b];
	[sflag:s4] =	ssyncadd.s32 $0xFFFFD800  }
0x107: {  	[hbm4b:s16+s2] =	stream.linear.scatter [tilespmem:s3], [sflag:$0x9], $0x2800, $0x38;
	[tilespmem:$0x8B10] =	vst v63  }
0x108: {  	_ =	swait.ge [sflag:s4], $0x2800  }
0x109: {  	[sflag:s4] =	ssyncset.done $0x0  }
0x10a: {  	s15 =	rddreg [dreg:$0x9];
	[sflag:s4] =	ssyncadd.s32 $0xFFFFD800  }
0x10b: {  	[tilespmem:s3], [sflag:$0x9] =	stream.linear.gather [spmem:s15], $0x2800, $0x38;
	[tilespmem:$0x8B10] =	vst v63  }
0x10c: {  	_ =	swait.ge [sflag:s4], $0x2800  }
0x10d: {  	[sflag:s4] =	ssyncset.done $0x0  }
0x10e: {  	s16 =	rddreg [dreg:$0x1c];
	[sflag:s4] =	ssyncadd.s32 $0xFFFFD800  }
0x10f: {  	[hbm4b:s16+s2] =	stream.linear.scatter [tilespmem:s3], [sflag:$0x9], $0x2800, $0x38;
	[tilespmem:$0x8B10] =	vst v63  }
0x110: {  	_ =	swait.ge [sflag:s4], $0x2800  }
0x111: {  	[sflag:s4] =	ssyncset.done $0x0  }
0x112: {  	s15 =	rddreg [dreg:$0xa];
	[sflag:s4] =	ssyncadd.s32 $0xFFFFD800  }
0x113: {  	[tilespmem:s3], [sflag:$0x9] =	stream.linear.gather [spmem:s15], $0x2800, $0x38;
	[tilespmem:$0x8B10] =	vst v63  }
0x114: {  	_ =	swait.ge [sflag:s4], $0x2800  }
0x115: {  	[sflag:s4] =	ssyncset.done $0x0  }
0x116: {  	s16 =	rddreg [dreg:$0x1d];
	[sflag:s4] =	ssyncadd.s32 $0xFFFFD800  }
0x117: {  	[hbm4b:s16+s2] =	stream.linear.scatter [tilespmem:s3], [sflag:$0x9], $0x2800, $0x38;
	[tilespmem:$0x8B10] =	vst v63  }
0x118: {  	_ =	swait.ge [sflag:s4], $0x2800  }
0x119: {  	[sflag:s4] =	ssyncset.done $0x0  }
0x11a: {  	s15 =	rddreg [dreg:$0xb];
	[sflag:s4] =	ssyncadd.s32 $0xFFFFD800  }
0x11b: {  	[tilespmem:s3], [sflag:$0x9] =	stream.linear.gather [spmem:s15], $0x2800, $0x38;
	[tilespmem:$0x8B10] =	vst v63  }
0x11c: {  	_ =	swait.ge [sflag:s4], $0x2800  }
0x11d: {  	[sflag:s4] =	ssyncset.done $0x0  }
0x11e: {  	s16 =	rddreg [dreg:$0x1e];
	[sflag:s4] =	ssyncadd.s32 $0xFFFFD800  }
0x11f: {  	[hbm4b:s16+s2] =	stream.linear.scatter [tilespmem:s3], [sflag:$0x9], $0x2800, $0x38;
	[tilespmem:$0x8B10] =	vst v63  }
0x120: {  	_ =	swait.ge [sflag:s4], $0x2800  }
0x121: {  	[sflag:s4] =	ssyncset.done $0x0  }
0x122: {  	s15 =	rddreg [dreg:$0xc];
	[sflag:s4] =	ssyncadd.s32 $0xFFFFD800  }
0x123: {  	[tilespmem:s3], [sflag:$0x9] =	stream.linear.gather [spmem:s15], $0x2800, $0x38;
	[tilespmem:$0x8B10] =	vst v63  }
0x124: {  	_ =	swait.ge [sflag:s4], $0x2800  }
0x125: {  	[sflag:s4] =	ssyncset.done $0x0  }
0x126: {  	s16 =	rddreg [dreg:$0x1f];
	[sflag:s4] =	ssyncadd.s32 $0xFFFFD800  }
0x127: {  	[hbm4b:s16+s2] =	stream.linear.scatter [tilespmem:s3], [sflag:$0x9], $0x2800, $0x38;
	[tilespmem:$0x8B10] =	vst v63  }
0x128: {  	_ =	swait.ge [sflag:s4], $0x2800  }
0x129: {  	[sflag:s4] =	ssyncset.done $0x0  }
0x12a: {  	s15 =	rddreg [dreg:$0xd];
	[sflag:s4] =	ssyncadd.s32 $0xFFFFD800  }
0x12b: {  	[tilespmem:s3], [sflag:$0x9] =	stream.linear.gather [spmem:s15], $0x2800, $0x38;
	[tilespmem:$0x8B10] =	vst v63  }
0x12c: {  	_ =	swait.ge [sflag:s4], $0x2800  }
0x12d: {  	s16 =	sld [smem:$0x7F8]  }
0x12e: {  	[sflag:s4] =	ssyncset.done $0x0  }
0x12f: {  	[sflag:s4] =	ssyncadd.s32 $0xFFFFD800  }
0x130: {  	[hbm4b:s16+s2] =	stream.linear.scatter [tilespmem:s3], [sflag:$0x9], $0x2800, $0x38;
	[tilespmem:$0x8B10] =	vst v63  }
0x131: {  	_ =	swait.ge [sflag:s4], $0x2800  }
0x132: {  	[sflag:s4] =	ssyncset.done $0x0  }
0x133: {  	s15 =	rddreg [dreg:$0x12];
	[sflag:s4] =	ssyncadd.s32 $0xFFFFD800  }
0x134: {  	[tilespmem:s3], [sflag:$0x9] =	stream.linear.gather [spmem:s15], $0x2800, $0x38;
	[tilespmem:$0x8B10] =	vst v63  }
0x135: {  	_ =	swait.ge [sflag:s4], $0x2800  }
0x136: {  	s16 =	sld [smem:$0x7F9]  }
0x137: {  	[sflag:s4] =	ssyncset.done $0x0  }
0x138: {  	[sflag:s4] =	ssyncadd.s32 $0xFFFFD800  }
0x139: {  	[hbm4b:s16+s2] =	stream.linear.scatter [tilespmem:s3], [sflag:$0x9], $0x2800, $0x38;
	[tilespmem:$0x8B10] =	vst v63  }
0x13a: {  	_ =	swait.ge [sflag:s4], $0x2800  }
0x13b: {  	[sflag:s4] =	ssyncset.done $0x0  }
0x13c: {  	s15 =	rddreg [dreg:$0x13];
	[sflag:s4] =	ssyncadd.s32 $0xFFFFD800  }
0x13d: {  	[tilespmem:s3], [sflag:$0x9] =	stream.linear.gather [spmem:s15], $0x2800, $0x38;
	[tilespmem:$0x8B10] =	vst v63  }
0x13e: {  	_ =	swait.ge [sflag:s4], $0x2800  }
0x13f: {  	s16 =	sld [smem:$0x7FA]  }
0x140: {  	[sflag:s4] =	ssyncset.done $0x0  }
0x141: {  	[sflag:s4] =	ssyncadd.s32 $0xFFFFD800  }
0x142: {  	[hbm4b:s16+s2] =	stream.linear.scatter [tilespmem:s3], [sflag:$0x9], $0x2800, $0x38;
	[tilespmem:$0x8B10] =	vst v63  }
0x143: {  	_ =	swait.ge [sflag:s4], $0x2800  }
0x144: {  	[sflag:s4] =	ssyncset.done $0x0  }
0x145: {  	s15 =	rddreg [dreg:$0x14];
	[sflag:s4] =	ssyncadd.s32 $0xFFFFD800  }
0x146: {  	[tilespmem:s3], [sflag:$0x9] =	stream.linear.gather [spmem:s15], $0x2800, $0x38;
	[tilespmem:$0x8B10] =	vst v63  }
0x147: {  	_ =	swait.ge [sflag:s4], $0x2800  }
0x148: {  	s16 =	sld [smem:$0x7FB]  }
0x149: {  	[sflag:s4] =	ssyncset.done $0x0  }
0x14a: {  	[sflag:s4] =	ssyncadd.s32 $0xFFFFD800  }
0x14b: {  	[hbm4b:s16+s2] =	stream.linear.scatter [tilespmem:s3], [sflag:$0x9], $0x2800, $0x38;
	[tilespmem:$0x8B10] =	vst v63  }
0x14c: {  	_ =	swait.ge [sflag:s4], $0x2800  }
0x14d: {  	[sflag:s4] =	ssyncset.done $0x0  }
0x14e: {  	s15 =	rddreg [dreg:$0x15];
	[sflag:s4] =	ssyncadd.s32 $0xFFFFD800  }
0x14f: {  	[tilespmem:s3], [sflag:$0x9] =	stream.linear.gather [spmem:s15], $0x2800, $0x38;
	[tilespmem:$0x8B10] =	vst v63  }
0x150: {  	_ =	swait.ge [sflag:s4], $0x2800  }
0x151: {  	s16 =	sld [smem:$0x7FC]  }
0x152: {  	[sflag:s4] =	ssyncset.done $0x0  }
0x153: {  	[sflag:s4] =	ssyncadd.s32 $0xFFFFD800  }
0x154: {  	[hbm4b:s16+s2] =	stream.linear.scatter [tilespmem:s3], [sflag:$0x9], $0x2800, $0x38;
	[tilespmem:$0x8B10] =	vst v63  }
0x155: {  	_ =	swait.ge [sflag:s4], $0x2800  }
0x156: {  	[sflag:s4] =	ssyncset.done $0x0  }
0x157: {  	s15 =	rddreg [dreg:$0x16];
	[sflag:s4] =	ssyncadd.s32 $0xFFFFD800  }
0x158: {  	[tilespmem:s3], [sflag:$0x9] =	stream.linear.gather [spmem:s15], $0x2800, $0x38;
	[tilespmem:$0x8B10] =	vst v63  }
0x159: {  	_ =	swait.ge [sflag:s4], $0x2800  }
0x15a: {  	s16 =	sld [smem:$0x7FD]  }
0x15b: {  	[sflag:s4] =	ssyncset.done $0x0  }
.Ltmp7:
0x15c: {  	[sflag:s4] =	ssyncadd.s32 $0xFFFFD800;
	(pc) =	sbr.rel .LBB2_10-.Ltmp7, $4  }
0x15d: {  	[hbm4b:s16+s2] =	stream.linear.scatter [tilespmem:s3], [sflag:$0x9], $0x2800, $0x38;
	[tilespmem:$0x8B10] =	vst v63  }
0x15e: {  	_ =	swait.ge [sflag:s4], $0x2800  }
0x15f: {  	[sflag:s4] =	ssyncset.done $0x0  }
0x160: {  	[sflag:s4] =	ssyncadd.s32 $0xFFFFD800  }
.LBB2_11:
0x161: {  	_ =	sfence.sel $0x180000  }
0x162: {  	[bflag:$0x0] =	sbarrier.arrive $0xFFFF  }
0x163: {  	_ =	strace $0x9000004A  }
0x164: {  	[bflag:$0x2] =	sbarrier.arrive $0xFFFF  }
0x165: {  	s0 =	rddreg [dreg:$0x3]  }
0x166: {  	s0 =	sadd.s32 @!p0 $0x100000, s0  }
0x167: {  	[sflag:s0] =	ssyncadd.tile.s32 @!p0 $0x1;
	_ =	shalt  }
.Lfunc_end2:
_tile_overlayer_lowered:
.L_overlay_start_2:
0x168: {  	(tag) =	ssettag $0x2  }
0x169: {  	s0 =	rddreg [dreg:$0x0];
	s2 =	stileid.u32  }
0x16a: {  	s1 =	rddreg [dreg:$0x1];
	p0 =	sne.s32 s2, $0x0  }
0x16b: {  	s3 =	rddreg [dreg:$0x2];
	[bflag:$0x3] =	sbarrier.arrive $0xFFFF;
	s2 =	simm.s32 @!p0 $0x1C09  }
0x16c: {  	[timem:s3], [sflag:s2] =	dma.local @!p0 [hbm:s0], s1  }
0x16d: {  	s0 =	simm.s32 @!p0 $0x9  }
0x16e: {  	_ =	swait.ge @!p0 [sflag:s0], s1  }
0x16f: {  	s1 =	ssub.s32 @!p0 $0x0, s1;
	[sflag:s0] =	ssyncset.done @!p0 $0x0  }
0x170: {  	[sflag:s0] =	ssyncadd.s32 @!p0 s1  }
0x171: {  	[bflag:$0x3] =	sbarrier.arrive $0xFFFF  }
0x172: {  	_ =	shalt  }

// kernel: kernel.7.cloned.1.call-start
scs
__scs_entry_jumppad:
0x0: {  	(pc) =	sbr.rel $0x88, $3  }
0x1: {  	(tag) =	ssettag $0x0;
	lr =	simm.s32 $0x1  }
0x2: {  	[smem:$0x3F98] =	sst lr;
	_ =	strace $0xD0000000  }
0x3: {  	_ = 	snop  }
0x4: {  	_ = 	snop  }
0x5: {  	_ = 	snop  }
0x6: {  	_ = 	snop  }
0x7: {  	_ = 	snop  }
__scs_overlays_trampoline_lowered:
0x8: {  	[smem:$0x3FA7] =	sst s0  }
0x9: {  	[smem:$0x3FA8] =	sst s1  }
0xa: {  	[smem:$0x3FA9] =	sst s2  }
0xb: {  	[smem:$0x3FAA] =	sst s3  }
0xc: {  	[smem:$0x3FAB] =	sst s4  }
0xd: {  	[smem:$0x3FAC] =	sst s5  }
0xe: {  	[smem:$0x3FAD] =	sst s6  }
0xf: {  	[smem:$0x3FAE] =	sst s7  }
0x10: {  	[smem:$0x3FAF] =	sst s8  }
0x11: {  	[smem:$0x3FB0] =	sst s9;
	s0 =	simm.s32 @!p0 $0x0  }
0x12: {  	s1 =	sld [smem:$0x3F96];
	s0 =	simm.s32 @p0 $0x1  }
0x13: {  	[smem:$0x3FB1] =	sst s0;
	s0 =	simm.s32 @!p1 $0x0  }
0x14: {  	s2 =	sld [smem:$0x3F95];
	s0 =	simm.s32 @p1 $0x1  }
0x15: {  	[smem:$0x3FB2] =	sst s0;
	s0 =	simm.s32 @!p2 $0x0  }
0x16: {  	s3 =	sld [smem:$0x3FDB];
	s0 =	simm.s32 @p2 $0x1  }
0x17: {  	s4 =	simm.s32 $0x1BF5;
	[smem:$0x3FB4] =	sst s0  }
0x18: {  	s0 =	sld [smem:$0x3F97];
	_ =	swait.ge [sflag:s4], $0x0  }
0x19: {  	s7 =	sld [smem:$0x3F98]  }
0x1a: {  	s8 =	sadd.s32 $0xFFFFE003, lr  }
0x1b: {  	s9 =	sadd.s32 $0xFFFFFEF7, lr;
	s5 =	simm.s32 $0xFFFFFFFF;
	p2 =	slt.u32 s8, $0xFFFFF086  }
0x1c: {  	p1 =	slt.u32 s9, $0xF7A;
	s5 =	simm.s32 @!p2 $0x0  }
0x1d: {  	s5 =	simm.s32 @p1 $0x1;
	p0 =	seq.s32 s7, s2  }
0x1e: {  	s7 =	smul.u32 @!p0 $0xF7A, s2;
	p2 =	seq.s32 @!p0 s5, $0x0  }
0x1f: {  	s9 =	smul.u32 $0xF7A, s1;
	s8 =	simm.s32 @!p0 $0x1BF5;
	p2 =	por !p2, p0  }
0x20: {  	[sflag:s8] =	ssyncset.s32 @!p0 $0xFFFFF086;
	s6 =	sadd.s32 @!p0 s3, s7;
	s7 =	simm.s32 @!p0 $0x108  }
0x21: {  	s3 =	sadd.s32 s3, s9;
	s6 =	sadd.s32 @!p0 $0x88, s6;
	s7 =	simm.s32 @p2 $0x1082  }
0x22: {  	[simem:s7], [sflag:s8] =	dma.local @!p0 [hbm:s6], $0xF7A  }
0x23: {  	s9 =	sor.u32 $0xD0000000, s2;
	s6 =	simm.s32 $0x108;
	_ =	swait.ge @!p0 [sflag:s8], $0x0  }
0x24: {  	s3 =	sadd.s32 $0x88, s3;
	s6 =	simm.s32 @!p1 $0x1082;
	[sflag:s4] =	ssyncset.s32 $0xFFFFF086  }
0x25: {  	[simem:s6], [sflag:s4] =	dma.local [hbm:s3], $0xF7A  }
0x26: {  	[smem:$0x3F98] =	sst s1;
	(tag) =	ssettag s2;
	_ =	strace s9  }
0x27: {  	s1 =	sld [smem:$0x3FA8]  }
0x28: {  	s2 =	sld [smem:$0x3FA9]  }
0x29: {  	s4 =	sld [smem:$0x3FAB]  }
0x2a: {  	p0 =	seq.s32 s5, $0x0;
	s5 =	sld [smem:$0x3FAC]  }
0x2b: {  	s6 =	sld [smem:$0x3FAD]  }
0x2c: {  	s7 =	sld [smem:$0x3FAE]  }
0x2d: {  	s3 =	simm.s32 $0x108;
	s8 =	sld [smem:$0x3FAF]  }
0x2e: {  	s3 =	simm.s32 @!p0 $0x1082;
	s9 =	sld [smem:$0x3FB0]  }
0x2f: {  	lr =	sadd.s32 s0, s3;
	s0 =	sld [smem:$0x3FA7]  }
0x30: {  	s3 =	sld [smem:$0x3FAA]  }
0x31: {  	[smem:$0x3FB3] =	sst s10  }
0x32: {  	s10 =	sld [smem:$0x3FB1];
	_ =	sdelay $0x3  }
0x33: {  	p0 =	seq.s32 s10, $0x1;
	s10 =	sld [smem:$0x3FB3];
	_ =	sdelay $0x3  }
0x34: {  	[smem:$0x3FB3] =	sst s10  }
0x35: {  	s10 =	sld [smem:$0x3FB2];
	_ =	sdelay $0x3  }
0x36: {  	p1 =	seq.s32 s10, $0x1;
	s10 =	sld [smem:$0x3FB3];
	_ =	sdelay $0x3  }
0x37: {  	[smem:$0x3FB3] =	sst s10  }
0x38: {  	s10 =	sld [smem:$0x3FB4]  }
0x39: {  	_ = 	snop;
	(pc) =	sbr.ind lr, $3  }
0x3a: {  	_ = 	snop  }
0x3b: {  	_ = 	snop  }
0x3c: {  	p2 =	seq.s32 s10, $0x1;
	s10 =	sld [smem:$0x3FB3]  }
0x3d: {  	_ =	shalt  }
0x3e: {  	_ =	shalt  }
0x3f: {  	_ =	shalt  }
0x40: {  	_ =	shalt  }
0x41: {  	_ =	shalt  }
0x42: {  	_ =	shalt  }
0x43: {  	_ =	shalt  }
0x44: {  	_ =	shalt  }
0x45: {  	_ =	shalt  }
0x46: {  	_ =	shalt  }
0x47: {  	_ =	shalt  }
0x48: {  	_ =	shalt  }
0x49: {  	_ =	shalt  }
0x4a: {  	_ =	shalt  }
0x4b: {  	_ =	shalt  }
0x4c: {  	_ =	shalt  }
0x4d: {  	_ =	shalt  }
0x4e: {  	_ =	shalt  }
0x4f: {  	_ =	shalt  }
0x50: {  	_ =	shalt  }
0x51: {  	_ =	shalt  }
0x52: {  	_ =	shalt  }
0x53: {  	_ =	shalt  }
0x54: {  	_ =	shalt  }
0x55: {  	_ =	shalt  }
0x56: {  	_ =	shalt  }
0x57: {  	_ =	shalt  }
0x58: {  	_ =	shalt  }
0x59: {  	_ =	shalt  }
0x5a: {  	_ =	shalt  }
0x5b: {  	_ =	shalt  }
0x5c: {  	_ =	shalt  }
0x5d: {  	_ =	shalt  }
0x5e: {  	_ =	shalt  }
0x5f: {  	_ =	shalt  }
0x60: {  	_ =	shalt  }
0x61: {  	_ =	shalt  }
0x62: {  	_ =	shalt  }
0x63: {  	_ =	shalt  }
0x64: {  	_ =	shalt  }
0x65: {  	_ =	shalt  }
0x66: {  	_ =	shalt  }
0x67: {  	_ =	shalt  }
0x68: {  	_ =	shalt  }
0x69: {  	_ =	shalt  }
0x6a: {  	_ =	shalt  }
0x6b: {  	_ =	shalt  }
0x6c: {  	_ =	shalt  }
0x6d: {  	_ =	shalt  }
0x6e: {  	_ =	shalt  }
0x6f: {  	_ =	shalt  }
0x70: {  	_ =	shalt  }
0x71: {  	_ =	shalt  }
0x72: {  	_ =	shalt  }
0x73: {  	_ =	shalt  }
0x74: {  	_ =	shalt  }
0x75: {  	_ =	shalt  }
0x76: {  	_ =	shalt  }
0x77: {  	_ =	shalt  }
0x78: {  	_ =	shalt  }
0x79: {  	_ =	shalt  }
0x7a: {  	_ =	shalt  }
0x7b: {  	_ =	shalt  }
0x7c: {  	_ =	shalt  }
0x7d: {  	_ =	shalt  }
0x7e: {  	_ =	shalt  }
0x7f: {  	_ =	shalt  }
0x80: {  	_ =	shalt  }
0x81: {  	_ =	shalt  }
0x82: {  	_ =	shalt  }
0x83: {  	_ =	shalt  }
0x84: {  	_ =	shalt  }
0x85: {  	_ =	shalt  }
0x86: {  	_ =	shalt  }
0x87: {  	_ =	shalt  }
.Lfunc_end0:
.L_simem_size_0:
called_computation_lowered:
.L_overlay_start_0:
0x88: {  	s2 =	sld [smem:$0x3FD9]  }
0x89: {  	s3 =	sld [smem:$0x3FFE];
	_ =	sdelay $0x1  }
0x8a: {  	s1 =	srdreg.scid  }
0x8b: {  	s0 =	sand.u32 $0x1, s1  }
0x8c: {  	s14 =	sshll.u32 s0, $0xA;
	s2 =	sadd.s32 s3, s2  }
0x8d: {  	s2 =	sadd.s32 s2, s14  }
0x8e: {  	[smem:$0x3FBF] =	sst s2  }
0x8f: {  	_ = 	snop  }
0x90: {  	s2 =	sld [smem:$0x3FD0];
	_ =	sdelay $0x2  }
0x91: {  	s15 =	simm.s32 $0xA;
	s4 =	simm.s32 $0x10  }
0x92: {  	[smem:s4], [sflag:s15] =	dma.local [hbm:s2], $0x1  }
0x93: {  	_ =	swait.eq [sflag:s15], $0x1  }
0x94: {  	[sflag:s15] =	ssyncset.done $0x0  }
0x95: {  	s16 =	sld [smem:$0x10];
	[sflag:s15] =	ssyncadd.s32 $0xFFFFFFFF  }
0x96: {  	s17 =	sld [smem:$0x11];
	(tm) =	ssettm $0x1  }
0x97: {  	s18 =	sld [smem:$0x3FFB];
	_ =	sdelay $0x3  }
0x98: {  	_ =	strace s18  }
0x99: {  	s4 =	sld [smem:$0x3FFC];
	_ =	sdelay $0x3  }
0x9a: {  	_ =	strace s4  }
0x9b: {  	s4 =	sld [smem:$0x3FFD];
	_ =	sdelay $0x3  }
0x9c: {  	_ =	strace s4  }
0x9d: {  	_ =	strace $0x8FFFFFFF  }
0x9e: {  	s19 =	sld [smem:$0x3FDB];
	_ =	sdelay $0x1  }
0x9f: {  	s5 =	simm.s32 $_scs_section_size  }
0xa0: {  	s6 =	simm.s32 $_size__tile_overlayer_lowered;
	s7 =	simm.s32 $_tile_overlayer_lowered  }
0xa1: {  	s22 =	simm.s32 $0x1BFF;
	s21 =	sshll.u32 s7, $0x1;
	s4 =	sadd.s32 s5, s19  }
0xa2: {  	s8 =	simm.s32 $0x0;
	s20 =	sshll.u32 s6, $0x1;
	s6 =	sadd.s32 s21, s4  }
0xa3: {  	[timem:s8], [sflag:s22] =	dma.local [hbm:s6], s20  }
0xa4: {  	_ =	swait.ge [sflag:s22], s20  }
0xa5: {  	s5 =	ssub.s32 $0x0, s20;
	[sflag:s22] =	ssyncset.done $0x0  }
0xa6: {  	[sflag:s22] =	ssyncadd.s32 s5;
	_ =	sdelay $0x1  }
0xa7: {  	s23 =	simm.s32 $0x1B8B  }
0xa8: {  	_ =	swait.ge [sflag:s23], $0x1  }
0xa9: {  	[sflag:s23] =	ssyncset.done $0x0  }
0xaa: {  	s25 =	simm.s32 $0x1B8E;
	s24 =	sld [smem:$0x3FFE];
	[sflag:s23] =	ssyncadd.s32 $0xFFFFFFFF  }
0xab: {  	s26 =	simm.s32 $execute0_lowered;
	[smem:$0x3FD2] =	sst s25  }
0xac: {  	s6 =	sshll.u32 s26, $0x1;
	_ =	strace $0x80000046;
	[dreg:$0x1] =	wrdreg $0xFFFFFFFF  }
0xad: {  	s28 =	simm.s32 $_size_execute0_lowered;
	s4 =	sadd.s32 s4, s6;
	[dreg:$0x0] =	wrdreg $0x0  }
0xae: {  	s6 =	sshll.u32 s28, $0x1;
	[dreg:$0x2] =	wrdreg s4  }
0xaf: {  	[dreg:$0x3] =	wrdreg s6  }
0xb0: {  	[dreg:$0x4] =	wrdreg $0xC0  }
0xb1: {  	_ =	task [dreg:s8], $0x5FFFF  }
0xb2: {  	[dreg:$0x1] =	wrdreg $0xFFFFFFFF  }
0xb3: {  	[dreg:$0x0] =	wrdreg $0x60  }
0xb4: {  	[dreg:$0x2] =	wrdreg s16  }
0xb5: {  	[dreg:$0x3] =	wrdreg s17  }
0xb6: {  	[dreg:$0x4] =	wrdreg s24  }
0xb7: {  	[dreg:$0x5] =	wrdreg $0x9  }
0xb8: {  	_ =	task.clear_ibuf [dreg:s8], $0x6FFFF;
	_ =	strace $0x90000046  }
0xb9: {  	s29 =	simm.s32 $0x9;
	_ =	strace $0x80000048  }
0xba: {  	_ =	swait.ge [sflag:s29], $0x1  }
0xbb: {  	[sflag:s29] =	ssyncadd.s32 $0xFFFFFFFF  }
0xbc: {  	_ =	strace $0x90000048  }
0xbd: {  	_ =	sfence  }
0xbe: {  	s30 =	sld [smem:$0x0];
	_ =	sdelay $0x2  }
0xbf: {  	s31 =	sshll.u32 s1, $0xD;
	s1 =	sshrl.u32 s1, $0x2  }
0xc0: {  	s3 =	sand.u32 $0x4000, s31;
	s1 =	sadd.s32 s1, s30  }
0xc1: {  	s0 =	sor.u32 s3, s0;
	s1 =	sshll.u32 s1, $0x11  }
0xc2: {  	s0 =	sor.u32 s1, s0  }
0xc3: {  	s0 =	sadd.s32 $0x8F2B, s0  }
0xc4: {  	[sflag:s0] =	ssyncadd.remote.s32 $0x1  }
0xc5: {  	_ =	sfence.sel $0xFFFF  }
0xc6: {  	[dreg:$0x0] =	wrdreg $0xFFFFFFFF;
	(pc) =	sbr.abs _section_cstart, $3  }
0xc7: {  	[dreg:$0x1] =	wrdreg $0xFFFFFFFF  }
0xc8: {  	_ =	task.clear_ibuf [dreg:s8], $0x2FFFF;
	_ =	strace $0x9FFFFFFF  }
0xc9: {  	(tm) =	ssettm $0x7FFFFFFF  }
tec
execute0_lowered:
.L_overlay_start_1:
0x0: {  	(tag) =	ssettag $0x1  }
0x1: {  	s1 =	rddreg [dreg:$0x0]  }
0x2: {  	s3 =	rddreg [dreg:$0x1]  }
0x3: {  	s0 =	rddreg [dreg:$0x2]  }
0x4: {  	s2 =	srdreg.scid;
	s5 =	stileid.u32  }
0x5: {  	s4 =	simm.s32 $0x0;
	s12 =	simm.s32 $0x5;
	s13 =	simm.s32 $0x4000  }
0x6: {  	s14 =	simm.s32 $0x50;
	s15 =	simm.s32 $0x8000;
	s16 =	simm.s32 $0xD000  }
0x7: {  	s18 =	simm.s32 $0xA800;
	s19 =	simm.s32 $0x4080;
	s20 =	simm.s32 $0xF800  }
0x8: {  	s21 =	simm.s32 $0x1;
	s22 =	simm.s32 $0x12000;
	s23 =	simm.s32 $0x2  }
0x9: {  	s24 =	simm.s32 $0x14800;
	s25 =	simm.s32 $0x3;
	s26 =	simm.s32 $0x4  }
0xa: {  	s2 =	sand.u32 $0x1, s2;
	s5 =	sshll.u32 s5, $0x1;
	[smem:$0x7FF] =	sst s4  }
0xb: {  	s28 =	simm.s32 $0x0;
	s6 =	sor.u32 s2, s5;
	_ =	strace $0x80000047  }
0xc: {  	s2 =	ssub.s32 $0x2, s2;
	s5 =	sshll.u32 s6, $0xB;
	s9 =	smul.u32 $0x138800, s6  }
0xd: {  	s30 =	sshrl.u32 s2, $0x1;
	s6 =	smul.u32 $0x2710, s6;
	s8 =	sadd.s32 s5, s0  }
0xe: {  	s5 =	sadd.s32 $0x2BE00, s0;
	s0 =	ssub.s32 s2, s30;
	s31 =	sshrl.u32 s9, $0x3  }
0xf: {  	s7 =	sadd.s32 $0x1BE00, s8;
	s8 =	sadd.s32 $0xBE00, s8;
	s2 =	sadd.s32 s5, s31  }
0x10: {  	s9 =	sadd.s32 $0x50, s6;
	s11 =	smax.u32 s0, $0x1;
	s10 =	sadd.s32 $0x26C00, s2  }
.LBB2_1:
0x11: {  	[tilespmem:s4], [sflag:$0x5] =	stream.linear.gather [hbm4b:s7+s4], $0x3E80, $0x38;
	[tilespmem:$0x17000] =	vst v63  }
0x12: {  	_ =	swait.ge [sflag:s12], $0x3E80  }
0x13: {  	[sflag:s12] =	ssyncset.done $0x0  }
0x14: {  	[sflag:s12] =	ssyncadd.s32 $0xFFFFC180  }
0x15: {  	[tilespmem:s13], [sflag:$0x5] =	stream.linear.gather [hbm4b:s8+s4], $0x3E80, $0x38;
	[tilespmem:$0x17000] =	vst v63  }
0x16: {  	_ =	swait.ge [sflag:s12], $0x3E80  }
0x17: {  	[sflag:s12] =	ssyncset.done $0x0  }
0x18: {  	[sflag:s12] =	ssyncadd.s32 $0xFFFFC180  }
0x19: {  	[tilespmem:s15], [sflag:$0x1] =	stream.indirect.gather [hbm4b:s1+s14], $0x80, s4, s14, $0xb8;
	[tilespmem:$0x17000] =	vst v63  }
0x1a: {  	_ = 	snop  }
0x1b: {  	[tilespmem:s16], [sflag:$0x1] =	stream.indirect.gather [hbm4b:s3+s14], $0x80, s13, s14, $0xb8;
	[tilespmem:$0x17000] =	vst v63  }
0x1c: {  	s0 =	simm.s32 $0x80  }
0x1d: {  	[tilespmem:s18], [sflag:$0x2] =	stream.indirect.gather [hbm4b:s1+s14], $0x80, s0, s14, $0xb8;
	[tilespmem:$0x17000] =	vst v63  }
0x1e: {  	s29 =	simm.s32 $0x0  }
0x1f: {  	[tilespmem:s20], [sflag:$0x2] =	stream.indirect.gather [hbm4b:s3+s14], $0x80, s19, s14, $0xb8;
	[tilespmem:$0x17000] =	vst v63  }
.LBB2_2:
0x20: {  	_ =	swait.ge [sflag:s21], $0x2800  }
0x21: {  	[sflag:s21] =	ssyncset.done $0x0  }
0x22: {  	[sflag:s21] =	ssyncadd.s32 $0xFFFFD800  }
0x23: {  	_ =	swait.ge [sflag:s21], $0x2800  }
0x24: {  	p0 =	seq.s32 s29, $0x0;
	[sflag:s21] =	ssyncset.done $0x0  }
0x25: {  	s0 =	simm.s32 @!p0 $0x3;
	[sflag:s21] =	ssyncadd.s32 $0xFFFFD800  }
0x26: {  	_ =	swait.ge @!p0 [sflag:s0], $0x2800  }
0x27: {  	[sflag:s0] =	ssyncset.done @!p0 $0x0  }
0x28: {  	s31 =	simm.s32 $0x0;
	[sflag:s0] =	ssyncadd.s32 @!p0 $0xFFFFD800  }
0x29: {  	v0 =	vld [tilespmem:s31+$0x8070]  }
0x2a: {  	v1 =	vld [tilespmem:s31+$0xD070]  }
0x2b: {  	v2 =	vld [tilespmem:s31+$0x8000]  }
0x2c: {  	v3 =	vld [tilespmem:s31+$0xD000]  }
0x2d: {  	v4 =	vld [tilespmem:s31+$0x8010]  }
0x2e: {  	v5 =	vld [tilespmem:s31+$0xD010]  }
0x2f: {  	v6 =	vld [tilespmem:s31+$0x8020]  }
0x30: {  	v7 =	vld [tilespmem:s31+$0x8030]  }
0x31: {  	v0 =	vadd.f32 v1, v0;
	v1 =	vld [tilespmem:s31+$0xD020]  }
0x32: {  	v8 =	vld [tilespmem:s31+$0xD030]  }
0x33: {  	v9 =	vld [tilespmem:s31+$0xD040];
	v2 =	vadd.f32 v3, v2  }
0x34: {  	[tilespmem:s31+$0x12070] =	vst v0;
	v0 =	vadd.f32 v5, v4;
	v5 =	vld [tilespmem:s31+$0x8040]  }
0x35: {  	v3 =	vld [tilespmem:s31+$0xD050];
	[tilespmem:s31+$0x12000] =	vst v2  }
0x36: {  	v2 =	vld [tilespmem:s31+$0x8050];
	[tilespmem:s31+$0x12010] =	vst v0;
	v0 =	vadd.f32 v1, v6  }
0x37: {  	v4 =	vld [tilespmem:s31+$0xD060];
	v6 =	vadd.f32 v8, v7  }
0x38: {  	s0 =	simm.s32 $0x80;
	[tilespmem:s31+$0x12020] =	vst v0;
	v0 =	vld [tilespmem:s31+$0x8060]  }
0x39: {  	s30 =	sshll.u32 s29, $0x8;
	s2 =	simm.s32 $0x400;
	v5 =	vadd.f32 v9, v5;
	v1 =	vld [tilespmem:s0+$0x8070];
	[tilespmem:s31+$0x12030] =	vst v6  }
.LBB2_3:
0x3a: {  	p1 =	sne.s32 s2, $0x9E00;
	v6 =	vld [tilespmem:s0+$0xD070]  }
0x3b: {  	v7 =	vld [tilespmem:s0+$0x8000];
	[tilespmem:s31+$0x12040] =	vst v5;
	v2 =	vadd.f32 v3, v2  }
0x3c: {  	v3 =	vld [tilespmem:s0+$0xD000]  }
0x3d: {  	v5 =	vld [tilespmem:s0+$0x8010];
	[tilespmem:s31+$0x12050] =	vst v2;
	v0 =	vadd.f32 v4, v0  }
0x3e: {  	v2 =	vld [tilespmem:s0+$0xD010]  }
0x3f: {  	v4 =	vld [tilespmem:s0+$0x8020];
	v1 =	vadd.f32 v6, v1;
	[tilespmem:s31+$0x12060] =	vst v0;
	s31 =	smov.u32 s0  }
0x40: {  	v0 =	vld [tilespmem:s31+$0xD020]  }
0x41: {  	v3 =	vadd.f32 v3, v7;
	v6 =	vld [tilespmem:s31+$0x8030];
	[tilespmem:s31+$0x12070] =	vst v1  }
0x42: {  	v1 =	vld [tilespmem:s31+$0xD030]  }
0x43: {  	[tilespmem:s31+$0x12000] =	vst v3;
	v2 =	vadd.f32 v2, v5;
	v5 =	vld [tilespmem:s31+$0x8040]  }
0x44: {  	v7 =	vld [tilespmem:s31+$0xD040]  }
.Ltmp0:
0x45: {  	[tilespmem:s31+$0x12010] =	vst v2;
	v0 =	vadd.f32 v0, v4;
	v2 =	vld [tilespmem:s31+$0x8050];
	(pc) =	sbr.rel @p1 .LBB2_3-.Ltmp0, $4  }
0x46: {  	v3 =	vld [tilespmem:s31+$0xD050]  }
0x47: {  	[tilespmem:s31+$0x12020] =	vst v0;
	v6 =	vadd.f32 v1, v6;
	v0 =	vld [tilespmem:s31+$0x8060]  }
0x48: {  	s0 =	sshra.s32 s2, $0x2;
	v4 =	vld [tilespmem:s31+$0xD060]  }
0x49: {  	s2 =	sadd.s32 $0x200, s2;
	v1 =	vld [tilespmem:s0+$0x8070];
	[tilespmem:s31+$0x12030] =	vst v6;
	v5 =	vadd.f32 v7, v5  }
0x4a: {  	v6 =	vld [tilespmem:s0+$0xD070]  }
0x4b: {  	v7 =	vld [tilespmem:s0+$0x8000];
	[tilespmem:s31+$0x12040] =	vst v5;
	v2 =	vadd.f32 v3, v2  }
0x4c: {  	v3 =	vld [tilespmem:s0+$0xD000]  }
0x4d: {  	v5 =	vld [tilespmem:s0+$0x8010];
	[tilespmem:s31+$0x12050] =	vst v2;
	v0 =	vadd.f32 v4, v0  }
0x4e: {  	v2 =	vld [tilespmem:s0+$0xD010]  }
0x4f: {  	v4 =	vld [tilespmem:s0+$0x8020];
	[tilespmem:s31+$0x12060] =	vst v0  }
0x50: {  	v0 =	vadd.f32 v6, v1;
	v1 =	vld [tilespmem:s0+$0xD020]  }
0x51: {  	v6 =	vld [tilespmem:s0+$0x8030]  }
0x52: {  	v3 =	vadd.f32 v3, v7;
	[tilespmem:s0+$0x12070] =	vst v0;
	v0 =	vld [tilespmem:s0+$0xD030]  }
0x53: {  	v7 =	vld [tilespmem:s0+$0xD060]  }
0x54: {  	[tilespmem:s0+$0x12000] =	vst v3;
	v2 =	vadd.f32 v2, v5;
	v3 =	vld [tilespmem:s0+$0x8040]  }
0x55: {  	v5 =	vld [tilespmem:s0+$0xD040]  }
0x56: {  	[tilespmem:s0+$0x12010] =	vst v2;
	v1 =	vadd.f32 v1, v4;
	v2 =	vld [tilespmem:s0+$0x8050]  }
0x57: {  	v4 =	vld [tilespmem:s0+$0xD050]  }
0x58: {  	[tilespmem:s0+$0x12020] =	vst v1;
	v1 =	vld [tilespmem:s0+$0x8060];
	_ =	sdelay $0x1  }
0x59: {  	v0 =	vadd.f32 v0, v6  }
0x5a: {  	v3 =	vadd.f32 v5, v3  }
0x5b: {  	[tilespmem:s0+$0x12030] =	vst v0;
	v0 =	vadd.f32 v4, v2  }
0x5c: {  	[tilespmem:s0+$0x12040] =	vst v3;
	v1 =	vadd.f32 v7, v1  }
0x5d: {  	[tilespmem:s0+$0x12050] =	vst v0  }
0x5e: {  	s17 =	sadd.s32 $0x100, s30;
	s31 =	smul.u32 $0xA0, s29;
	[tilespmem:s0+$0x12060] =	vst v1  }
0x5f: {  	[tilespmem:s15], [sflag:$0x1] =	stream.indirect.gather [hbm4b:s1+s14], $0x80, s17, s14, $0xb8;
	[tilespmem:$0x17000] =	vst v63  }
0x60: {  	s17 =	sadd.s32 s6, s31  }
0x61: {  	s2 =	sadd.s32 $0x4100, s30;
	s0 =	sshll.u32 s17, $0x4  }
0x62: {  	[tilespmem:s16], [sflag:$0x1] =	stream.indirect.gather [hbm4b:s3+s14], $0x80, s2, s14, $0xb8;
	[tilespmem:$0x17000] =	vst v63  }
0x63: {  	s0 =	sadd.s32 s5, s0  }
0x64: {  	[hbm4b:s0+s4] =	stream.linear.scatter [tilespmem:s22], [sflag:$0x3], $0x2800, $0x38;
	[tilespmem:$0x17000] =	vst v63  }
0x65: {  	_ =	swait.ge [sflag:s23], $0x2800  }
0x66: {  	[sflag:s23] =	ssyncset.done $0x0  }
0x67: {  	[sflag:s23] =	ssyncadd.s32 $0xFFFFD800  }
0x68: {  	_ =	swait.ge [sflag:s23], $0x2800  }
0x69: {  	[sflag:s23] =	ssyncset.done $0x0  }
0x6a: {  	s0 =	simm.s32 @!p0 $0x4;
	[sflag:s23] =	ssyncadd.s32 $0xFFFFD800  }
0x6b: {  	_ =	swait.ge @!p0 [sflag:s0], $0x2800  }
0x6c: {  	[sflag:s0] =	ssyncset.done @!p0 $0x0  }
0x6d: {  	[sflag:s0] =	ssyncadd.s32 @!p0 $0xFFFFD800;
	s0 =	simm.s32 $0x0  }
0x6e: {  	v0 =	vld [tilespmem:s0+$0xA870]  }
0x6f: {  	v1 =	vld [tilespmem:s0+$0xF870]  }
0x70: {  	v2 =	vld [tilespmem:s0+$0xA800]  }
0x71: {  	v3 =	vld [tilespmem:s0+$0xF800]  }
0x72: {  	v4 =	vld [tilespmem:s0+$0xA810]  }
0x73: {  	v5 =	vld [tilespmem:s0+$0xF810]  }
0x74: {  	v6 =	vld [tilespmem:s0+$0xA820]  }
0x75: {  	v7 =	vld [tilespmem:s0+$0xA830]  }
0x76: {  	v0 =	vadd.f32 v1, v0;
	v1 =	vld [tilespmem:s0+$0xF820]  }
0x77: {  	v8 =	vld [tilespmem:s0+$0xF830]  }
0x78: {  	v9 =	vld [tilespmem:s0+$0xF840];
	v2 =	vadd.f32 v3, v2  }
0x79: {  	[tilespmem:s0+$0x14870] =	vst v0;
	v0 =	vadd.f32 v5, v4;
	v5 =	vld [tilespmem:s0+$0xA840]  }
0x7a: {  	v3 =	vld [tilespmem:s0+$0xF850];
	[tilespmem:s0+$0x14800] =	vst v2  }
0x7b: {  	v2 =	vld [tilespmem:s0+$0xA850];
	[tilespmem:s0+$0x14810] =	vst v0;
	v0 =	vadd.f32 v1, v6  }
0x7c: {  	v4 =	vld [tilespmem:s0+$0xF860];
	v6 =	vadd.f32 v8, v7  }
0x7d: {  	s2 =	simm.s32 $0x80;
	[tilespmem:s0+$0x14820] =	vst v0;
	v0 =	vld [tilespmem:s0+$0xA860]  }
0x7e: {  	s17 =	simm.s32 $0x400;
	v5 =	vadd.f32 v9, v5;
	v1 =	vld [tilespmem:s2+$0xA870];
	[tilespmem:s0+$0x14830] =	vst v6  }
.LBB2_5:
0x7f: {  	p0 =	sne.s32 s17, $0x9E00;
	v6 =	vld [tilespmem:s2+$0xF870]  }
0x80: {  	v7 =	vld [tilespmem:s2+$0xA800];
	[tilespmem:s0+$0x14840] =	vst v5;
	v2 =	vadd.f32 v3, v2  }
0x81: {  	v3 =	vld [tilespmem:s2+$0xF800]  }
0x82: {  	v5 =	vld [tilespmem:s2+$0xA810];
	[tilespmem:s0+$0x14850] =	vst v2;
	v0 =	vadd.f32 v4, v0  }
0x83: {  	v2 =	vld [tilespmem:s2+$0xF810]  }
0x84: {  	v4 =	vld [tilespmem:s2+$0xA820];
	v1 =	vadd.f32 v6, v1;
	[tilespmem:s0+$0x14860] =	vst v0;
	s0 =	smov.u32 s2  }
0x85: {  	v0 =	vld [tilespmem:s0+$0xF820]  }
0x86: {  	v3 =	vadd.f32 v3, v7;
	v6 =	vld [tilespmem:s0+$0xA830];
	[tilespmem:s0+$0x14870] =	vst v1  }
0x87: {  	v1 =	vld [tilespmem:s0+$0xF830]  }
0x88: {  	[tilespmem:s0+$0x14800] =	vst v3;
	v2 =	vadd.f32 v2, v5;
	v5 =	vld [tilespmem:s0+$0xA840]  }
0x89: {  	v7 =	vld [tilespmem:s0+$0xF840]  }
.Ltmp1:
0x8a: {  	[tilespmem:s0+$0x14810] =	vst v2;
	v0 =	vadd.f32 v0, v4;
	v2 =	vld [tilespmem:s0+$0xA850];
	(pc) =	sbr.rel @p0 .LBB2_5-.Ltmp1, $4  }
0x8b: {  	v3 =	vld [tilespmem:s0+$0xF850]  }
0x8c: {  	[tilespmem:s0+$0x14820] =	vst v0;
	v6 =	vadd.f32 v1, v6;
	v0 =	vld [tilespmem:s0+$0xA860]  }
0x8d: {  	s2 =	sshra.s32 s17, $0x2;
	v4 =	vld [tilespmem:s0+$0xF860]  }
0x8e: {  	s17 =	sadd.s32 $0x200, s17;
	v1 =	vld [tilespmem:s2+$0xA870];
	[tilespmem:s0+$0x14830] =	vst v6;
	v5 =	vadd.f32 v7, v5  }
0x8f: {  	v6 =	vld [tilespmem:s2+$0xF870]  }
0x90: {  	v7 =	vld [tilespmem:s2+$0xA800];
	[tilespmem:s0+$0x14840] =	vst v5;
	v2 =	vadd.f32 v3, v2  }
0x91: {  	v51 =	vld [tilespmem:s2+$0xF800]  }
0x92: {  	v5 =	vld [tilespmem:s2+$0xA810];
	[tilespmem:s0+$0x14850] =	vst v2;
	v0 =	vadd.f32 v4, v0  }
0x93: {  	v2 =	vld [tilespmem:s2+$0xF810]  }
0x94: {  	v52 =	vld [tilespmem:s2+$0xA820];
	[tilespmem:s0+$0x14860] =	vst v0  }
0x95: {  	v54 =	vld [tilespmem:s2+$0xF820]  }
0x96: {  	v55 =	vld [tilespmem:s2+$0xA830]  }
0x97: {  	v56 =	vld [tilespmem:s2+$0xF830]  }
0x98: {  	v57 =	vld [tilespmem:s2+$0xA840]  }
0x99: {  	v58 =	vld [tilespmem:s2+$0xF840]  }
0x9a: {  	v59 =	vld [tilespmem:s2+$0xA850]  }
0x9b: {  	v53 =	vadd.f32 v6, v1;
	v60 =	vld [tilespmem:s2+$0xF850]  }
0x9c: {  	v61 =	vld [tilespmem:s2+$0xA860];
	v3 =	vadd.f32 v51, v7  }
0x9d: {  	v62 =	vld [tilespmem:s2+$0xF860];
	[tilespmem:s2+$0x14870] =	vst v53;
	v2 =	vadd.f32 v2, v5  }
0x9e: {  	[tilespmem:s2+$0x14800] =	vst v3;
	v1 =	vadd.f32 v54, v52  }
0x9f: {  	[tilespmem:s2+$0x14810] =	vst v2;
	v0 =	vadd.f32 v56, v55  }
0xa0: {  	v3 =	vadd.f32 v58, v57;
	[tilespmem:s2+$0x14820] =	vst v1  }
0xa1: {  	v63 =	vadd.f32 v60, v59;
	[tilespmem:s2+$0x14830] =	vst v0  }
0xa2: {  	[tilespmem:s2+$0x14840] =	vst v3;
	v1 =	vadd.f32 v62, v61  }
0xa3: {  	p0 =	seq.s32 s29, $0x3D;
	[tilespmem:s2+$0x14850] =	vst v63  }
0xa4: {  	s17 =	simm.s32 @!p0 $0xA800;
	s0 =	sadd.s32 @!p0 $0x180, s30;
	[tilespmem:s2+$0x14860] =	vst v1;
	s2 =	simm.s32 @!p0 $0x50  }
0xa5: {  	[tilespmem:s17], [sflag:$0x2] =	stream.indirect.gather @!p0 [hbm4b:s1+s2], $0x80, s0, s2, $0xb8;
	[tilespmem:$0x17000] =	vst v63  }
0xa6: {  	s29 =	sadd.s32 $0x1, s29;
	s0 =	sadd.s32 @!p0 $0x4180, s30;
	s17 =	simm.s32 @!p0 $0xF800  }
0xa7: {  	[tilespmem:s17], [sflag:$0x2] =	stream.indirect.gather @!p0 [hbm4b:s3+s2], $0x80, s0, s2, $0xb8;
	[tilespmem:$0x17000] =	vst v63  }
0xa8: {  	p0 =	sne.s32 s29, $0x3E  }
.Ltmp2:
0xa9: {  	_ = 	snop;
	(pc) =	sbr.rel @p0 .LBB2_2-.Ltmp2, $4  }
0xaa: {  	s31 =	sadd.s32 s9, s31  }
0xab: {  	s0 =	sshll.u32 s31, $0x4  }
0xac: {  	s0 =	sadd.s32 s5, s0  }
0xad: {  	[hbm4b:s0+s4] =	stream.linear.scatter [tilespmem:s24], [sflag:$0x4], $0x2800, $0x38;
	[tilespmem:$0x17000] =	vst v63  }
0xae: {  	_ =	swait.ge [sflag:s21], $0x2800  }
0xaf: {  	[sflag:s21] =	ssyncset.done $0x0  }
0xb0: {  	[sflag:s21] =	ssyncadd.s32 $0xFFFFD800  }
0xb1: {  	_ =	swait.ge [sflag:s21], $0x2800  }
0xb2: {  	[sflag:s21] =	ssyncset.done $0x0  }
0xb3: {  	[sflag:s21] =	ssyncadd.s32 $0xFFFFD800  }
0xb4: {  	_ =	swait.ge [sflag:s25], $0x2800  }
0xb5: {  	[sflag:s25] =	ssyncset.done $0x0  }
0xb6: {  	s0 =	simm.s32 $0x0;
	[sflag:s25] =	ssyncadd.s32 $0xFFFFD800  }
0xb7: {  	v0 =	vld [tilespmem:s0+$0x8070]  }
0xb8: {  	v1 =	vld [tilespmem:s0+$0xD070]  }
0xb9: {  	v2 =	vld [tilespmem:s0+$0x8000]  }
0xba: {  	v3 =	vld [tilespmem:s0+$0xD000]  }
0xbb: {  	v4 =	vld [tilespmem:s0+$0x8010]  }
0xbc: {  	v5 =	vld [tilespmem:s0+$0xD010]  }
0xbd: {  	v6 =	vld [tilespmem:s0+$0x8020]  }
0xbe: {  	v7 =	vld [tilespmem:s0+$0x8030]  }
0xbf: {  	v0 =	vadd.f32 v1, v0;
	v1 =	vld [tilespmem:s0+$0xD020]  }
0xc0: {  	v8 =	vld [tilespmem:s0+$0xD030]  }
0xc1: {  	v9 =	vld [tilespmem:s0+$0xD040];
	v2 =	vadd.f32 v3, v2  }
0xc2: {  	[tilespmem:s0+$0x12070] =	vst v0;
	v0 =	vadd.f32 v5, v4;
	v5 =	vld [tilespmem:s0+$0x8040]  }
0xc3: {  	v3 =	vld [tilespmem:s0+$0xD050];
	[tilespmem:s0+$0x12000] =	vst v2  }
0xc4: {  	v2 =	vld [tilespmem:s0+$0x8050];
	[tilespmem:s0+$0x12010] =	vst v0;
	v0 =	vadd.f32 v1, v6  }
0xc5: {  	v4 =	vld [tilespmem:s0+$0xD060];
	v6 =	vadd.f32 v8, v7  }
0xc6: {  	s2 =	simm.s32 $0x80;
	[tilespmem:s0+$0x12020] =	vst v0;
	v0 =	vld [tilespmem:s0+$0x8060]  }
0xc7: {  	s17 =	simm.s32 $0x400;
	v5 =	vadd.f32 v9, v5;
	v1 =	vld [tilespmem:s2+$0x8070];
	[tilespmem:s0+$0x12030] =	vst v6  }
.LBB2_8:
0xc8: {  	p0 =	sne.s32 s17, $0x9E00;
	v6 =	vld [tilespmem:s2+$0xD070]  }
0xc9: {  	v7 =	vld [tilespmem:s2+$0x8000];
	[tilespmem:s0+$0x12040] =	vst v5;
	v2 =	vadd.f32 v3, v2  }
0xca: {  	v3 =	vld [tilespmem:s2+$0xD000]  }
0xcb: {  	v5 =	vld [tilespmem:s2+$0x8010];
	[tilespmem:s0+$0x12050] =	vst v2;
	v0 =	vadd.f32 v4, v0  }
0xcc: {  	v2 =	vld [tilespmem:s2+$0xD010]  }
0xcd: {  	v4 =	vld [tilespmem:s2+$0x8020];
	v1 =	vadd.f32 v6, v1;
	[tilespmem:s0+$0x12060] =	vst v0;
	s0 =	smov.u32 s2  }
0xce: {  	v0 =	vld [tilespmem:s0+$0xD020]  }
0xcf: {  	v3 =	vadd.f32 v3, v7;
	v6 =	vld [tilespmem:s0+$0x8030];
	[tilespmem:s0+$0x12070] =	vst v1  }
0xd0: {  	v1 =	vld [tilespmem:s0+$0xD030]  }
0xd1: {  	[tilespmem:s0+$0x12000] =	vst v3;
	v2 =	vadd.f32 v2, v5;
	v5 =	vld [tilespmem:s0+$0x8040]  }
0xd2: {  	v7 =	vld [tilespmem:s0+$0xD040]  }
.Ltmp3:
0xd3: {  	[tilespmem:s0+$0x12010] =	vst v2;
	v0 =	vadd.f32 v0, v4;
	v2 =	vld [tilespmem:s0+$0x8050];
	(pc) =	sbr.rel @p0 .LBB2_8-.Ltmp3, $4  }
0xd4: {  	v3 =	vld [tilespmem:s0+$0xD050]  }
0xd5: {  	[tilespmem:s0+$0x12020] =	vst v0;
	v6 =	vadd.f32 v1, v6;
	v0 =	vld [tilespmem:s0+$0x8060]  }
0xd6: {  	s2 =	sshra.s32 s17, $0x2;
	v4 =	vld [tilespmem:s0+$0xD060]  }
0xd7: {  	s17 =	sadd.s32 $0x200, s17;
	v1 =	vld [tilespmem:s2+$0x8070];
	[tilespmem:s0+$0x12030] =	vst v6;
	v5 =	vadd.f32 v7, v5  }
0xd8: {  	v6 =	vld [tilespmem:s2+$0xD070]  }
0xd9: {  	v7 =	vld [tilespmem:s2+$0x8000];
	[tilespmem:s0+$0x12040] =	vst v5;
	v2 =	vadd.f32 v3, v2  }
0xda: {  	v51 =	vld [tilespmem:s2+$0xD000]  }
0xdb: {  	v5 =	vld [tilespmem:s2+$0x8010];
	[tilespmem:s0+$0x12050] =	vst v2;
	v0 =	vadd.f32 v4, v0  }
0xdc: {  	v2 =	vld [tilespmem:s2+$0xD010]  }
0xdd: {  	v52 =	vld [tilespmem:s2+$0x8020];
	[tilespmem:s0+$0x12060] =	vst v0  }
0xde: {  	v54 =	vld [tilespmem:s2+$0xD020]  }
0xdf: {  	v55 =	vld [tilespmem:s2+$0x8030]  }
0xe0: {  	v56 =	vld [tilespmem:s2+$0xD030]  }
0xe1: {  	v57 =	vld [tilespmem:s2+$0x8040]  }
0xe2: {  	v58 =	vld [tilespmem:s2+$0xD040]  }
0xe3: {  	v59 =	vld [tilespmem:s2+$0x8050]  }
0xe4: {  	v53 =	vadd.f32 v6, v1;
	v60 =	vld [tilespmem:s2+$0xD050]  }
0xe5: {  	v61 =	vld [tilespmem:s2+$0x8060];
	v3 =	vadd.f32 v51, v7  }
0xe6: {  	v62 =	vld [tilespmem:s2+$0xD060];
	[tilespmem:s2+$0x12070] =	vst v53;
	v2 =	vadd.f32 v2, v5  }
0xe7: {  	[tilespmem:s2+$0x12000] =	vst v3;
	v1 =	vadd.f32 v54, v52  }
0xe8: {  	[tilespmem:s2+$0x12010] =	vst v2;
	v0 =	vadd.f32 v56, v55  }
0xe9: {  	v3 =	vadd.f32 v58, v57;
	[tilespmem:s2+$0x12020] =	vst v1  }
0xea: {  	v63 =	vadd.f32 v60, v59;
	[tilespmem:s2+$0x12030] =	vst v0  }
0xeb: {  	[tilespmem:s2+$0x12040] =	vst v3;
	v1 =	vadd.f32 v62, v61  }
0xec: {  	[tilespmem:s2+$0x12050] =	vst v63  }
0xed: {  	s28 =	sadd.s32 $0x1, s28;
	[tilespmem:s2+$0x12060] =	vst v1  }
0xee: {  	[hbm4b:s10+s4] =	stream.linear.scatter [tilespmem:s22], [sflag:$0x3], $0x2800, $0x38;
	[tilespmem:$0x17000] =	vst v63  }
0xef: {  	p0 =	sne.s32 s28, s11;
	_ =	swait.ge [sflag:s25], $0x2800  }
.Ltmp4:
0xf0: {  	[sflag:s25] =	ssyncset.done $0x0;
	(pc) =	sbr.rel @p0 .LBB2_1-.Ltmp4, $4  }
0xf1: {  	[sflag:s25] =	ssyncadd.s32 $0xFFFFD800  }
0xf2: {  	_ =	swait.ge [sflag:s26], $0x2800  }
0xf3: {  	[sflag:s26] =	ssyncset.done $0x0  }
0xf4: {  	[sflag:s26] =	ssyncadd.s32 $0xFFFFD800  }
0xf5: {  	_ =	sfence.sel $0x180000  }
0xf6: {  	[bflag:$0x0] =	sbarrier.arrive $0xFFFF  }
0xf7: {  	_ =	strace $0x90000047  }
0xf8: {  	s0 =	stileid.u32;
	[bflag:$0x2] =	sbarrier.arrive $0xFFFF  }
0xf9: {  	p0 =	sne.s32 s0, $0x0;
	s0 =	rddreg [dreg:$0x3]  }
0xfa: {  	s0 =	sadd.s32 @!p0 $0x100000, s0  }
0xfb: {  	[sflag:s0] =	ssyncadd.tile.s32 @!p0 $0x1;
	_ =	shalt  }
.Lfunc_end2:
_tile_overlayer_lowered:
.L_overlay_start_2:
0xfc: {  	(tag) =	ssettag $0x2  }
0xfd: {  	s0 =	rddreg [dreg:$0x0];
	s2 =	stileid.u32  }
0xfe: {  	s1 =	rddreg [dreg:$0x1];
	p0 =	sne.s32 s2, $0x0  }
0xff: {  	s3 =	rddreg [dreg:$0x2];
	[bflag:$0x3] =	sbarrier.arrive $0xFFFF;
	s2 =	simm.s32 @!p0 $0x1C05  }
0x100: {  	[timem:s3], [sflag:s2] =	dma.local @!p0 [hbm:s0], s1  }
0x101: {  	s0 =	simm.s32 @!p0 $0x5  }
0x102: {  	_ =	swait.ge @!p0 [sflag:s0], s1  }
0x103: {  	s1 =	ssub.s32 @!p0 $0x0, s1;
	[sflag:s0] =	ssyncset.done @!p0 $0x0  }
0x104: {  	[sflag:s0] =	ssyncadd.s32 @!p0 s1  }
0x105: {  	[bflag:$0x3] =	sbarrier.arrive $0xFFFF  }
0x106: {  	_ =	shalt  }

</sc_bundles>
